<compile_context>
chip_gen: v7x
topology: tpu7x:2x2x1
jax: 0.10.2.dev20260603
libtpu: 0.0.44.dev20260713+nightly
codegen_flags: <defaults>
</compile_context>

<pallas_src>
import functools

import jax
import jax.numpy as jnp
from jax import lax
from jax.experimental import pallas as pl
from jax.experimental.pallas import tpu as pltpu
from jax.experimental.pallas import tpu_sc as plsc

EPS = 1.0
LAMB = 0.5

B = 2_000_000
LANES = 128
R = B // LANES
CHR = 25
CHE = CHR * LANES
NCH = R // CHR
NC, NS = 2, 16
NW = NC * NS
TPW = (NCH + NW - 1) // NW


def _sc_gather_kernel(n_mu, n_s2, e_mu, e_s2, bnk, bek,
                      g_nmu, g_ns2, g_emu, g_es2,
                      keys_v, ga_v, gb_v, sem):
    wid = lax.axis_index("s") * NC + lax.axis_index("c")

    for keys_hbm, tab_a, tab_b, out_a, out_b in (
        (bnk, n_mu, n_s2, g_nmu, g_ns2),
        (bek, e_mu, e_s2, g_emu, g_es2),
    ):
        def body(t, _, keys_hbm=keys_hbm, tab_a=tab_a, tab_b=tab_b,
                 out_a=out_a, out_b=out_b):
            ch = t * NW + wid

            @pl.when(ch < NCH)
            def _():
                base = ch * CHE
                pltpu.sync_copy(keys_hbm.at[pl.ds(base, CHE)], keys_v)
                copies = []
                for j in range(CHR):
                    krow = keys_v.at[pl.ds(j * LANES, LANES)]
                    copies.append(pltpu.async_copy(
                        tab_a.at[krow], ga_v.at[pl.ds(j * LANES, LANES)], sem))
                    copies.append(pltpu.async_copy(
                        tab_b.at[krow], gb_v.at[pl.ds(j * LANES, LANES)], sem))
                for c in copies:
                    c.wait()
                pltpu.sync_copy(ga_v, out_a.at[pl.ds(base, CHE)])
                pltpu.sync_copy(gb_v, out_b.at[pl.ds(base, CHE)])

            return 0

        lax.fori_loop(0, TPW, body, 0)


def _sc_gather(n_mu, n_s2, e_mu, e_s2, bnk, bek):
    f32 = jnp.float32
    out = jax.ShapeDtypeStruct((B,), f32)
    return pl.kernel(
        _sc_gather_kernel,
        out_type=(out, out, out, out),
        mesh=plsc.VectorSubcoreMesh(core_axis_name="c", subcore_axis_name="s",
                                    num_cores=NC, num_subcores=NS),
        scratch_types=(
            pltpu.VMEM((CHE,), jnp.int32),
            pltpu.VMEM((CHE,), f32),
            pltpu.VMEM((CHE,), f32),
            pltpu.SemaphoreType.DMA,
        ),
    )(n_mu, n_s2, e_mu, e_s2, bnk, bek)


TC_BLK = 1024
TC_GRID = (R + TC_BLK - 1) // TC_BLK


def _tc_loss_kernel(nmu, ns2, vn, emu, es2, ve, out_ref):
    i = pl.program_id(0)
    rows = lax.broadcasted_iota(jnp.int32, (TC_BLK, LANES), 0) + i * TC_BLK
    mask = rows < R

    tn = 0.5 * jnp.log(EPS + ns2[...]) + (vn[...] - nmu[...]) ** 2 / (EPS + ns2[...])
    te = 0.5 * jnp.log(EPS + es2[...]) + (ve[...] - emu[...]) ** 2 / (EPS + es2[...])
    part = jnp.sum(jnp.where(mask, LAMB * tn + (1.0 - LAMB) * te, 0.0))

    @pl.when(i == 0)
    def _():
        out_ref[0, 0] = 0.0

    out_ref[0, 0] += part


def _tc_loss(g_nmu, g_ns2, vn_r, g_emu, g_es2, ve_r):
    spec = pl.BlockSpec((TC_BLK, LANES), lambda i: (i, 0))
    out = pl.pallas_call(
        _tc_loss_kernel,
        grid=(TC_GRID,),
        in_specs=[spec] * 6,
        out_specs=pl.BlockSpec(memory_space=pltpu.SMEM),
        out_shape=jax.ShapeDtypeStruct((1, 1), jnp.float32),
    )(g_nmu, g_ns2, vn_r, g_emu, g_es2, ve_r)
    return out[0, 0] / B


def kernel(n_mu, n_sigma2, e_mu, e_sigma2, batch_node_key, batch_node_value,
           batch_edge_key, batch_edge_value):
    vn_r = batch_node_value[:, 0].reshape(R, LANES)
    ve_r = batch_edge_value[:, 0].reshape(R, LANES)

    g_nmu, g_ns2, g_emu, g_es2 = _sc_gather(n_mu, n_sigma2, e_mu, e_sigma2,
                                            batch_node_key, batch_edge_key)
    return _tc_loss(g_nmu.reshape(R, LANES), g_ns2.reshape(R, LANES), vn_r,
                    g_emu.reshape(R, LANES), g_es2.reshape(R, LANES), ve_r)

# --- scband reference (transcript-rebuilt; emitter-appended) ---
"""Pipeline reference for scband-test-nllloss-6296422056084 (READ-ONLY COPY).

The authoritative reference and input builder live on the scoring server;
editing this copy changes nothing except your own understanding.
"""

import jax, jax.numpy as jnp
import numpy as np

EPS = 1.0
LAMB = 0.5

def setup_inputs(seed: int = 0) -> dict:
    key = jax.random.key(seed)
    ks = jax.random.split(key, 8)
    n_nodes = 100000
    n_edges = 6400000
    bn = 2000000
    be = 2000000
    return {
        "n_mu": jax.random.normal(ks[0], (n_nodes,), dtype=jnp.float32),
        "n_sigma2": jax.random.uniform(ks[1], (n_nodes,), dtype=jnp.float32),
        "e_mu": jax.random.normal(ks[2], (n_edges,), dtype=jnp.float32),
        "e_sigma2": jax.random.uniform(ks[3], (n_edges,), dtype=jnp.float32),
        "batch_node_key": jax.random.randint(ks[4], (bn,), 0, n_nodes, dtype=jnp.int64 if jax.config.jax_enable_x64 else jnp.int32),
        "batch_node_value": jax.random.normal(ks[5], (bn, 2), dtype=jnp.float32),
        "batch_edge_key": jax.random.randint(ks[6], (be,), 0, n_edges, dtype=jnp.int64 if jax.config.jax_enable_x64 else jnp.int32),
        "batch_edge_value": jax.random.normal(ks[7], (be, 2), dtype=jnp.float32),
    }

def reference(n_mu, n_sigma2, e_mu, e_sigma2, batch_node_key, batch_node_value, batch_edge_key, batch_edge_value):
    pre_node_mu = jnp.take(n_mu, batch_node_key)
    pre_node_sigma2 = jnp.take(n_sigma2, batch_node_key)
    pre_edge_mu = jnp.take(e_mu, batch_edge_key)
    pre_edge_sigma2 = jnp.take(e_sigma2, batch_edge_key)
    node_loss = jnp.mean(0.5 * jnp.log(EPS + pre_node_sigma2) + (batch_node_value[:, 0] - pre_node_mu) ** 2 / (EPS + pre_node_sigma2))
    edge_loss = jnp.mean(0.5 * jnp.log(EPS + pre_edge_sigma2) + (batch_edge_value[:, 0] - pre_edge_mu) ** 2 / (EPS + pre_edge_sigma2))
    return node_loss * LAMB + edge_loss * (1.0 - LAMB)

if __name__ == "__main__":
    import jax
    _d = setup_inputs()
    print(jax.jit(kernel)(*tuple(_d.values())))

</pallas_src>

<mosaic_0001>
#map = affine_map<(d0, d1) -> (0)>
module attributes {stable_mosaic.version = 14 : i64} {
  func.func @_sc_gather_kernel(%arg0: i32, %arg1: i32, %arg2: memref<100000xf32, #tpu.memory_space<hbm>>, %arg3: memref<100000xf32, #tpu.memory_space<hbm>>, %arg4: memref<6400000xf32, #tpu.memory_space<hbm>>, %arg5: memref<6400000xf32, #tpu.memory_space<hbm>>, %arg6: memref<2000000xi32, #tpu.memory_space<hbm>>, %arg7: memref<2000000xi32, #tpu.memory_space<hbm>>, %arg8: memref<2000000xf32, #tpu.memory_space<hbm>>, %arg9: memref<2000000xf32, #tpu.memory_space<hbm>>, %arg10: memref<2000000xf32, #tpu.memory_space<hbm>>, %arg11: memref<2000000xf32, #tpu.memory_space<hbm>>, %arg12: memref<3200xi32, #tpu.memory_space<vmem>>, %arg13: memref<3200xf32, #tpu.memory_space<vmem>>, %arg14: memref<3200xf32, #tpu.memory_space<vmem>>, %arg15: memref<!tpu.dma_semaphore, #tpu.memory_space<semaphore_mem>>) attributes {dimension_semantics = [#tpu.dimension_semantics<core_parallel>, #tpu.dimension_semantics<subcore_parallel>], iteration_bounds = array<i64: 2, 16>, scalar_prefetch = 0 : i64, scratch_operands = 4 : i64, tpu.core_type = #tpu.core_type<sc_vector_subcore>, window_params = [{transform_indices = #map}, {transform_indices = #map}, {transform_indices = #map}, {transform_indices = #map}, {transform_indices = #map}, {transform_indices = #map}, {transform_indices = #map}, {transform_indices = #map}, {transform_indices = #map}, {transform_indices = #map}]} {
    %mul3A = arith.constant 2 : i32
    %mul3A_0 = arith.muli %arg1, %mul3A : i32
    %add3A = arith.addi %mul3A_0, %arg0 : i32
    %scan3A = arith.constant 0 : i32
    %scan3A_1 = arith.constant 0 : i32
    %scan3A_2 = arith.constant 20 : i32
    %scan3A_3 = arith.addi %scan3A_1, %scan3A_2 : i32
    %scan3A_4 = arith.constant 1 : i32
    %scan3A_5 = scf.for %scan3A_14 = %scan3A_1 to %scan3A_3 step %scan3A_4 iter_args(%scan3A_15 = %scan3A) -> (i32)  : i32 {
      %mul3A_16 = arith.constant 32 : i32
      %mul3A_17 = arith.muli %scan3A_14, %mul3A_16 : i32
      %add3A_18 = arith.addi %mul3A_17, %add3A : i32
      %lt3A = arith.constant 625 : i32
      %lt3A_19 = arith.cmpi slt, %add3A_18, %lt3A : i32
      %convert_element_type3A = arith.extui %lt3A_19 : i1 to i32
      %cond3A = arith.constant 0 : i32
      %cond3A_20 = arith.cmpi ne, %convert_element_type3A, %cond3A : i32
      scf.if %cond3A_20 {
        %mul3A_22 = arith.constant 3200 : i32
        %mul3A_23 = arith.muli %add3A_18, %mul3A_22 : i32
        "tpu.region"() ({
          %run_scoped3A = tpu.sem_alloc : memref<!tpu.dma_semaphore, #tpu.memory_space<semaphore_mem>>
          %dma_start3A_622 = tpu.memref_slice %arg6[%mul3A_23] : memref<2000000xi32, #tpu.memory_space<hbm>> -> memref<3200xi32, #tpu.memory_space<hbm>>
          %dma_start3A_623 = tpu.memref_slice %arg6[%mul3A_23] : memref<2000000xi32, #tpu.memory_space<hbm>> -> memref<3200xi32, #tpu.memory_space<hbm>>
          tpu.enqueue_dma source(%dma_start3A_623 : memref<3200xi32, #tpu.memory_space<hbm>>) target(%arg12 : memref<3200xi32, #tpu.memory_space<vmem>>) target_semaphore(%run_scoped3A : memref<!tpu.dma_semaphore, #tpu.memory_space<semaphore_mem>>)
          %dma_wait3A_624 = tpu.memref_slice %arg6[%mul3A_23] : memref<2000000xi32, #tpu.memory_space<hbm>> -> memref<3200xi32, #tpu.memory_space<hbm>>
          %dma_wait3A_625 = tpu.memref_slice %arg6[%mul3A_23] : memref<2000000xi32, #tpu.memory_space<hbm>> -> memref<3200xi32, #tpu.memory_space<hbm>>
          tpu.wait_dma2 semaphore(%run_scoped3A : memref<!tpu.dma_semaphore, #tpu.memory_space<semaphore_mem>>) src(%dma_wait3A_625 : memref<3200xi32, #tpu.memory_space<hbm>>) dst(%arg12 : memref<3200xi32, #tpu.memory_space<vmem>>)
          tpu.yield
        }) : () -> ()
        %dma_start3A = arith.constant 0 : i32
        %dma_start3A_24 = tpu.memref_slice %arg13[%dma_start3A] : memref<3200xf32, #tpu.memory_space<vmem>> -> memref<128xf32, #tpu.memory_space<vmem>>
        %dma_start3A_25 = arith.constant 0 : i32
        %dma_start3A_26 = tpu.memref_slice %arg12[%dma_start3A_25] : memref<3200xi32, #tpu.memory_space<vmem>> -> memref<128xi32, #tpu.memory_space<vmem>>
        %dma_start3A_27 = arith.constant 0 : i32
        %dma_start3A_28 = tpu.memref_slice %arg2[%dma_start3A_27] : memref<100000xf32, #tpu.memory_space<hbm>> -> memref<100000xf32, #tpu.memory_space<hbm>>
        tpu.enqueue_indirect_dma source(%dma_start3A_28 : memref<100000xf32, #tpu.memory_space<hbm>>) target(%dma_start3A_24 : memref<128xf32, #tpu.memory_space<vmem>>) offsets(%dma_start3A_26 : memref<128xi32, #tpu.memory_space<vmem>>) semaphore(%arg15 : memref<!tpu.dma_semaphore, #tpu.memory_space<semaphore_mem>>)
        %dma_start3A_29 = arith.constant 0 : i32
        %dma_start3A_30 = tpu.memref_slice %arg14[%dma_start3A_29] : memref<3200xf32, #tpu.memory_space<vmem>> -> memref<128xf32, #tpu.memory_space<vmem>>
        %dma_start3A_31 = arith.constant 0 : i32
        %dma_start3A_32 = tpu.memref_slice %arg12[%dma_start3A_31] : memref<3200xi32, #tpu.memory_space<vmem>> -> memref<128xi32, #tpu.memory_space<vmem>>
        %dma_start3A_33 = arith.constant 0 : i32
        %dma_start3A_34 = tpu.memref_slice %arg3[%dma_start3A_33] : memref<100000xf32, #tpu.memory_space<hbm>> -> memref<100000xf32, #tpu.memory_space<hbm>>
        tpu.enqueue_indirect_dma source(%dma_start3A_34 : memref<100000xf32, #tpu.memory_space<hbm>>) target(%dma_start3A_30 : memref<128xf32, #tpu.memory_space<vmem>>) offsets(%dma_start3A_32 : memref<128xi32, #tpu.memory_space<vmem>>) semaphore(%arg15 : memref<!tpu.dma_semaphore, #tpu.memory_space<semaphore_mem>>)
        %dma_start3A_35 = arith.constant 128 : i32
        %dma_start3A_36 = tpu.memref_slice %arg13[%dma_start3A_35] : memref<3200xf32, #tpu.memory_space<vmem>> -> memref<128xf32, #tpu.memory_space<vmem>>
        %dma_start3A_37 = arith.constant 128 : i32
        %dma_start3A_38 = tpu.memref_slice %arg12[%dma_start3A_37] : memref<3200xi32, #tpu.memory_space<vmem>> -> memref<128xi32, #tpu.memory_space<vmem>>
        %dma_start3A_39 = arith.constant 0 : i32
        %dma_start3A_40 = tpu.memref_slice %arg2[%dma_start3A_39] : memref<100000xf32, #tpu.memory_space<hbm>> -> memref<100000xf32, #tpu.memory_space<hbm>>
        tpu.enqueue_indirect_dma source(%dma_start3A_40 : memref<100000xf32, #tpu.memory_space<hbm>>) target(%dma_start3A_36 : memref<128xf32, #tpu.memory_space<vmem>>) offsets(%dma_start3A_38 : memref<128xi32, #tpu.memory_space<vmem>>) semaphore(%arg15 : memref<!tpu.dma_semaphore, #tpu.memory_space<semaphore_mem>>)
        %dma_start3A_41 = arith.constant 128 : i32
        %dma_start3A_42 = tpu.memref_slice %arg14[%dma_start3A_41] : memref<3200xf32, #tpu.memory_space<vmem>> -> memref<128xf32, #tpu.memory_space<vmem>>
        %dma_start3A_43 = arith.constant 128 : i32
        %dma_start3A_44 = tpu.memref_slice %arg12[%dma_start3A_43] : memref<3200xi32, #tpu.memory_space<vmem>> -> memref<128xi32, #tpu.memory_space<vmem>>
        %dma_start3A_45 = arith.constant 0 : i32
        %dma_start3A_46 = tpu.memref_slice %arg3[%dma_start3A_45] : memref<100000xf32, #tpu.memory_space<hbm>> -> memref<100000xf32, #tpu.memory_space<hbm>>
        tpu.enqueue_indirect_dma source(%dma_start3A_46 : memref<100000xf32, #tpu.memory_space<hbm>>) target(%dma_start3A_42 : memref<128xf32, #tpu.memory_space<vmem>>) offsets(%dma_start3A_44 : memref<128xi32, #tpu.memory_space<vmem>>) semaphore(%arg15 : memref<!tpu.dma_semaphore, #tpu.memory_space<semaphore_mem>>)
        %dma_start3A_47 = arith.constant 256 : i32
        %dma_start3A_48 = tpu.memref_slice %arg13[%dma_start3A_47] : memref<3200xf32, #tpu.memory_space<vmem>> -> memref<128xf32, #tpu.memory_space<vmem>>
        %dma_start3A_49 = arith.constant 256 : i32
        %dma_start3A_50 = tpu.memref_slice %arg12[%dma_start3A_49] : memref<3200xi32, #tpu.memory_space<vmem>> -> memref<128xi32, #tpu.memory_space<vmem>>
        %dma_start3A_51 = arith.constant 0 : i32
        %dma_start3A_52 = tpu.memref_slice %arg2[%dma_start3A_51] : memref<100000xf32, #tpu.memory_space<hbm>> -> memref<100000xf32, #tpu.memory_space<hbm>>
        tpu.enqueue_indirect_dma source(%dma_start3A_52 : memref<100000xf32, #tpu.memory_space<hbm>>) target(%dma_start3A_48 : memref<128xf32, #tpu.memory_space<vmem>>) offsets(%dma_start3A_50 : memref<128xi32, #tpu.memory_space<vmem>>) semaphore(%arg15 : memref<!tpu.dma_semaphore, #tpu.memory_space<semaphore_mem>>)
        %dma_start3A_53 = arith.constant 256 : i32
        %dma_start3A_54 = tpu.memref_slice %arg14[%dma_start3A_53] : memref<3200xf32, #tpu.memory_space<vmem>> -> memref<128xf32, #tpu.memory_space<vmem>>
        %dma_start3A_55 = arith.constant 256 : i32
        %dma_start3A_56 = tpu.memref_slice %arg12[%dma_start3A_55] : memref<3200xi32, #tpu.memory_space<vmem>> -> memref<128xi32, #tpu.memory_space<vmem>>
        %dma_start3A_57 = arith.constant 0 : i32
        %dma_start3A_58 = tpu.memref_slice %arg3[%dma_start3A_57] : memref<100000xf32, #tpu.memory_space<hbm>> -> memref<100000xf32, #tpu.memory_space<hbm>>
        tpu.enqueue_indirect_dma source(%dma_start3A_58 : memref<100000xf32, #tpu.memory_space<hbm>>) target(%dma_start3A_54 : memref<128xf32, #tpu.memory_space<vmem>>) offsets(%dma_start3A_56 : memref<128xi32, #tpu.memory_space<vmem>>) semaphore(%arg15 : memref<!tpu.dma_semaphore, #tpu.memory_space<semaphore_mem>>)
        %dma_start3A_59 = arith.constant 384 : i32
        %dma_start3A_60 = tpu.memref_slice %arg13[%dma_start3A_59] : memref<3200xf32, #tpu.memory_space<vmem>> -> memref<128xf32, #tpu.memory_space<vmem>>
        %dma_start3A_61 = arith.constant 384 : i32
        %dma_start3A_62 = tpu.memref_slice %arg12[%dma_start3A_61] : memref<3200xi32, #tpu.memory_space<vmem>> -> memref<128xi32, #tpu.memory_space<vmem>>
        %dma_start3A_63 = arith.constant 0 : i32
        %dma_start3A_64 = tpu.memref_slice %arg2[%dma_start3A_63] : memref<100000xf32, #tpu.memory_space<hbm>> -> memref<100000xf32, #tpu.memory_space<hbm>>
        tpu.enqueue_indirect_dma source(%dma_start3A_64 : memref<100000xf32, #tpu.memory_space<hbm>>) target(%dma_start3A_60 : memref<128xf32, #tpu.memory_space<vmem>>) offsets(%dma_start3A_62 : memref<128xi32, #tpu.memory_space<vmem>>) semaphore(%arg15 : memref<!tpu.dma_semaphore, #tpu.memory_space<semaphore_mem>>)
        %dma_start3A_65 = arith.constant 384 : i32
        %dma_start3A_66 = tpu.memref_slice %arg14[%dma_start3A_65] : memref<3200xf32, #tpu.memory_space<vmem>> -> memref<128xf32, #tpu.memory_space<vmem>>
        %dma_start3A_67 = arith.constant 384 : i32
        %dma_start3A_68 = tpu.memref_slice %arg12[%dma_start3A_67] : memref<3200xi32, #tpu.memory_space<vmem>> -> memref<128xi32, #tpu.memory_space<vmem>>
        %dma_start3A_69 = arith.constant 0 : i32
        %dma_start3A_70 = tpu.memref_slice %arg3[%dma_start3A_69] : memref<100000xf32, #tpu.memory_space<hbm>> -> memref<100000xf32, #tpu.memory_space<hbm>>
        tpu.enqueue_indirect_dma source(%dma_start3A_70 : memref<100000xf32, #tpu.memory_space<hbm>>) target(%dma_start3A_66 : memref<128xf32, #tpu.memory_space<vmem>>) offsets(%dma_start3A_68 : memref<128xi32, #tpu.memory_space<vmem>>) semaphore(%arg15 : memref<!tpu.dma_semaphore, #tpu.memory_space<semaphore_mem>>)
        %dma_start3A_71 = arith.constant 512 : i32
        %dma_start3A_72 = tpu.memref_slice %arg13[%dma_start3A_71] : memref<3200xf32, #tpu.memory_space<vmem>> -> memref<128xf32, #tpu.memory_space<vmem>>
        %dma_start3A_73 = arith.constant 512 : i32
        %dma_start3A_74 = tpu.memref_slice %arg12[%dma_start3A_73] : memref<3200xi32, #tpu.memory_space<vmem>> -> memref<128xi32, #tpu.memory_space<vmem>>
        %dma_start3A_75 = arith.constant 0 : i32
        %dma_start3A_76 = tpu.memref_slice %arg2[%dma_start3A_75] : memref<100000xf32, #tpu.memory_space<hbm>> -> memref<100000xf32, #tpu.memory_space<hbm>>
        tpu.enqueue_indirect_dma source(%dma_start3A_76 : memref<100000xf32, #tpu.memory_space<hbm>>) target(%dma_start3A_72 : memref<128xf32, #tpu.memory_space<vmem>>) offsets(%dma_start3A_74 : memref<128xi32, #tpu.memory_space<vmem>>) semaphore(%arg15 : memref<!tpu.dma_semaphore, #tpu.memory_space<semaphore_mem>>)
        %dma_start3A_77 = arith.constant 512 : i32
        %dma_start3A_78 = tpu.memref_slice %arg14[%dma_start3A_77] : memref<3200xf32, #tpu.memory_space<vmem>> -> memref<128xf32, #tpu.memory_space<vmem>>
        %dma_start3A_79 = arith.constant 512 : i32
        %dma_start3A_80 = tpu.memref_slice %arg12[%dma_start3A_79] : memref<3200xi32, #tpu.memory_space<vmem>> -> memref<128xi32, #tpu.memory_space<vmem>>
        %dma_start3A_81 = arith.constant 0 : i32
        %dma_start3A_82 = tpu.memref_slice %arg3[%dma_start3A_81] : memref<100000xf32, #tpu.memory_space<hbm>> -> memref<100000xf32, #tpu.memory_space<hbm>>
        tpu.enqueue_indirect_dma source(%dma_start3A_82 : memref<100000xf32, #tpu.memory_space<hbm>>) target(%dma_start3A_78 : memref<128xf32, #tpu.memory_space<vmem>>) offsets(%dma_start3A_80 : memref<128xi32, #tpu.memory_space<vmem>>) semaphore(%arg15 : memref<!tpu.dma_semaphore, #tpu.memory_space<semaphore_mem>>)
        %dma_start3A_83 = arith.constant 640 : i32
        %dma_start3A_84 = tpu.memref_slice %arg13[%dma_start3A_83] : memref<3200xf32, #tpu.memory_space<vmem>> -> memref<128xf32, #tpu.memory_space<vmem>>
        %dma_start3A_85 = arith.constant 640 : i32
        %dma_start3A_86 = tpu.memref_slice %arg12[%dma_start3A_85] : memref<3200xi32, #tpu.memory_space<vmem>> -> memref<128xi32, #tpu.memory_space<vmem>>
        %dma_start3A_87 = arith.constant 0 : i32
        %dma_start3A_88 = tpu.memref_slice %arg2[%dma_start3A_87] : memref<100000xf32, #tpu.memory_space<hbm>> -> memref<100000xf32, #tpu.memory_space<hbm>>
        tpu.enqueue_indirect_dma source(%dma_start3A_88 : memref<100000xf32, #tpu.memory_space<hbm>>) target(%dma_start3A_84 : memref<128xf32, #tpu.memory_space<vmem>>) offsets(%dma_start3A_86 : memref<128xi32, #tpu.memory_space<vmem>>) semaphore(%arg15 : memref<!tpu.dma_semaphore, #tpu.memory_space<semaphore_mem>>)
        %dma_start3A_89 = arith.constant 640 : i32
        %dma_start3A_90 = tpu.memref_slice %arg14[%dma_start3A_89] : memref<3200xf32, #tpu.memory_space<vmem>> -> memref<128xf32, #tpu.memory_space<vmem>>
        %dma_start3A_91 = arith.constant 640 : i32
        %dma_start3A_92 = tpu.memref_slice %arg12[%dma_start3A_91] : memref<3200xi32, #tpu.memory_space<vmem>> -> memref<128xi32, #tpu.memory_space<vmem>>
        %dma_start3A_93 = arith.constant 0 : i32
        %dma_start3A_94 = tpu.memref_slice %arg3[%dma_start3A_93] : memref<100000xf32, #tpu.memory_space<hbm>> -> memref<100000xf32, #tpu.memory_space<hbm>>
        tpu.enqueue_indirect_dma source(%dma_start3A_94 : memref<100000xf32, #tpu.memory_space<hbm>>) target(%dma_start3A_90 : memref<128xf32, #tpu.memory_space<vmem>>) offsets(%dma_start3A_92 : memref<128xi32, #tpu.memory_space<vmem>>) semaphore(%arg15 : memref<!tpu.dma_semaphore, #tpu.memory_space<semaphore_mem>>)
        %dma_start3A_95 = arith.constant 768 : i32
        %dma_start3A_96 = tpu.memref_slice %arg13[%dma_start3A_95] : memref<3200xf32, #tpu.memory_space<vmem>> -> memref<128xf32, #tpu.memory_space<vmem>>
        %dma_start3A_97 = arith.constant 768 : i32
        %dma_start3A_98 = tpu.memref_slice %arg12[%dma_start3A_97] : memref<3200xi32, #tpu.memory_space<vmem>> -> memref<128xi32, #tpu.memory_space<vmem>>
        %dma_start3A_99 = arith.constant 0 : i32
        %dma_start3A_100 = tpu.memref_slice %arg2[%dma_start3A_99] : memref<100000xf32, #tpu.memory_space<hbm>> -> memref<100000xf32, #tpu.memory_space<hbm>>
        tpu.enqueue_indirect_dma source(%dma_start3A_100 : memref<100000xf32, #tpu.memory_space<hbm>>) target(%dma_start3A_96 : memref<128xf32, #tpu.memory_space<vmem>>) offsets(%dma_start3A_98 : memref<128xi32, #tpu.memory_space<vmem>>) semaphore(%arg15 : memref<!tpu.dma_semaphore, #tpu.memory_space<semaphore_mem>>)
        %dma_start3A_101 = arith.constant 768 : i32
        %dma_start3A_102 = tpu.memref_slice %arg14[%dma_start3A_101] : memref<3200xf32, #tpu.memory_space<vmem>> -> memref<128xf32, #tpu.memory_space<vmem>>
        %dma_start3A_103 = arith.constant 768 : i32
        %dma_start3A_104 = tpu.memref_slice %arg12[%dma_start3A_103] : memref<3200xi32, #tpu.memory_space<vmem>> -> memref<128xi32, #tpu.memory_space<vmem>>
        %dma_start3A_105 = arith.constant 0 : i32
        %dma_start3A_106 = tpu.memref_slice %arg3[%dma_start3A_105] : memref<100000xf32, #tpu.memory_space<hbm>> -> memref<100000xf32, #tpu.memory_space<hbm>>
        tpu.enqueue_indirect_dma source(%dma_start3A_106 : memref<100000xf32, #tpu.memory_space<hbm>>) target(%dma_start3A_102 : memref<128xf32, #tpu.memory_space<vmem>>) offsets(%dma_start3A_104 : memref<128xi32, #tpu.memory_space<vmem>>) semaphore(%arg15 : memref<!tpu.dma_semaphore, #tpu.memory_space<semaphore_mem>>)
        %dma_start3A_107 = arith.constant 896 : i32
        %dma_start3A_108 = tpu.memref_slice %arg13[%dma_start3A_107] : memref<3200xf32, #tpu.memory_space<vmem>> -> memref<128xf32, #tpu.memory_space<vmem>>
        %dma_start3A_109 = arith.constant 896 : i32
        %dma_start3A_110 = tpu.memref_slice %arg12[%dma_start3A_109] : memref<3200xi32, #tpu.memory_space<vmem>> -> memref<128xi32, #tpu.memory_space<vmem>>
        %dma_start3A_111 = arith.constant 0 : i32
        %dma_start3A_112 = tpu.memref_slice %arg2[%dma_start3A_111] : memref<100000xf32, #tpu.memory_space<hbm>> -> memref<100000xf32, #tpu.memory_space<hbm>>
        tpu.enqueue_indirect_dma source(%dma_start3A_112 : memref<100000xf32, #tpu.memory_space<hbm>>) target(%dma_start3A_108 : memref<128xf32, #tpu.memory_space<vmem>>) offsets(%dma_start3A_110 : memref<128xi32, #tpu.memory_space<vmem>>) semaphore(%arg15 : memref<!tpu.dma_semaphore, #tpu.memory_space<semaphore_mem>>)
        %dma_start3A_113 = arith.constant 896 : i32
        %dma_start3A_114 = tpu.memref_slice %arg14[%dma_start3A_113] : memref<3200xf32, #tpu.memory_space<vmem>> -> memref<128xf32, #tpu.memory_space<vmem>>
        %dma_start3A_115 = arith.constant 896 : i32
        %dma_start3A_116 = tpu.memref_slice %arg12[%dma_start3A_115] : memref<3200xi32, #tpu.memory_space<vmem>> -> memref<128xi32, #tpu.memory_space<vmem>>
        %dma_start3A_117 = arith.constant 0 : i32
        %dma_start3A_118 = tpu.memref_slice %arg3[%dma_start3A_117] : memref<100000xf32, #tpu.memory_space<hbm>> -> memref<100000xf32, #tpu.memory_space<hbm>>
        tpu.enqueue_indirect_dma source(%dma_start3A_118 : memref<100000xf32, #tpu.memory_space<hbm>>) target(%dma_start3A_114 : memref<128xf32, #tpu.memory_space<vmem>>) offsets(%dma_start3A_116 : memref<128xi32, #tpu.memory_space<vmem>>) semaphore(%arg15 : memref<!tpu.dma_semaphore, #tpu.memory_space<semaphore_mem>>)
        %dma_start3A_119 = arith.constant 1024 : i32
        %dma_start3A_120 = tpu.memref_slice %arg13[%dma_start3A_119] : memref<3200xf32, #tpu.memory_space<vmem>> -> memref<128xf32, #tpu.memory_space<vmem>>
        %dma_start3A_121 = arith.constant 1024 : i32
        %dma_start3A_122 = tpu.memref_slice %arg12[%dma_start3A_121] : memref<3200xi32, #tpu.memory_space<vmem>> -> memref<128xi32, #tpu.memory_space<vmem>>
        %dma_start3A_123 = arith.constant 0 : i32
        %dma_start3A_124 = tpu.memref_slice %arg2[%dma_start3A_123] : memref<100000xf32, #tpu.memory_space<hbm>> -> memref<100000xf32, #tpu.memory_space<hbm>>
        tpu.enqueue_indirect_dma source(%dma_start3A_124 : memref<100000xf32, #tpu.memory_space<hbm>>) target(%dma_start3A_120 : memref<128xf32, #tpu.memory_space<vmem>>) offsets(%dma_start3A_122 : memref<128xi32, #tpu.memory_space<vmem>>) semaphore(%arg15 : memref<!tpu.dma_semaphore, #tpu.memory_space<semaphore_mem>>)
        %dma_start3A_125 = arith.constant 1024 : i32
        %dma_start3A_126 = tpu.memref_slice %arg14[%dma_start3A_125] : memref<3200xf32, #tpu.memory_space<vmem>> -> memref<128xf32, #tpu.memory_space<vmem>>
        %dma_start3A_127 = arith.constant 1024 : i32
        %dma_start3A_128 = tpu.memref_slice %arg12[%dma_start3A_127] : memref<3200xi32, #tpu.memory_space<vmem>> -> memref<128xi32, #tpu.memory_space<vmem>>
        %dma_start3A_129 = arith.constant 0 : i32
        %dma_start3A_130 = tpu.memref_slice %arg3[%dma_start3A_129] : memref<100000xf32, #tpu.memory_space<hbm>> -> memref<100000xf32, #tpu.memory_space<hbm>>
        tpu.enqueue_indirect_dma source(%dma_start3A_130 : memref<100000xf32, #tpu.memory_space<hbm>>) target(%dma_start3A_126 : memref<128xf32, #tpu.memory_space<vmem>>) offsets(%dma_start3A_128 : memref<128xi32, #tpu.memory_space<vmem>>) semaphore(%arg15 : memref<!tpu.dma_semaphore, #tpu.memory_space<semaphore_mem>>)
        %dma_start3A_131 = arith.constant 1152 : i32
        %dma_start3A_132 = tpu.memref_slice %arg13[%dma_start3A_131] : memref<3200xf32, #tpu.memory_space<vmem>> -> memref<128xf32, #tpu.memory_space<vmem>>
        %dma_start3A_133 = arith.constant 1152 : i32
        %dma_start3A_134 = tpu.memref_slice %arg12[%dma_start3A_133] : memref<3200xi32, #tpu.memory_space<vmem>> -> memref<128xi32, #tpu.memory_space<vmem>>
        %dma_start3A_135 = arith.constant 0 : i32
        %dma_start3A_136 = tpu.memref_slice %arg2[%dma_start3A_135] : memref<100000xf32, #tpu.memory_space<hbm>> -> memref<100000xf32, #tpu.memory_space<hbm>>
        tpu.enqueue_indirect_dma source(%dma_start3A_136 : memref<100000xf32, #tpu.memory_space<hbm>>) target(%dma_start3A_132 : memref<128xf32, #tpu.memory_space<vmem>>) offsets(%dma_start3A_134 : memref<128xi32, #tpu.memory_space<vmem>>) semaphore(%arg15 : memref<!tpu.dma_semaphore, #tpu.memory_space<semaphore_mem>>)
        %dma_start3A_137 = arith.constant 1152 : i32
        %dma_start3A_138 = tpu.memref_slice %arg14[%dma_start3A_137] : memref<3200xf32, #tpu.memory_space<vmem>> -> memref<128xf32, #tpu.memory_space<vmem>>
        %dma_start3A_139 = arith.constant 1152 : i32
        %dma_start3A_140 = tpu.memref_slice %arg12[%dma_start3A_139] : memref<3200xi32, #tpu.memory_space<vmem>> -> memref<128xi32, #tpu.memory_space<vmem>>
        %dma_start3A_141 = arith.constant 0 : i32
        %dma_start3A_142 = tpu.memref_slice %arg3[%dma_start3A_141] : memref<100000xf32, #tpu.memory_space<hbm>> -> memref<100000xf32, #tpu.memory_space<hbm>>
        tpu.enqueue_indirect_dma source(%dma_start3A_142 : memref<100000xf32, #tpu.memory_space<hbm>>) target(%dma_start3A_138 : memref<128xf32, #tpu.memory_space<vmem>>) offsets(%dma_start3A_140 : memref<128xi32, #tpu.memory_space<vmem>>) semaphore(%arg15 : memref<!tpu.dma_semaphore, #tpu.memory_space<semaphore_mem>>)
        %dma_start3A_143 = arith.constant 1280 : i32
        %dma_start3A_144 = tpu.memref_slice %arg13[%dma_start3A_143] : memref<3200xf32, #tpu.memory_space<vmem>> -> memref<128xf32, #tpu.memory_space<vmem>>
        %dma_start3A_145 = arith.constant 1280 : i32
        %dma_start3A_146 = tpu.memref_slice %arg12[%dma_start3A_145] : memref<3200xi32, #tpu.memory_space<vmem>> -> memref<128xi32, #tpu.memory_space<vmem>>
        %dma_start3A_147 = arith.constant 0 : i32
        %dma_start3A_148 = tpu.memref_slice %arg2[%dma_start3A_147] : memref<100000xf32, #tpu.memory_space<hbm>> -> memref<100000xf32, #tpu.memory_space<hbm>>
        tpu.enqueue_indirect_dma source(%dma_start3A_148 : memref<100000xf32, #tpu.memory_space<hbm>>) target(%dma_start3A_144 : memref<128xf32, #tpu.memory_space<vmem>>) offsets(%dma_start3A_146 : memref<128xi32, #tpu.memory_space<vmem>>) semaphore(%arg15 : memref<!tpu.dma_semaphore, #tpu.memory_space<semaphore_mem>>)
        %dma_start3A_149 = arith.constant 1280 : i32
        %dma_start3A_150 = tpu.memref_slice %arg14[%dma_start3A_149] : memref<3200xf32, #tpu.memory_space<vmem>> -> memref<128xf32, #tpu.memory_space<vmem>>
        %dma_start3A_151 = arith.constant 1280 : i32
        %dma_start3A_152 = tpu.memref_slice %arg12[%dma_start3A_151] : memref<3200xi32, #tpu.memory_space<vmem>> -> memref<128xi32, #tpu.memory_space<vmem>>
        %dma_start3A_153 = arith.constant 0 : i32
        %dma_start3A_154 = tpu.memref_slice %arg3[%dma_start3A_153] : memref<100000xf32, #tpu.memory_space<hbm>> -> memref<100000xf32, #tpu.memory_space<hbm>>
        tpu.enqueue_indirect_dma source(%dma_start3A_154 : memref<100000xf32, #tpu.memory_space<hbm>>) target(%dma_start3A_150 : memref<128xf32, #tpu.memory_space<vmem>>) offsets(%dma_start3A_152 : memref<128xi32, #tpu.memory_space<vmem>>) semaphore(%arg15 : memref<!tpu.dma_semaphore, #tpu.memory_space<semaphore_mem>>)
        %dma_start3A_155 = arith.constant 1408 : i32
        %dma_start3A_156 = tpu.memref_slice %arg13[%dma_start3A_155] : memref<3200xf32, #tpu.memory_space<vmem>> -> memref<128xf32, #tpu.memory_space<vmem>>
        %dma_start3A_157 = arith.constant 1408 : i32
        %dma_start3A_158 = tpu.memref_slice %arg12[%dma_start3A_157] : memref<3200xi32, #tpu.memory_space<vmem>> -> memref<128xi32, #tpu.memory_space<vmem>>
        %dma_start3A_159 = arith.constant 0 : i32
        %dma_start3A_160 = tpu.memref_slice %arg2[%dma_start3A_159] : memref<100000xf32, #tpu.memory_space<hbm>> -> memref<100000xf32, #tpu.memory_space<hbm>>
        tpu.enqueue_indirect_dma source(%dma_start3A_160 : memref<100000xf32, #tpu.memory_space<hbm>>) target(%dma_start3A_156 : memref<128xf32, #tpu.memory_space<vmem>>) offsets(%dma_start3A_158 : memref<128xi32, #tpu.memory_space<vmem>>) semaphore(%arg15 : memref<!tpu.dma_semaphore, #tpu.memory_space<semaphore_mem>>)
        %dma_start3A_161 = arith.constant 1408 : i32
        %dma_start3A_162 = tpu.memref_slice %arg14[%dma_start3A_161] : memref<3200xf32, #tpu.memory_space<vmem>> -> memref<128xf32, #tpu.memory_space<vmem>>
        %dma_start3A_163 = arith.constant 1408 : i32
        %dma_start3A_164 = tpu.memref_slice %arg12[%dma_start3A_163] : memref<3200xi32, #tpu.memory_space<vmem>> -> memref<128xi32, #tpu.memory_space<vmem>>
        %dma_start3A_165 = arith.constant 0 : i32
        %dma_start3A_166 = tpu.memref_slice %arg3[%dma_start3A_165] : memref<100000xf32, #tpu.memory_space<hbm>> -> memref<100000xf32, #tpu.memory_space<hbm>>
        tpu.enqueue_indirect_dma source(%dma_start3A_166 : memref<100000xf32, #tpu.memory_space<hbm>>) target(%dma_start3A_162 : memref<128xf32, #tpu.memory_space<vmem>>) offsets(%dma_start3A_164 : memref<128xi32, #tpu.memory_space<vmem>>) semaphore(%arg15 : memref<!tpu.dma_semaphore, #tpu.memory_space<semaphore_mem>>)
        %dma_start3A_167 = arith.constant 1536 : i32
        %dma_start3A_168 = tpu.memref_slice %arg13[%dma_start3A_167] : memref<3200xf32, #tpu.memory_space<vmem>> -> memref<128xf32, #tpu.memory_space<vmem>>
        %dma_start3A_169 = arith.constant 1536 : i32
        %dma_start3A_170 = tpu.memref_slice %arg12[%dma_start3A_169] : memref<3200xi32, #tpu.memory_space<vmem>> -> memref<128xi32, #tpu.memory_space<vmem>>
        %dma_start3A_171 = arith.constant 0 : i32
        %dma_start3A_172 = tpu.memref_slice %arg2[%dma_start3A_171] : memref<100000xf32, #tpu.memory_space<hbm>> -> memref<100000xf32, #tpu.memory_space<hbm>>
        tpu.enqueue_indirect_dma source(%dma_start3A_172 : memref<100000xf32, #tpu.memory_space<hbm>>) target(%dma_start3A_168 : memref<128xf32, #tpu.memory_space<vmem>>) offsets(%dma_start3A_170 : memref<128xi32, #tpu.memory_space<vmem>>) semaphore(%arg15 : memref<!tpu.dma_semaphore, #tpu.memory_space<semaphore_mem>>)
        %dma_start3A_173 = arith.constant 1536 : i32
        %dma_start3A_174 = tpu.memref_slice %arg14[%dma_start3A_173] : memref<3200xf32, #tpu.memory_space<vmem>> -> memref<128xf32, #tpu.memory_space<vmem>>
        %dma_start3A_175 = arith.constant 1536 : i32
        %dma_start3A_176 = tpu.memref_slice %arg12[%dma_start3A_175] : memref<3200xi32, #tpu.memory_space<vmem>> -> memref<128xi32, #tpu.memory_space<vmem>>
        %dma_start3A_177 = arith.constant 0 : i32
        %dma_start3A_178 = tpu.memref_slice %arg3[%dma_start3A_177] : memref<100000xf32, #tpu.memory_space<hbm>> -> memref<100000xf32, #tpu.memory_space<hbm>>
        tpu.enqueue_indirect_dma source(%dma_start3A_178 : memref<100000xf32, #tpu.memory_space<hbm>>) target(%dma_start3A_174 : memref<128xf32, #tpu.memory_space<vmem>>) offsets(%dma_start3A_176 : memref<128xi32, #tpu.memory_space<vmem>>) semaphore(%arg15 : memref<!tpu.dma_semaphore, #tpu.memory_space<semaphore_mem>>)
        %dma_start3A_179 = arith.constant 1664 : i32
        %dma_start3A_180 = tpu.memref_slice %arg13[%dma_start3A_179] : memref<3200xf32, #tpu.memory_space<vmem>> -> memref<128xf32, #tpu.memory_space<vmem>>
        %dma_start3A_181 = arith.constant 1664 : i32
        %dma_start3A_182 = tpu.memref_slice %arg12[%dma_start3A_181] : memref<3200xi32, #tpu.memory_space<vmem>> -> memref<128xi32, #tpu.memory_space<vmem>>
        %dma_start3A_183 = arith.constant 0 : i32
        %dma_start3A_184 = tpu.memref_slice %arg2[%dma_start3A_183] : memref<100000xf32, #tpu.memory_space<hbm>> -> memref<100000xf32, #tpu.memory_space<hbm>>
        tpu.enqueue_indirect_dma source(%dma_start3A_184 : memref<100000xf32, #tpu.memory_space<hbm>>) target(%dma_start3A_180 : memref<128xf32, #tpu.memory_space<vmem>>) offsets(%dma_start3A_182 : memref<128xi32, #tpu.memory_space<vmem>>) semaphore(%arg15 : memref<!tpu.dma_semaphore, #tpu.memory_space<semaphore_mem>>)
        %dma_start3A_185 = arith.constant 1664 : i32
        %dma_start3A_186 = tpu.memref_slice %arg14[%dma_start3A_185] : memref<3200xf32, #tpu.memory_space<vmem>> -> memref<128xf32, #tpu.memory_space<vmem>>
        %dma_start3A_187 = arith.constant 1664 : i32
        %dma_start3A_188 = tpu.memref_slice %arg12[%dma_start3A_187] : memref<3200xi32, #tpu.memory_space<vmem>> -> memref<128xi32, #tpu.memory_space<vmem>>
        %dma_start3A_189 = arith.constant 0 : i32
        %dma_start3A_190 = tpu.memref_slice %arg3[%dma_start3A_189] : memref<100000xf32, #tpu.memory_space<hbm>> -> memref<100000xf32, #tpu.memory_space<hbm>>
        tpu.enqueue_indirect_dma source(%dma_start3A_190 : memref<100000xf32, #tpu.memory_space<hbm>>) target(%dma_start3A_186 : memref<128xf32, #tpu.memory_space<vmem>>) offsets(%dma_start3A_188 : memref<128xi32, #tpu.memory_space<vmem>>) semaphore(%arg15 : memref<!tpu.dma_semaphore, #tpu.memory_space<semaphore_mem>>)
        %dma_start3A_191 = arith.constant 1792 : i32
        %dma_start3A_192 = tpu.memref_slice %arg13[%dma_start3A_191] : memref<3200xf32, #tpu.memory_space<vmem>> -> memref<128xf32, #tpu.memory_space<vmem>>
        %dma_start3A_193 = arith.constant 1792 : i32
        %dma_start3A_194 = tpu.memref_slice %arg12[%dma_start3A_193] : memref<3200xi32, #tpu.memory_space<vmem>> -> memref<128xi32, #tpu.memory_space<vmem>>
        %dma_start3A_195 = arith.constant 0 : i32
        %dma_start3A_196 = tpu.memref_slice %arg2[%dma_start3A_195] : memref<100000xf32, #tpu.memory_space<hbm>> -> memref<100000xf32, #tpu.memory_space<hbm>>
        tpu.enqueue_indirect_dma source(%dma_start3A_196 : memref<100000xf32, #tpu.memory_space<hbm>>) target(%dma_start3A_192 : memref<128xf32, #tpu.memory_space<vmem>>) offsets(%dma_start3A_194 : memref<128xi32, #tpu.memory_space<vmem>>) semaphore(%arg15 : memref<!tpu.dma_semaphore, #tpu.memory_space<semaphore_mem>>)
        %dma_start3A_197 = arith.constant 1792 : i32
        %dma_start3A_198 = tpu.memref_slice %arg14[%dma_start3A_197] : memref<3200xf32, #tpu.memory_space<vmem>> -> memref<128xf32, #tpu.memory_space<vmem>>
        %dma_start3A_199 = arith.constant 1792 : i32
        %dma_start3A_200 = tpu.memref_slice %arg12[%dma_start3A_199] : memref<3200xi32, #tpu.memory_space<vmem>> -> memref<128xi32, #tpu.memory_space<vmem>>
        %dma_start3A_201 = arith.constant 0 : i32
        %dma_start3A_202 = tpu.memref_slice %arg3[%dma_start3A_201] : memref<100000xf32, #tpu.memory_space<hbm>> -> memref<100000xf32, #tpu.memory_space<hbm>>
        tpu.enqueue_indirect_dma source(%dma_start3A_202 : memref<100000xf32, #tpu.memory_space<hbm>>) target(%dma_start3A_198 : memref<128xf32, #tpu.memory_space<vmem>>) offsets(%dma_start3A_200 : memref<128xi32, #tpu.memory_space<vmem>>) semaphore(%arg15 : memref<!tpu.dma_semaphore, #tpu.memory_space<semaphore_mem>>)
        %dma_start3A_203 = arith.constant 1920 : i32
        %dma_start3A_204 = tpu.memref_slice %arg13[%dma_start3A_203] : memref<3200xf32, #tpu.memory_space<vmem>> -> memref<128xf32, #tpu.memory_space<vmem>>
        %dma_start3A_205 = arith.constant 1920 : i32
        %dma_start3A_206 = tpu.memref_slice %arg12[%dma_start3A_205] : memref<3200xi32, #tpu.memory_space<vmem>> -> memref<128xi32, #tpu.memory_space<vmem>>
        %dma_start3A_207 = arith.constant 0 : i32
        %dma_start3A_208 = tpu.memref_slice %arg2[%dma_start3A_207] : memref<100000xf32, #tpu.memory_space<hbm>> -> memref<100000xf32, #tpu.memory_space<hbm>>
        tpu.enqueue_indirect_dma source(%dma_start3A_208 : memref<100000xf32, #tpu.memory_space<hbm>>) target(%dma_start3A_204 : memref<128xf32, #tpu.memory_space<vmem>>) offsets(%dma_start3A_206 : memref<128xi32, #tpu.memory_space<vmem>>) semaphore(%arg15 : memref<!tpu.dma_semaphore, #tpu.memory_space<semaphore_mem>>)
        %dma_start3A_209 = arith.constant 1920 : i32
        %dma_start3A_210 = tpu.memref_slice %arg14[%dma_start3A_209] : memref<3200xf32, #tpu.memory_space<vmem>> -> memref<128xf32, #tpu.memory_space<vmem>>
        %dma_start3A_211 = arith.constant 1920 : i32
        %dma_start3A_212 = tpu.memref_slice %arg12[%dma_start3A_211] : memref<3200xi32, #tpu.memory_space<vmem>> -> memref<128xi32, #tpu.memory_space<vmem>>
        %dma_start3A_213 = arith.constant 0 : i32
        %dma_start3A_214 = tpu.memref_slice %arg3[%dma_start3A_213] : memref<100000xf32, #tpu.memory_space<hbm>> -> memref<100000xf32, #tpu.memory_space<hbm>>
        tpu.enqueue_indirect_dma source(%dma_start3A_214 : memref<100000xf32, #tpu.memory_space<hbm>>) target(%dma_start3A_210 : memref<128xf32, #tpu.memory_space<vmem>>) offsets(%dma_start3A_212 : memref<128xi32, #tpu.memory_space<vmem>>) semaphore(%arg15 : memref<!tpu.dma_semaphore, #tpu.memory_space<semaphore_mem>>)
        %dma_start3A_215 = arith.constant 2048 : i32
        %dma_start3A_216 = tpu.memref_slice %arg13[%dma_start3A_215] : memref<3200xf32, #tpu.memory_space<vmem>> -> memref<128xf32, #tpu.memory_space<vmem>>
        %dma_start3A_217 = arith.constant 2048 : i32
        %dma_start3A_218 = tpu.memref_slice %arg12[%dma_start3A_217] : memref<3200xi32, #tpu.memory_space<vmem>> -> memref<128xi32, #tpu.memory_space<vmem>>
        %dma_start3A_219 = arith.constant 0 : i32
        %dma_start3A_220 = tpu.memref_slice %arg2[%dma_start3A_219] : memref<100000xf32, #tpu.memory_space<hbm>> -> memref<100000xf32, #tpu.memory_space<hbm>>
        tpu.enqueue_indirect_dma source(%dma_start3A_220 : memref<100000xf32, #tpu.memory_space<hbm>>) target(%dma_start3A_216 : memref<128xf32, #tpu.memory_space<vmem>>) offsets(%dma_start3A_218 : memref<128xi32, #tpu.memory_space<vmem>>) semaphore(%arg15 : memref<!tpu.dma_semaphore, #tpu.memory_space<semaphore_mem>>)
        %dma_start3A_221 = arith.constant 2048 : i32
        %dma_start3A_222 = tpu.memref_slice %arg14[%dma_start3A_221] : memref<3200xf32, #tpu.memory_space<vmem>> -> memref<128xf32, #tpu.memory_space<vmem>>
        %dma_start3A_223 = arith.constant 2048 : i32
        %dma_start3A_224 = tpu.memref_slice %arg12[%dma_start3A_223] : memref<3200xi32, #tpu.memory_space<vmem>> -> memref<128xi32, #tpu.memory_space<vmem>>
        %dma_start3A_225 = arith.constant 0 : i32
        %dma_start3A_226 = tpu.memref_slice %arg3[%dma_start3A_225] : memref<100000xf32, #tpu.memory_space<hbm>> -> memref<100000xf32, #tpu.memory_space<hbm>>
        tpu.enqueue_indirect_dma source(%dma_start3A_226 : memref<100000xf32, #tpu.memory_space<hbm>>) target(%dma_start3A_222 : memref<128xf32, #tpu.memory_space<vmem>>) offsets(%dma_start3A_224 : memref<128xi32, #tpu.memory_space<vmem>>) semaphore(%arg15 : memref<!tpu.dma_semaphore, #tpu.memory_space<semaphore_mem>>)
        %dma_start3A_227 = arith.constant 2176 : i32
        %dma_start3A_228 = tpu.memref_slice %arg13[%dma_start3A_227] : memref<3200xf32, #tpu.memory_space<vmem>> -> memref<128xf32, #tpu.memory_space<vmem>>
        %dma_start3A_229 = arith.constant 2176 : i32
        %dma_start3A_230 = tpu.memref_slice %arg12[%dma_start3A_229] : memref<3200xi32, #tpu.memory_space<vmem>> -> memref<128xi32, #tpu.memory_space<vmem>>
        %dma_start3A_231 = arith.constant 0 : i32
        %dma_start3A_232 = tpu.memref_slice %arg2[%dma_start3A_231] : memref<100000xf32, #tpu.memory_space<hbm>> -> memref<100000xf32, #tpu.memory_space<hbm>>
        tpu.enqueue_indirect_dma source(%dma_start3A_232 : memref<100000xf32, #tpu.memory_space<hbm>>) target(%dma_start3A_228 : memref<128xf32, #tpu.memory_space<vmem>>) offsets(%dma_start3A_230 : memref<128xi32, #tpu.memory_space<vmem>>) semaphore(%arg15 : memref<!tpu.dma_semaphore, #tpu.memory_space<semaphore_mem>>)
        %dma_start3A_233 = arith.constant 2176 : i32
        %dma_start3A_234 = tpu.memref_slice %arg14[%dma_start3A_233] : memref<3200xf32, #tpu.memory_space<vmem>> -> memref<128xf32, #tpu.memory_space<vmem>>
        %dma_start3A_235 = arith.constant 2176 : i32
        %dma_start3A_236 = tpu.memref_slice %arg12[%dma_start3A_235] : memref<3200xi32, #tpu.memory_space<vmem>> -> memref<128xi32, #tpu.memory_space<vmem>>
        %dma_start3A_237 = arith.constant 0 : i32
        %dma_start3A_238 = tpu.memref_slice %arg3[%dma_start3A_237] : memref<100000xf32, #tpu.memory_space<hbm>> -> memref<100000xf32, #tpu.memory_space<hbm>>
        tpu.enqueue_indirect_dma source(%dma_start3A_238 : memref<100000xf32, #tpu.memory_space<hbm>>) target(%dma_start3A_234 : memref<128xf32, #tpu.memory_space<vmem>>) offsets(%dma_start3A_236 : memref<128xi32, #tpu.memory_space<vmem>>) semaphore(%arg15 : memref<!tpu.dma_semaphore, #tpu.memory_space<semaphore_mem>>)
        %dma_start3A_239 = arith.constant 2304 : i32
        %dma_start3A_240 = tpu.memref_slice %arg13[%dma_start3A_239] : memref<3200xf32, #tpu.memory_space<vmem>> -> memref<128xf32, #tpu.memory_space<vmem>>
        %dma_start3A_241 = arith.constant 2304 : i32
        %dma_start3A_242 = tpu.memref_slice %arg12[%dma_start3A_241] : memref<3200xi32, #tpu.memory_space<vmem>> -> memref<128xi32, #tpu.memory_space<vmem>>
        %dma_start3A_243 = arith.constant 0 : i32
        %dma_start3A_244 = tpu.memref_slice %arg2[%dma_start3A_243] : memref<100000xf32, #tpu.memory_space<hbm>> -> memref<100000xf32, #tpu.memory_space<hbm>>
        tpu.enqueue_indirect_dma source(%dma_start3A_244 : memref<100000xf32, #tpu.memory_space<hbm>>) target(%dma_start3A_240 : memref<128xf32, #tpu.memory_space<vmem>>) offsets(%dma_start3A_242 : memref<128xi32, #tpu.memory_space<vmem>>) semaphore(%arg15 : memref<!tpu.dma_semaphore, #tpu.memory_space<semaphore_mem>>)
        %dma_start3A_245 = arith.constant 2304 : i32
        %dma_start3A_246 = tpu.memref_slice %arg14[%dma_start3A_245] : memref<3200xf32, #tpu.memory_space<vmem>> -> memref<128xf32, #tpu.memory_space<vmem>>
        %dma_start3A_247 = arith.constant 2304 : i32
        %dma_start3A_248 = tpu.memref_slice %arg12[%dma_start3A_247] : memref<3200xi32, #tpu.memory_space<vmem>> -> memref<128xi32, #tpu.memory_space<vmem>>
        %dma_start3A_249 = arith.constant 0 : i32
        %dma_start3A_250 = tpu.memref_slice %arg3[%dma_start3A_249] : memref<100000xf32, #tpu.memory_space<hbm>> -> memref<100000xf32, #tpu.memory_space<hbm>>
        tpu.enqueue_indirect_dma source(%dma_start3A_250 : memref<100000xf32, #tpu.memory_space<hbm>>) target(%dma_start3A_246 : memref<128xf32, #tpu.memory_space<vmem>>) offsets(%dma_start3A_248 : memref<128xi32, #tpu.memory_space<vmem>>) semaphore(%arg15 : memref<!tpu.dma_semaphore, #tpu.memory_space<semaphore_mem>>)
        %dma_start3A_251 = arith.constant 2432 : i32
        %dma_start3A_252 = tpu.memref_slice %arg13[%dma_start3A_251] : memref<3200xf32, #tpu.memory_space<vmem>> -> memref<128xf32, #tpu.memory_space<vmem>>
        %dma_start3A_253 = arith.constant 2432 : i32
        %dma_start3A_254 = tpu.memref_slice %arg12[%dma_start3A_253] : memref<3200xi32, #tpu.memory_space<vmem>> -> memref<128xi32, #tpu.memory_space<vmem>>
        %dma_start3A_255 = arith.constant 0 : i32
        %dma_start3A_256 = tpu.memref_slice %arg2[%dma_start3A_255] : memref<100000xf32, #tpu.memory_space<hbm>> -> memref<100000xf32, #tpu.memory_space<hbm>>
        tpu.enqueue_indirect_dma source(%dma_start3A_256 : memref<100000xf32, #tpu.memory_space<hbm>>) target(%dma_start3A_252 : memref<128xf32, #tpu.memory_space<vmem>>) offsets(%dma_start3A_254 : memref<128xi32, #tpu.memory_space<vmem>>) semaphore(%arg15 : memref<!tpu.dma_semaphore, #tpu.memory_space<semaphore_mem>>)
        %dma_start3A_257 = arith.constant 2432 : i32
        %dma_start3A_258 = tpu.memref_slice %arg14[%dma_start3A_257] : memref<3200xf32, #tpu.memory_space<vmem>> -> memref<128xf32, #tpu.memory_space<vmem>>
        %dma_start3A_259 = arith.constant 2432 : i32
        %dma_start3A_260 = tpu.memref_slice %arg12[%dma_start3A_259] : memref<3200xi32, #tpu.memory_space<vmem>> -> memref<128xi32, #tpu.memory_space<vmem>>
        %dma_start3A_261 = arith.constant 0 : i32
        %dma_start3A_262 = tpu.memref_slice %arg3[%dma_start3A_261] : memref<100000xf32, #tpu.memory_space<hbm>> -> memref<100000xf32, #tpu.memory_space<hbm>>
        tpu.enqueue_indirect_dma source(%dma_start3A_262 : memref<100000xf32, #tpu.memory_space<hbm>>) target(%dma_start3A_258 : memref<128xf32, #tpu.memory_space<vmem>>) offsets(%dma_start3A_260 : memref<128xi32, #tpu.memory_space<vmem>>) semaphore(%arg15 : memref<!tpu.dma_semaphore, #tpu.memory_space<semaphore_mem>>)
        %dma_start3A_263 = arith.constant 2560 : i32
        %dma_start3A_264 = tpu.memref_slice %arg13[%dma_start3A_263] : memref<3200xf32, #tpu.memory_space<vmem>> -> memref<128xf32, #tpu.memory_space<vmem>>
        %dma_start3A_265 = arith.constant 2560 : i32
        %dma_start3A_266 = tpu.memref_slice %arg12[%dma_start3A_265] : memref<3200xi32, #tpu.memory_space<vmem>> -> memref<128xi32, #tpu.memory_space<vmem>>
        %dma_start3A_267 = arith.constant 0 : i32
        %dma_start3A_268 = tpu.memref_slice %arg2[%dma_start3A_267] : memref<100000xf32, #tpu.memory_space<hbm>> -> memref<100000xf32, #tpu.memory_space<hbm>>
        tpu.enqueue_indirect_dma source(%dma_start3A_268 : memref<100000xf32, #tpu.memory_space<hbm>>) target(%dma_start3A_264 : memref<128xf32, #tpu.memory_space<vmem>>) offsets(%dma_start3A_266 : memref<128xi32, #tpu.memory_space<vmem>>) semaphore(%arg15 : memref<!tpu.dma_semaphore, #tpu.memory_space<semaphore_mem>>)
        %dma_start3A_269 = arith.constant 2560 : i32
        %dma_start3A_270 = tpu.memref_slice %arg14[%dma_start3A_269] : memref<3200xf32, #tpu.memory_space<vmem>> -> memref<128xf32, #tpu.memory_space<vmem>>
        %dma_start3A_271 = arith.constant 2560 : i32
        %dma_start3A_272 = tpu.memref_slice %arg12[%dma_start3A_271] : memref<3200xi32, #tpu.memory_space<vmem>> -> memref<128xi32, #tpu.memory_space<vmem>>
        %dma_start3A_273 = arith.constant 0 : i32
        %dma_start3A_274 = tpu.memref_slice %arg3[%dma_start3A_273] : memref<100000xf32, #tpu.memory_space<hbm>> -> memref<100000xf32, #tpu.memory_space<hbm>>
        tpu.enqueue_indirect_dma source(%dma_start3A_274 : memref<100000xf32, #tpu.memory_space<hbm>>) target(%dma_start3A_270 : memref<128xf32, #tpu.memory_space<vmem>>) offsets(%dma_start3A_272 : memref<128xi32, #tpu.memory_space<vmem>>) semaphore(%arg15 : memref<!tpu.dma_semaphore, #tpu.memory_space<semaphore_mem>>)
        %dma_start3A_275 = arith.constant 2688 : i32
        %dma_start3A_276 = tpu.memref_slice %arg13[%dma_start3A_275] : memref<3200xf32, #tpu.memory_space<vmem>> -> memref<128xf32, #tpu.memory_space<vmem>>
        %dma_start3A_277 = arith.constant 2688 : i32
        %dma_start3A_278 = tpu.memref_slice %arg12[%dma_start3A_277] : memref<3200xi32, #tpu.memory_space<vmem>> -> memref<128xi32, #tpu.memory_space<vmem>>
        %dma_start3A_279 = arith.constant 0 : i32
        %dma_start3A_280 = tpu.memref_slice %arg2[%dma_start3A_279] : memref<100000xf32, #tpu.memory_space<hbm>> -> memref<100000xf32, #tpu.memory_space<hbm>>
        tpu.enqueue_indirect_dma source(%dma_start3A_280 : memref<100000xf32, #tpu.memory_space<hbm>>) target(%dma_start3A_276 : memref<128xf32, #tpu.memory_space<vmem>>) offsets(%dma_start3A_278 : memref<128xi32, #tpu.memory_space<vmem>>) semaphore(%arg15 : memref<!tpu.dma_semaphore, #tpu.memory_space<semaphore_mem>>)
        %dma_start3A_281 = arith.constant 2688 : i32
        %dma_start3A_282 = tpu.memref_slice %arg14[%dma_start3A_281] : memref<3200xf32, #tpu.memory_space<vmem>> -> memref<128xf32, #tpu.memory_space<vmem>>
        %dma_start3A_283 = arith.constant 2688 : i32
        %dma_start3A_284 = tpu.memref_slice %arg12[%dma_start3A_283] : memref<3200xi32, #tpu.memory_space<vmem>> -> memref<128xi32, #tpu.memory_space<vmem>>
        %dma_start3A_285 = arith.constant 0 : i32
        %dma_start3A_286 = tpu.memref_slice %arg3[%dma_start3A_285] : memref<100000xf32, #tpu.memory_space<hbm>> -> memref<100000xf32, #tpu.memory_space<hbm>>
        tpu.enqueue_indirect_dma source(%dma_start3A_286 : memref<100000xf32, #tpu.memory_space<hbm>>) target(%dma_start3A_282 : memref<128xf32, #tpu.memory_space<vmem>>) offsets(%dma_start3A_284 : memref<128xi32, #tpu.memory_space<vmem>>) semaphore(%arg15 : memref<!tpu.dma_semaphore, #tpu.memory_space<semaphore_mem>>)
        %dma_start3A_287 = arith.constant 2816 : i32
        %dma_start3A_288 = tpu.memref_slice %arg13[%dma_start3A_287] : memref<3200xf32, #tpu.memory_space<vmem>> -> memref<128xf32, #tpu.memory_space<vmem>>
        %dma_start3A_289 = arith.constant 2816 : i32
        %dma_start3A_290 = tpu.memref_slice %arg12[%dma_start3A_289] : memref<3200xi32, #tpu.memory_space<vmem>> -> memref<128xi32, #tpu.memory_space<vmem>>
        %dma_start3A_291 = arith.constant 0 : i32
        %dma_start3A_292 = tpu.memref_slice %arg2[%dma_start3A_291] : memref<100000xf32, #tpu.memory_space<hbm>> -> memref<100000xf32, #tpu.memory_space<hbm>>
        tpu.enqueue_indirect_dma source(%dma_start3A_292 : memref<100000xf32, #tpu.memory_space<hbm>>) target(%dma_start3A_288 : memref<128xf32, #tpu.memory_space<vmem>>) offsets(%dma_start3A_290 : memref<128xi32, #tpu.memory_space<vmem>>) semaphore(%arg15 : memref<!tpu.dma_semaphore, #tpu.memory_space<semaphore_mem>>)
        %dma_start3A_293 = arith.constant 2816 : i32
        %dma_start3A_294 = tpu.memref_slice %arg14[%dma_start3A_293] : memref<3200xf32, #tpu.memory_space<vmem>> -> memref<128xf32, #tpu.memory_space<vmem>>
        %dma_start3A_295 = arith.constant 2816 : i32
        %dma_start3A_296 = tpu.memref_slice %arg12[%dma_start3A_295] : memref<3200xi32, #tpu.memory_space<vmem>> -> memref<128xi32, #tpu.memory_space<vmem>>
        %dma_start3A_297 = arith.constant 0 : i32
        %dma_start3A_298 = tpu.memref_slice %arg3[%dma_start3A_297] : memref<100000xf32, #tpu.memory_space<hbm>> -> memref<100000xf32, #tpu.memory_space<hbm>>
        tpu.enqueue_indirect_dma source(%dma_start3A_298 : memref<100000xf32, #tpu.memory_space<hbm>>) target(%dma_start3A_294 : memref<128xf32, #tpu.memory_space<vmem>>) offsets(%dma_start3A_296 : memref<128xi32, #tpu.memory_space<vmem>>) semaphore(%arg15 : memref<!tpu.dma_semaphore, #tpu.memory_space<semaphore_mem>>)
        %dma_start3A_299 = arith.constant 2944 : i32
        %dma_start3A_300 = tpu.memref_slice %arg13[%dma_start3A_299] : memref<3200xf32, #tpu.memory_space<vmem>> -> memref<128xf32, #tpu.memory_space<vmem>>
        %dma_start3A_301 = arith.constant 2944 : i32
        %dma_start3A_302 = tpu.memref_slice %arg12[%dma_start3A_301] : memref<3200xi32, #tpu.memory_space<vmem>> -> memref<128xi32, #tpu.memory_space<vmem>>
        %dma_start3A_303 = arith.constant 0 : i32
        %dma_start3A_304 = tpu.memref_slice %arg2[%dma_start3A_303] : memref<100000xf32, #tpu.memory_space<hbm>> -> memref<100000xf32, #tpu.memory_space<hbm>>
        tpu.enqueue_indirect_dma source(%dma_start3A_304 : memref<100000xf32, #tpu.memory_space<hbm>>) target(%dma_start3A_300 : memref<128xf32, #tpu.memory_space<vmem>>) offsets(%dma_start3A_302 : memref<128xi32, #tpu.memory_space<vmem>>) semaphore(%arg15 : memref<!tpu.dma_semaphore, #tpu.memory_space<semaphore_mem>>)
        %dma_start3A_305 = arith.constant 2944 : i32
        %dma_start3A_306 = tpu.memref_slice %arg14[%dma_start3A_305] : memref<3200xf32, #tpu.memory_space<vmem>> -> memref<128xf32, #tpu.memory_space<vmem>>
        %dma_start3A_307 = arith.constant 2944 : i32
        %dma_start3A_308 = tpu.memref_slice %arg12[%dma_start3A_307] : memref<3200xi32, #tpu.memory_space<vmem>> -> memref<128xi32, #tpu.memory_space<vmem>>
        %dma_start3A_309 = arith.constant 0 : i32
        %dma_start3A_310 = tpu.memref_slice %arg3[%dma_start3A_309] : memref<100000xf32, #tpu.memory_space<hbm>> -> memref<100000xf32, #tpu.memory_space<hbm>>
        tpu.enqueue_indirect_dma source(%dma_start3A_310 : memref<100000xf32, #tpu.memory_space<hbm>>) target(%dma_start3A_306 : memref<128xf32, #tpu.memory_space<vmem>>) offsets(%dma_start3A_308 : memref<128xi32, #tpu.memory_space<vmem>>) semaphore(%arg15 : memref<!tpu.dma_semaphore, #tpu.memory_space<semaphore_mem>>)
        %dma_start3A_311 = arith.constant 3072 : i32
        %dma_start3A_312 = tpu.memref_slice %arg13[%dma_start3A_311] : memref<3200xf32, #tpu.memory_space<vmem>> -> memref<128xf32, #tpu.memory_space<vmem>>
        %dma_start3A_313 = arith.constant 3072 : i32
        %dma_start3A_314 = tpu.memref_slice %arg12[%dma_start3A_313] : memref<3200xi32, #tpu.memory_space<vmem>> -> memref<128xi32, #tpu.memory_space<vmem>>
        %dma_start3A_315 = arith.constant 0 : i32
        %dma_start3A_316 = tpu.memref_slice %arg2[%dma_start3A_315] : memref<100000xf32, #tpu.memory_space<hbm>> -> memref<100000xf32, #tpu.memory_space<hbm>>
        tpu.enqueue_indirect_dma source(%dma_start3A_316 : memref<100000xf32, #tpu.memory_space<hbm>>) target(%dma_start3A_312 : memref<128xf32, #tpu.memory_space<vmem>>) offsets(%dma_start3A_314 : memref<128xi32, #tpu.memory_space<vmem>>) semaphore(%arg15 : memref<!tpu.dma_semaphore, #tpu.memory_space<semaphore_mem>>)
        %dma_start3A_317 = arith.constant 3072 : i32
        %dma_start3A_318 = tpu.memref_slice %arg14[%dma_start3A_317] : memref<3200xf32, #tpu.memory_space<vmem>> -> memref<128xf32, #tpu.memory_space<vmem>>
        %dma_start3A_319 = arith.constant 3072 : i32
        %dma_start3A_320 = tpu.memref_slice %arg12[%dma_start3A_319] : memref<3200xi32, #tpu.memory_space<vmem>> -> memref<128xi32, #tpu.memory_space<vmem>>
        %dma_start3A_321 = arith.constant 0 : i32
        %dma_start3A_322 = tpu.memref_slice %arg3[%dma_start3A_321] : memref<100000xf32, #tpu.memory_space<hbm>> -> memref<100000xf32, #tpu.memory_space<hbm>>
        tpu.enqueue_indirect_dma source(%dma_start3A_322 : memref<100000xf32, #tpu.memory_space<hbm>>) target(%dma_start3A_318 : memref<128xf32, #tpu.memory_space<vmem>>) offsets(%dma_start3A_320 : memref<128xi32, #tpu.memory_space<vmem>>) semaphore(%arg15 : memref<!tpu.dma_semaphore, #tpu.memory_space<semaphore_mem>>)
        %dma_wait3A = arith.constant 0 : i32
        %dma_wait3A_323 = tpu.memref_slice %arg13[%dma_wait3A] : memref<3200xf32, #tpu.memory_space<vmem>> -> memref<128xf32, #tpu.memory_space<vmem>>
        %dma_wait3A_324 = arith.constant 0 : i32
        %dma_wait3A_325 = tpu.memref_slice %arg12[%dma_wait3A_324] : memref<3200xi32, #tpu.memory_space<vmem>> -> memref<128xi32, #tpu.memory_space<vmem>>
        %dma_wait3A_326 = arith.constant 0 : i32
        %dma_wait3A_327 = tpu.memref_slice %arg2[%dma_wait3A_326] : memref<100000xf32, #tpu.memory_space<hbm>> -> memref<100000xf32, #tpu.memory_space<hbm>>
        tpu.wait_indirect_dma semaphore(%arg15 : memref<!tpu.dma_semaphore, #tpu.memory_space<semaphore_mem>>) src(%dma_wait3A_327 : memref<100000xf32, #tpu.memory_space<hbm>>) dst(%dma_wait3A_323 : memref<128xf32, #tpu.memory_space<vmem>>)
        %dma_wait3A_328 = arith.constant 0 : i32
        %dma_wait3A_329 = tpu.memref_slice %arg14[%dma_wait3A_328] : memref<3200xf32, #tpu.memory_space<vmem>> -> memref<128xf32, #tpu.memory_space<vmem>>
        %dma_wait3A_330 = arith.constant 0 : i32
        %dma_wait3A_331 = tpu.memref_slice %arg12[%dma_wait3A_330] : memref<3200xi32, #tpu.memory_space<vmem>> -> memref<128xi32, #tpu.memory_space<vmem>>
        %dma_wait3A_332 = arith.constant 0 : i32
        %dma_wait3A_333 = tpu.memref_slice %arg3[%dma_wait3A_332] : memref<100000xf32, #tpu.memory_space<hbm>> -> memref<100000xf32, #tpu.memory_space<hbm>>
        tpu.wait_indirect_dma semaphore(%arg15 : memref<!tpu.dma_semaphore, #tpu.memory_space<semaphore_mem>>) src(%dma_wait3A_333 : memref<100000xf32, #tpu.memory_space<hbm>>) dst(%dma_wait3A_329 : memref<128xf32, #tpu.memory_space<vmem>>)
        %dma_wait3A_334 = arith.constant 128 : i32
        %dma_wait3A_335 = tpu.memref_slice %arg13[%dma_wait3A_334] : memref<3200xf32, #tpu.memory_space<vmem>> -> memref<128xf32, #tpu.memory_space<vmem>>
        %dma_wait3A_336 = arith.constant 128 : i32
        %dma_wait3A_337 = tpu.memref_slice %arg12[%dma_wait3A_336] : memref<3200xi32, #tpu.memory_space<vmem>> -> memref<128xi32, #tpu.memory_space<vmem>>
        %dma_wait3A_338 = arith.constant 0 : i32
        %dma_wait3A_339 = tpu.memref_slice %arg2[%dma_wait3A_338] : memref<100000xf32, #tpu.memory_space<hbm>> -> memref<100000xf32, #tpu.memory_space<hbm>>
        tpu.wait_indirect_dma semaphore(%arg15 : memref<!tpu.dma_semaphore, #tpu.memory_space<semaphore_mem>>) src(%dma_wait3A_339 : memref<100000xf32, #tpu.memory_space<hbm>>) dst(%dma_wait3A_335 : memref<128xf32, #tpu.memory_space<vmem>>)
        %dma_wait3A_340 = arith.constant 128 : i32
        %dma_wait3A_341 = tpu.memref_slice %arg14[%dma_wait3A_340] : memref<3200xf32, #tpu.memory_space<vmem>> -> memref<128xf32, #tpu.memory_space<vmem>>
        %dma_wait3A_342 = arith.constant 128 : i32
        %dma_wait3A_343 = tpu.memref_slice %arg12[%dma_wait3A_342] : memref<3200xi32, #tpu.memory_space<vmem>> -> memref<128xi32, #tpu.memory_space<vmem>>
        %dma_wait3A_344 = arith.constant 0 : i32
        %dma_wait3A_345 = tpu.memref_slice %arg3[%dma_wait3A_344] : memref<100000xf32, #tpu.memory_space<hbm>> -> memref<100000xf32, #tpu.memory_space<hbm>>
        tpu.wait_indirect_dma semaphore(%arg15 : memref<!tpu.dma_semaphore, #tpu.memory_space<semaphore_mem>>) src(%dma_wait3A_345 : memref<100000xf32, #tpu.memory_space<hbm>>) dst(%dma_wait3A_341 : memref<128xf32, #tpu.memory_space<vmem>>)
        %dma_wait3A_346 = arith.constant 256 : i32
        %dma_wait3A_347 = tpu.memref_slice %arg13[%dma_wait3A_346] : memref<3200xf32, #tpu.memory_space<vmem>> -> memref<128xf32, #tpu.memory_space<vmem>>
        %dma_wait3A_348 = arith.constant 256 : i32
        %dma_wait3A_349 = tpu.memref_slice %arg12[%dma_wait3A_348] : memref<3200xi32, #tpu.memory_space<vmem>> -> memref<128xi32, #tpu.memory_space<vmem>>
        %dma_wait3A_350 = arith.constant 0 : i32
        %dma_wait3A_351 = tpu.memref_slice %arg2[%dma_wait3A_350] : memref<100000xf32, #tpu.memory_space<hbm>> -> memref<100000xf32, #tpu.memory_space<hbm>>
        tpu.wait_indirect_dma semaphore(%arg15 : memref<!tpu.dma_semaphore, #tpu.memory_space<semaphore_mem>>) src(%dma_wait3A_351 : memref<100000xf32, #tpu.memory_space<hbm>>) dst(%dma_wait3A_347 : memref<128xf32, #tpu.memory_space<vmem>>)
        %dma_wait3A_352 = arith.constant 256 : i32
        %dma_wait3A_353 = tpu.memref_slice %arg14[%dma_wait3A_352] : memref<3200xf32, #tpu.memory_space<vmem>> -> memref<128xf32, #tpu.memory_space<vmem>>
        %dma_wait3A_354 = arith.constant 256 : i32
        %dma_wait3A_355 = tpu.memref_slice %arg12[%dma_wait3A_354] : memref<3200xi32, #tpu.memory_space<vmem>> -> memref<128xi32, #tpu.memory_space<vmem>>
        %dma_wait3A_356 = arith.constant 0 : i32
        %dma_wait3A_357 = tpu.memref_slice %arg3[%dma_wait3A_356] : memref<100000xf32, #tpu.memory_space<hbm>> -> memref<100000xf32, #tpu.memory_space<hbm>>
        tpu.wait_indirect_dma semaphore(%arg15 : memref<!tpu.dma_semaphore, #tpu.memory_space<semaphore_mem>>) src(%dma_wait3A_357 : memref<100000xf32, #tpu.memory_space<hbm>>) dst(%dma_wait3A_353 : memref<128xf32, #tpu.memory_space<vmem>>)
        %dma_wait3A_358 = arith.constant 384 : i32
        %dma_wait3A_359 = tpu.memref_slice %arg13[%dma_wait3A_358] : memref<3200xf32, #tpu.memory_space<vmem>> -> memref<128xf32, #tpu.memory_space<vmem>>
        %dma_wait3A_360 = arith.constant 384 : i32
        %dma_wait3A_361 = tpu.memref_slice %arg12[%dma_wait3A_360] : memref<3200xi32, #tpu.memory_space<vmem>> -> memref<128xi32, #tpu.memory_space<vmem>>
        %dma_wait3A_362 = arith.constant 0 : i32
        %dma_wait3A_363 = tpu.memref_slice %arg2[%dma_wait3A_362] : memref<100000xf32, #tpu.memory_space<hbm>> -> memref<100000xf32, #tpu.memory_space<hbm>>
        tpu.wait_indirect_dma semaphore(%arg15 : memref<!tpu.dma_semaphore, #tpu.memory_space<semaphore_mem>>) src(%dma_wait3A_363 : memref<100000xf32, #tpu.memory_space<hbm>>) dst(%dma_wait3A_359 : memref<128xf32, #tpu.memory_space<vmem>>)
        %dma_wait3A_364 = arith.constant 384 : i32
        %dma_wait3A_365 = tpu.memref_slice %arg14[%dma_wait3A_364] : memref<3200xf32, #tpu.memory_space<vmem>> -> memref<128xf32, #tpu.memory_space<vmem>>
        %dma_wait3A_366 = arith.constant 384 : i32
        %dma_wait3A_367 = tpu.memref_slice %arg12[%dma_wait3A_366] : memref<3200xi32, #tpu.memory_space<vmem>> -> memref<128xi32, #tpu.memory_space<vmem>>
        %dma_wait3A_368 = arith.constant 0 : i32
        %dma_wait3A_369 = tpu.memref_slice %arg3[%dma_wait3A_368] : memref<100000xf32, #tpu.memory_space<hbm>> -> memref<100000xf32, #tpu.memory_space<hbm>>
        tpu.wait_indirect_dma semaphore(%arg15 : memref<!tpu.dma_semaphore, #tpu.memory_space<semaphore_mem>>) src(%dma_wait3A_369 : memref<100000xf32, #tpu.memory_space<hbm>>) dst(%dma_wait3A_365 : memref<128xf32, #tpu.memory_space<vmem>>)
        %dma_wait3A_370 = arith.constant 512 : i32
        %dma_wait3A_371 = tpu.memref_slice %arg13[%dma_wait3A_370] : memref<3200xf32, #tpu.memory_space<vmem>> -> memref<128xf32, #tpu.memory_space<vmem>>
        %dma_wait3A_372 = arith.constant 512 : i32
        %dma_wait3A_373 = tpu.memref_slice %arg12[%dma_wait3A_372] : memref<3200xi32, #tpu.memory_space<vmem>> -> memref<128xi32, #tpu.memory_space<vmem>>
        %dma_wait3A_374 = arith.constant 0 : i32
        %dma_wait3A_375 = tpu.memref_slice %arg2[%dma_wait3A_374] : memref<100000xf32, #tpu.memory_space<hbm>> -> memref<100000xf32, #tpu.memory_space<hbm>>
        tpu.wait_indirect_dma semaphore(%arg15 : memref<!tpu.dma_semaphore, #tpu.memory_space<semaphore_mem>>) src(%dma_wait3A_375 : memref<100000xf32, #tpu.memory_space<hbm>>) dst(%dma_wait3A_371 : memref<128xf32, #tpu.memory_space<vmem>>)
        %dma_wait3A_376 = arith.constant 512 : i32
        %dma_wait3A_377 = tpu.memref_slice %arg14[%dma_wait3A_376] : memref<3200xf32, #tpu.memory_space<vmem>> -> memref<128xf32, #tpu.memory_space<vmem>>
        %dma_wait3A_378 = arith.constant 512 : i32
        %dma_wait3A_379 = tpu.memref_slice %arg12[%dma_wait3A_378] : memref<3200xi32, #tpu.memory_space<vmem>> -> memref<128xi32, #tpu.memory_space<vmem>>
        %dma_wait3A_380 = arith.constant 0 : i32
        %dma_wait3A_381 = tpu.memref_slice %arg3[%dma_wait3A_380] : memref<100000xf32, #tpu.memory_space<hbm>> -> memref<100000xf32, #tpu.memory_space<hbm>>
        tpu.wait_indirect_dma semaphore(%arg15 : memref<!tpu.dma_semaphore, #tpu.memory_space<semaphore_mem>>) src(%dma_wait3A_381 : memref<100000xf32, #tpu.memory_space<hbm>>) dst(%dma_wait3A_377 : memref<128xf32, #tpu.memory_space<vmem>>)
        %dma_wait3A_382 = arith.constant 640 : i32
        %dma_wait3A_383 = tpu.memref_slice %arg13[%dma_wait3A_382] : memref<3200xf32, #tpu.memory_space<vmem>> -> memref<128xf32, #tpu.memory_space<vmem>>
        %dma_wait3A_384 = arith.constant 640 : i32
        %dma_wait3A_385 = tpu.memref_slice %arg12[%dma_wait3A_384] : memref<3200xi32, #tpu.memory_space<vmem>> -> memref<128xi32, #tpu.memory_space<vmem>>
        %dma_wait3A_386 = arith.constant 0 : i32
        %dma_wait3A_387 = tpu.memref_slice %arg2[%dma_wait3A_386] : memref<100000xf32, #tpu.memory_space<hbm>> -> memref<100000xf32, #tpu.memory_space<hbm>>
        tpu.wait_indirect_dma semaphore(%arg15 : memref<!tpu.dma_semaphore, #tpu.memory_space<semaphore_mem>>) src(%dma_wait3A_387 : memref<100000xf32, #tpu.memory_space<hbm>>) dst(%dma_wait3A_383 : memref<128xf32, #tpu.memory_space<vmem>>)
        %dma_wait3A_388 = arith.constant 640 : i32
        %dma_wait3A_389 = tpu.memref_slice %arg14[%dma_wait3A_388] : memref<3200xf32, #tpu.memory_space<vmem>> -> memref<128xf32, #tpu.memory_space<vmem>>
        %dma_wait3A_390 = arith.constant 640 : i32
        %dma_wait3A_391 = tpu.memref_slice %arg12[%dma_wait3A_390] : memref<3200xi32, #tpu.memory_space<vmem>> -> memref<128xi32, #tpu.memory_space<vmem>>
        %dma_wait3A_392 = arith.constant 0 : i32
        %dma_wait3A_393 = tpu.memref_slice %arg3[%dma_wait3A_392] : memref<100000xf32, #tpu.memory_space<hbm>> -> memref<100000xf32, #tpu.memory_space<hbm>>
        tpu.wait_indirect_dma semaphore(%arg15 : memref<!tpu.dma_semaphore, #tpu.memory_space<semaphore_mem>>) src(%dma_wait3A_393 : memref<100000xf32, #tpu.memory_space<hbm>>) dst(%dma_wait3A_389 : memref<128xf32, #tpu.memory_space<vmem>>)
        %dma_wait3A_394 = arith.constant 768 : i32
        %dma_wait3A_395 = tpu.memref_slice %arg13[%dma_wait3A_394] : memref<3200xf32, #tpu.memory_space<vmem>> -> memref<128xf32, #tpu.memory_space<vmem>>
        %dma_wait3A_396 = arith.constant 768 : i32
        %dma_wait3A_397 = tpu.memref_slice %arg12[%dma_wait3A_396] : memref<3200xi32, #tpu.memory_space<vmem>> -> memref<128xi32, #tpu.memory_space<vmem>>
        %dma_wait3A_398 = arith.constant 0 : i32
        %dma_wait3A_399 = tpu.memref_slice %arg2[%dma_wait3A_398] : memref<100000xf32, #tpu.memory_space<hbm>> -> memref<100000xf32, #tpu.memory_space<hbm>>
        tpu.wait_indirect_dma semaphore(%arg15 : memref<!tpu.dma_semaphore, #tpu.memory_space<semaphore_mem>>) src(%dma_wait3A_399 : memref<100000xf32, #tpu.memory_space<hbm>>) dst(%dma_wait3A_395 : memref<128xf32, #tpu.memory_space<vmem>>)
        %dma_wait3A_400 = arith.constant 768 : i32
        %dma_wait3A_401 = tpu.memref_slice %arg14[%dma_wait3A_400] : memref<3200xf32, #tpu.memory_space<vmem>> -> memref<128xf32, #tpu.memory_space<vmem>>
        %dma_wait3A_402 = arith.constant 768 : i32
        %dma_wait3A_403 = tpu.memref_slice %arg12[%dma_wait3A_402] : memref<3200xi32, #tpu.memory_space<vmem>> -> memref<128xi32, #tpu.memory_space<vmem>>
        %dma_wait3A_404 = arith.constant 0 : i32
        %dma_wait3A_405 = tpu.memref_slice %arg3[%dma_wait3A_404] : memref<100000xf32, #tpu.memory_space<hbm>> -> memref<100000xf32, #tpu.memory_space<hbm>>
        tpu.wait_indirect_dma semaphore(%arg15 : memref<!tpu.dma_semaphore, #tpu.memory_space<semaphore_mem>>) src(%dma_wait3A_405 : memref<100000xf32, #tpu.memory_space<hbm>>) dst(%dma_wait3A_401 : memref<128xf32, #tpu.memory_space<vmem>>)
        %dma_wait3A_406 = arith.constant 896 : i32
        %dma_wait3A_407 = tpu.memref_slice %arg13[%dma_wait3A_406] : memref<3200xf32, #tpu.memory_space<vmem>> -> memref<128xf32, #tpu.memory_space<vmem>>
        %dma_wait3A_408 = arith.constant 896 : i32
        %dma_wait3A_409 = tpu.memref_slice %arg12[%dma_wait3A_408] : memref<3200xi32, #tpu.memory_space<vmem>> -> memref<128xi32, #tpu.memory_space<vmem>>
        %dma_wait3A_410 = arith.constant 0 : i32
        %dma_wait3A_411 = tpu.memref_slice %arg2[%dma_wait3A_410] : memref<100000xf32, #tpu.memory_space<hbm>> -> memref<100000xf32, #tpu.memory_space<hbm>>
        tpu.wait_indirect_dma semaphore(%arg15 : memref<!tpu.dma_semaphore, #tpu.memory_space<semaphore_mem>>) src(%dma_wait3A_411 : memref<100000xf32, #tpu.memory_space<hbm>>) dst(%dma_wait3A_407 : memref<128xf32, #tpu.memory_space<vmem>>)
        %dma_wait3A_412 = arith.constant 896 : i32
        %dma_wait3A_413 = tpu.memref_slice %arg14[%dma_wait3A_412] : memref<3200xf32, #tpu.memory_space<vmem>> -> memref<128xf32, #tpu.memory_space<vmem>>
        %dma_wait3A_414 = arith.constant 896 : i32
        %dma_wait3A_415 = tpu.memref_slice %arg12[%dma_wait3A_414] : memref<3200xi32, #tpu.memory_space<vmem>> -> memref<128xi32, #tpu.memory_space<vmem>>
        %dma_wait3A_416 = arith.constant 0 : i32
        %dma_wait3A_417 = tpu.memref_slice %arg3[%dma_wait3A_416] : memref<100000xf32, #tpu.memory_space<hbm>> -> memref<100000xf32, #tpu.memory_space<hbm>>
        tpu.wait_indirect_dma semaphore(%arg15 : memref<!tpu.dma_semaphore, #tpu.memory_space<semaphore_mem>>) src(%dma_wait3A_417 : memref<100000xf32, #tpu.memory_space<hbm>>) dst(%dma_wait3A_413 : memref<128xf32, #tpu.memory_space<vmem>>)
        %dma_wait3A_418 = arith.constant 1024 : i32
        %dma_wait3A_419 = tpu.memref_slice %arg13[%dma_wait3A_418] : memref<3200xf32, #tpu.memory_space<vmem>> -> memref<128xf32, #tpu.memory_space<vmem>>
        %dma_wait3A_420 = arith.constant 1024 : i32
        %dma_wait3A_421 = tpu.memref_slice %arg12[%dma_wait3A_420] : memref<3200xi32, #tpu.memory_space<vmem>> -> memref<128xi32, #tpu.memory_space<vmem>>
        %dma_wait3A_422 = arith.constant 0 : i32
        %dma_wait3A_423 = tpu.memref_slice %arg2[%dma_wait3A_422] : memref<100000xf32, #tpu.memory_space<hbm>> -> memref<100000xf32, #tpu.memory_space<hbm>>
        tpu.wait_indirect_dma semaphore(%arg15 : memref<!tpu.dma_semaphore, #tpu.memory_space<semaphore_mem>>) src(%dma_wait3A_423 : memref<100000xf32, #tpu.memory_space<hbm>>) dst(%dma_wait3A_419 : memref<128xf32, #tpu.memory_space<vmem>>)
        %dma_wait3A_424 = arith.constant 1024 : i32
        %dma_wait3A_425 = tpu.memref_slice %arg14[%dma_wait3A_424] : memref<3200xf32, #tpu.memory_space<vmem>> -> memref<128xf32, #tpu.memory_space<vmem>>
        %dma_wait3A_426 = arith.constant 1024 : i32
        %dma_wait3A_427 = tpu.memref_slice %arg12[%dma_wait3A_426] : memref<3200xi32, #tpu.memory_space<vmem>> -> memref<128xi32, #tpu.memory_space<vmem>>
        %dma_wait3A_428 = arith.constant 0 : i32
        %dma_wait3A_429 = tpu.memref_slice %arg3[%dma_wait3A_428] : memref<100000xf32, #tpu.memory_space<hbm>> -> memref<100000xf32, #tpu.memory_space<hbm>>
        tpu.wait_indirect_dma semaphore(%arg15 : memref<!tpu.dma_semaphore, #tpu.memory_space<semaphore_mem>>) src(%dma_wait3A_429 : memref<100000xf32, #tpu.memory_space<hbm>>) dst(%dma_wait3A_425 : memref<128xf32, #tpu.memory_space<vmem>>)
        %dma_wait3A_430 = arith.constant 1152 : i32
        %dma_wait3A_431 = tpu.memref_slice %arg13[%dma_wait3A_430] : memref<3200xf32, #tpu.memory_space<vmem>> -> memref<128xf32, #tpu.memory_space<vmem>>
        %dma_wait3A_432 = arith.constant 1152 : i32
        %dma_wait3A_433 = tpu.memref_slice %arg12[%dma_wait3A_432] : memref<3200xi32, #tpu.memory_space<vmem>> -> memref<128xi32, #tpu.memory_space<vmem>>
        %dma_wait3A_434 = arith.constant 0 : i32
        %dma_wait3A_435 = tpu.memref_slice %arg2[%dma_wait3A_434] : memref<100000xf32, #tpu.memory_space<hbm>> -> memref<100000xf32, #tpu.memory_space<hbm>>
        tpu.wait_indirect_dma semaphore(%arg15 : memref<!tpu.dma_semaphore, #tpu.memory_space<semaphore_mem>>) src(%dma_wait3A_435 : memref<100000xf32, #tpu.memory_space<hbm>>) dst(%dma_wait3A_431 : memref<128xf32, #tpu.memory_space<vmem>>)
        %dma_wait3A_436 = arith.constant 1152 : i32
        %dma_wait3A_437 = tpu.memref_slice %arg14[%dma_wait3A_436] : memref<3200xf32, #tpu.memory_space<vmem>> -> memref<128xf32, #tpu.memory_space<vmem>>
        %dma_wait3A_438 = arith.constant 1152 : i32
        %dma_wait3A_439 = tpu.memref_slice %arg12[%dma_wait3A_438] : memref<3200xi32, #tpu.memory_space<vmem>> -> memref<128xi32, #tpu.memory_space<vmem>>
        %dma_wait3A_440 = arith.constant 0 : i32
        %dma_wait3A_441 = tpu.memref_slice %arg3[%dma_wait3A_440] : memref<100000xf32, #tpu.memory_space<hbm>> -> memref<100000xf32, #tpu.memory_space<hbm>>
        tpu.wait_indirect_dma semaphore(%arg15 : memref<!tpu.dma_semaphore, #tpu.memory_space<semaphore_mem>>) src(%dma_wait3A_441 : memref<100000xf32, #tpu.memory_space<hbm>>) dst(%dma_wait3A_437 : memref<128xf32, #tpu.memory_space<vmem>>)
        %dma_wait3A_442 = arith.constant 1280 : i32
        %dma_wait3A_443 = tpu.memref_slice %arg13[%dma_wait3A_442] : memref<3200xf32, #tpu.memory_space<vmem>> -> memref<128xf32, #tpu.memory_space<vmem>>
        %dma_wait3A_444 = arith.constant 1280 : i32
        %dma_wait3A_445 = tpu.memref_slice %arg12[%dma_wait3A_444] : memref<3200xi32, #tpu.memory_space<vmem>> -> memref<128xi32, #tpu.memory_space<vmem>>
        %dma_wait3A_446 = arith.constant 0 : i32
        %dma_wait3A_447 = tpu.memref_slice %arg2[%dma_wait3A_446] : memref<100000xf32, #tpu.memory_space<hbm>> -> memref<100000xf32, #tpu.memory_space<hbm>>
        tpu.wait_indirect_dma semaphore(%arg15 : memref<!tpu.dma_semaphore, #tpu.memory_space<semaphore_mem>>) src(%dma_wait3A_447 : memref<100000xf32, #tpu.memory_space<hbm>>) dst(%dma_wait3A_443 : memref<128xf32, #tpu.memory_space<vmem>>)
        %dma_wait3A_448 = arith.constant 1280 : i32
        %dma_wait3A_449 = tpu.memref_slice %arg14[%dma_wait3A_448] : memref<3200xf32, #tpu.memory_space<vmem>> -> memref<128xf32, #tpu.memory_space<vmem>>
        %dma_wait3A_450 = arith.constant 1280 : i32
        %dma_wait3A_451 = tpu.memref_slice %arg12[%dma_wait3A_450] : memref<3200xi32, #tpu.memory_space<vmem>> -> memref<128xi32, #tpu.memory_space<vmem>>
        %dma_wait3A_452 = arith.constant 0 : i32
        %dma_wait3A_453 = tpu.memref_slice %arg3[%dma_wait3A_452] : memref<100000xf32, #tpu.memory_space<hbm>> -> memref<100000xf32, #tpu.memory_space<hbm>>
        tpu.wait_indirect_dma semaphore(%arg15 : memref<!tpu.dma_semaphore, #tpu.memory_space<semaphore_mem>>) src(%dma_wait3A_453 : memref<100000xf32, #tpu.memory_space<hbm>>) dst(%dma_wait3A_449 : memref<128xf32, #tpu.memory_space<vmem>>)
        %dma_wait3A_454 = arith.constant 1408 : i32
        %dma_wait3A_455 = tpu.memref_slice %arg13[%dma_wait3A_454] : memref<3200xf32, #tpu.memory_space<vmem>> -> memref<128xf32, #tpu.memory_space<vmem>>
        %dma_wait3A_456 = arith.constant 1408 : i32
        %dma_wait3A_457 = tpu.memref_slice %arg12[%dma_wait3A_456] : memref<3200xi32, #tpu.memory_space<vmem>> -> memref<128xi32, #tpu.memory_space<vmem>>
        %dma_wait3A_458 = arith.constant 0 : i32
        %dma_wait3A_459 = tpu.memref_slice %arg2[%dma_wait3A_458] : memref<100000xf32, #tpu.memory_space<hbm>> -> memref<100000xf32, #tpu.memory_space<hbm>>
        tpu.wait_indirect_dma semaphore(%arg15 : memref<!tpu.dma_semaphore, #tpu.memory_space<semaphore_mem>>) src(%dma_wait3A_459 : memref<100000xf32, #tpu.memory_space<hbm>>) dst(%dma_wait3A_455 : memref<128xf32, #tpu.memory_space<vmem>>)
        %dma_wait3A_460 = arith.constant 1408 : i32
        %dma_wait3A_461 = tpu.memref_slice %arg14[%dma_wait3A_460] : memref<3200xf32, #tpu.memory_space<vmem>> -> memref<128xf32, #tpu.memory_space<vmem>>
        %dma_wait3A_462 = arith.constant 1408 : i32
        %dma_wait3A_463 = tpu.memref_slice %arg12[%dma_wait3A_462] : memref<3200xi32, #tpu.memory_space<vmem>> -> memref<128xi32, #tpu.memory_space<vmem>>
        %dma_wait3A_464 = arith.constant 0 : i32
        %dma_wait3A_465 = tpu.memref_slice %arg3[%dma_wait3A_464] : memref<100000xf32, #tpu.memory_space<hbm>> -> memref<100000xf32, #tpu.memory_space<hbm>>
        tpu.wait_indirect_dma semaphore(%arg15 : memref<!tpu.dma_semaphore, #tpu.memory_space<semaphore_mem>>) src(%dma_wait3A_465 : memref<100000xf32, #tpu.memory_space<hbm>>) dst(%dma_wait3A_461 : memref<128xf32, #tpu.memory_space<vmem>>)
        %dma_wait3A_466 = arith.constant 1536 : i32
        %dma_wait3A_467 = tpu.memref_slice %arg13[%dma_wait3A_466] : memref<3200xf32, #tpu.memory_space<vmem>> -> memref<128xf32, #tpu.memory_space<vmem>>
        %dma_wait3A_468 = arith.constant 1536 : i32
        %dma_wait3A_469 = tpu.memref_slice %arg12[%dma_wait3A_468] : memref<3200xi32, #tpu.memory_space<vmem>> -> memref<128xi32, #tpu.memory_space<vmem>>
        %dma_wait3A_470 = arith.constant 0 : i32
        %dma_wait3A_471 = tpu.memref_slice %arg2[%dma_wait3A_470] : memref<100000xf32, #tpu.memory_space<hbm>> -> memref<100000xf32, #tpu.memory_space<hbm>>
        tpu.wait_indirect_dma semaphore(%arg15 : memref<!tpu.dma_semaphore, #tpu.memory_space<semaphore_mem>>) src(%dma_wait3A_471 : memref<100000xf32, #tpu.memory_space<hbm>>) dst(%dma_wait3A_467 : memref<128xf32, #tpu.memory_space<vmem>>)
        %dma_wait3A_472 = arith.constant 1536 : i32
        %dma_wait3A_473 = tpu.memref_slice %arg14[%dma_wait3A_472] : memref<3200xf32, #tpu.memory_space<vmem>> -> memref<128xf32, #tpu.memory_space<vmem>>
        %dma_wait3A_474 = arith.constant 1536 : i32
        %dma_wait3A_475 = tpu.memref_slice %arg12[%dma_wait3A_474] : memref<3200xi32, #tpu.memory_space<vmem>> -> memref<128xi32, #tpu.memory_space<vmem>>
        %dma_wait3A_476 = arith.constant 0 : i32
        %dma_wait3A_477 = tpu.memref_slice %arg3[%dma_wait3A_476] : memref<100000xf32, #tpu.memory_space<hbm>> -> memref<100000xf32, #tpu.memory_space<hbm>>
        tpu.wait_indirect_dma semaphore(%arg15 : memref<!tpu.dma_semaphore, #tpu.memory_space<semaphore_mem>>) src(%dma_wait3A_477 : memref<100000xf32, #tpu.memory_space<hbm>>) dst(%dma_wait3A_473 : memref<128xf32, #tpu.memory_space<vmem>>)
        %dma_wait3A_478 = arith.constant 1664 : i32
        %dma_wait3A_479 = tpu.memref_slice %arg13[%dma_wait3A_478] : memref<3200xf32, #tpu.memory_space<vmem>> -> memref<128xf32, #tpu.memory_space<vmem>>
        %dma_wait3A_480 = arith.constant 1664 : i32
        %dma_wait3A_481 = tpu.memref_slice %arg12[%dma_wait3A_480] : memref<3200xi32, #tpu.memory_space<vmem>> -> memref<128xi32, #tpu.memory_space<vmem>>
        %dma_wait3A_482 = arith.constant 0 : i32
        %dma_wait3A_483 = tpu.memref_slice %arg2[%dma_wait3A_482] : memref<100000xf32, #tpu.memory_space<hbm>> -> memref<100000xf32, #tpu.memory_space<hbm>>
        tpu.wait_indirect_dma semaphore(%arg15 : memref<!tpu.dma_semaphore, #tpu.memory_space<semaphore_mem>>) src(%dma_wait3A_483 : memref<100000xf32, #tpu.memory_space<hbm>>) dst(%dma_wait3A_479 : memref<128xf32, #tpu.memory_space<vmem>>)
        %dma_wait3A_484 = arith.constant 1664 : i32
        %dma_wait3A_485 = tpu.memref_slice %arg14[%dma_wait3A_484] : memref<3200xf32, #tpu.memory_space<vmem>> -> memref<128xf32, #tpu.memory_space<vmem>>
        %dma_wait3A_486 = arith.constant 1664 : i32
        %dma_wait3A_487 = tpu.memref_slice %arg12[%dma_wait3A_486] : memref<3200xi32, #tpu.memory_space<vmem>> -> memref<128xi32, #tpu.memory_space<vmem>>
        %dma_wait3A_488 = arith.constant 0 : i32
        %dma_wait3A_489 = tpu.memref_slice %arg3[%dma_wait3A_488] : memref<100000xf32, #tpu.memory_space<hbm>> -> memref<100000xf32, #tpu.memory_space<hbm>>
        tpu.wait_indirect_dma semaphore(%arg15 : memref<!tpu.dma_semaphore, #tpu.memory_space<semaphore_mem>>) src(%dma_wait3A_489 : memref<100000xf32, #tpu.memory_space<hbm>>) dst(%dma_wait3A_485 : memref<128xf32, #tpu.memory_space<vmem>>)
        %dma_wait3A_490 = arith.constant 1792 : i32
        %dma_wait3A_491 = tpu.memref_slice %arg13[%dma_wait3A_490] : memref<3200xf32, #tpu.memory_space<vmem>> -> memref<128xf32, #tpu.memory_space<vmem>>
        %dma_wait3A_492 = arith.constant 1792 : i32
        %dma_wait3A_493 = tpu.memref_slice %arg12[%dma_wait3A_492] : memref<3200xi32, #tpu.memory_space<vmem>> -> memref<128xi32, #tpu.memory_space<vmem>>
        %dma_wait3A_494 = arith.constant 0 : i32
        %dma_wait3A_495 = tpu.memref_slice %arg2[%dma_wait3A_494] : memref<100000xf32, #tpu.memory_space<hbm>> -> memref<100000xf32, #tpu.memory_space<hbm>>
        tpu.wait_indirect_dma semaphore(%arg15 : memref<!tpu.dma_semaphore, #tpu.memory_space<semaphore_mem>>) src(%dma_wait3A_495 : memref<100000xf32, #tpu.memory_space<hbm>>) dst(%dma_wait3A_491 : memref<128xf32, #tpu.memory_space<vmem>>)
        %dma_wait3A_496 = arith.constant 1792 : i32
        %dma_wait3A_497 = tpu.memref_slice %arg14[%dma_wait3A_496] : memref<3200xf32, #tpu.memory_space<vmem>> -> memref<128xf32, #tpu.memory_space<vmem>>
        %dma_wait3A_498 = arith.constant 1792 : i32
        %dma_wait3A_499 = tpu.memref_slice %arg12[%dma_wait3A_498] : memref<3200xi32, #tpu.memory_space<vmem>> -> memref<128xi32, #tpu.memory_space<vmem>>
        %dma_wait3A_500 = arith.constant 0 : i32
        %dma_wait3A_501 = tpu.memref_slice %arg3[%dma_wait3A_500] : memref<100000xf32, #tpu.memory_space<hbm>> -> memref<100000xf32, #tpu.memory_space<hbm>>
        tpu.wait_indirect_dma semaphore(%arg15 : memref<!tpu.dma_semaphore, #tpu.memory_space<semaphore_mem>>) src(%dma_wait3A_501 : memref<100000xf32, #tpu.memory_space<hbm>>) dst(%dma_wait3A_497 : memref<128xf32, #tpu.memory_space<vmem>>)
        %dma_wait3A_502 = arith.constant 1920 : i32
        %dma_wait3A_503 = tpu.memref_slice %arg13[%dma_wait3A_502] : memref<3200xf32, #tpu.memory_space<vmem>> -> memref<128xf32, #tpu.memory_space<vmem>>
        %dma_wait3A_504 = arith.constant 1920 : i32
        %dma_wait3A_505 = tpu.memref_slice %arg12[%dma_wait3A_504] : memref<3200xi32, #tpu.memory_space<vmem>> -> memref<128xi32, #tpu.memory_space<vmem>>
        %dma_wait3A_506 = arith.constant 0 : i32
        %dma_wait3A_507 = tpu.memref_slice %arg2[%dma_wait3A_506] : memref<100000xf32, #tpu.memory_space<hbm>> -> memref<100000xf32, #tpu.memory_space<hbm>>
        tpu.wait_indirect_dma semaphore(%arg15 : memref<!tpu.dma_semaphore, #tpu.memory_space<semaphore_mem>>) src(%dma_wait3A_507 : memref<100000xf32, #tpu.memory_space<hbm>>) dst(%dma_wait3A_503 : memref<128xf32, #tpu.memory_space<vmem>>)
        %dma_wait3A_508 = arith.constant 1920 : i32
        %dma_wait3A_509 = tpu.memref_slice %arg14[%dma_wait3A_508] : memref<3200xf32, #tpu.memory_space<vmem>> -> memref<128xf32, #tpu.memory_space<vmem>>
        %dma_wait3A_510 = arith.constant 1920 : i32
        %dma_wait3A_511 = tpu.memref_slice %arg12[%dma_wait3A_510] : memref<3200xi32, #tpu.memory_space<vmem>> -> memref<128xi32, #tpu.memory_space<vmem>>
        %dma_wait3A_512 = arith.constant 0 : i32
        %dma_wait3A_513 = tpu.memref_slice %arg3[%dma_wait3A_512] : memref<100000xf32, #tpu.memory_space<hbm>> -> memref<100000xf32, #tpu.memory_space<hbm>>
        tpu.wait_indirect_dma semaphore(%arg15 : memref<!tpu.dma_semaphore, #tpu.memory_space<semaphore_mem>>) src(%dma_wait3A_513 : memref<100000xf32, #tpu.memory_space<hbm>>) dst(%dma_wait3A_509 : memref<128xf32, #tpu.memory_space<vmem>>)
        %dma_wait3A_514 = arith.constant 2048 : i32
        %dma_wait3A_515 = tpu.memref_slice %arg13[%dma_wait3A_514] : memref<3200xf32, #tpu.memory_space<vmem>> -> memref<128xf32, #tpu.memory_space<vmem>>
        %dma_wait3A_516 = arith.constant 2048 : i32
        %dma_wait3A_517 = tpu.memref_slice %arg12[%dma_wait3A_516] : memref<3200xi32, #tpu.memory_space<vmem>> -> memref<128xi32, #tpu.memory_space<vmem>>
        %dma_wait3A_518 = arith.constant 0 : i32
        %dma_wait3A_519 = tpu.memref_slice %arg2[%dma_wait3A_518] : memref<100000xf32, #tpu.memory_space<hbm>> -> memref<100000xf32, #tpu.memory_space<hbm>>
        tpu.wait_indirect_dma semaphore(%arg15 : memref<!tpu.dma_semaphore, #tpu.memory_space<semaphore_mem>>) src(%dma_wait3A_519 : memref<100000xf32, #tpu.memory_space<hbm>>) dst(%dma_wait3A_515 : memref<128xf32, #tpu.memory_space<vmem>>)
        %dma_wait3A_520 = arith.constant 2048 : i32
        %dma_wait3A_521 = tpu.memref_slice %arg14[%dma_wait3A_520] : memref<3200xf32, #tpu.memory_space<vmem>> -> memref<128xf32, #tpu.memory_space<vmem>>
        %dma_wait3A_522 = arith.constant 2048 : i32
        %dma_wait3A_523 = tpu.memref_slice %arg12[%dma_wait3A_522] : memref<3200xi32, #tpu.memory_space<vmem>> -> memref<128xi32, #tpu.memory_space<vmem>>
        %dma_wait3A_524 = arith.constant 0 : i32
        %dma_wait3A_525 = tpu.memref_slice %arg3[%dma_wait3A_524] : memref<100000xf32, #tpu.memory_space<hbm>> -> memref<100000xf32, #tpu.memory_space<hbm>>
        tpu.wait_indirect_dma semaphore(%arg15 : memref<!tpu.dma_semaphore, #tpu.memory_space<semaphore_mem>>) src(%dma_wait3A_525 : memref<100000xf32, #tpu.memory_space<hbm>>) dst(%dma_wait3A_521 : memref<128xf32, #tpu.memory_space<vmem>>)
        %dma_wait3A_526 = arith.constant 2176 : i32
        %dma_wait3A_527 = tpu.memref_slice %arg13[%dma_wait3A_526] : memref<3200xf32, #tpu.memory_space<vmem>> -> memref<128xf32, #tpu.memory_space<vmem>>
        %dma_wait3A_528 = arith.constant 2176 : i32
        %dma_wait3A_529 = tpu.memref_slice %arg12[%dma_wait3A_528] : memref<3200xi32, #tpu.memory_space<vmem>> -> memref<128xi32, #tpu.memory_space<vmem>>
        %dma_wait3A_530 = arith.constant 0 : i32
        %dma_wait3A_531 = tpu.memref_slice %arg2[%dma_wait3A_530] : memref<100000xf32, #tpu.memory_space<hbm>> -> memref<100000xf32, #tpu.memory_space<hbm>>
        tpu.wait_indirect_dma semaphore(%arg15 : memref<!tpu.dma_semaphore, #tpu.memory_space<semaphore_mem>>) src(%dma_wait3A_531 : memref<100000xf32, #tpu.memory_space<hbm>>) dst(%dma_wait3A_527 : memref<128xf32, #tpu.memory_space<vmem>>)
        %dma_wait3A_532 = arith.constant 2176 : i32
        %dma_wait3A_533 = tpu.memref_slice %arg14[%dma_wait3A_532] : memref<3200xf32, #tpu.memory_space<vmem>> -> memref<128xf32, #tpu.memory_space<vmem>>
        %dma_wait3A_534 = arith.constant 2176 : i32
        %dma_wait3A_535 = tpu.memref_slice %arg12[%dma_wait3A_534] : memref<3200xi32, #tpu.memory_space<vmem>> -> memref<128xi32, #tpu.memory_space<vmem>>
        %dma_wait3A_536 = arith.constant 0 : i32
        %dma_wait3A_537 = tpu.memref_slice %arg3[%dma_wait3A_536] : memref<100000xf32, #tpu.memory_space<hbm>> -> memref<100000xf32, #tpu.memory_space<hbm>>
        tpu.wait_indirect_dma semaphore(%arg15 : memref<!tpu.dma_semaphore, #tpu.memory_space<semaphore_mem>>) src(%dma_wait3A_537 : memref<100000xf32, #tpu.memory_space<hbm>>) dst(%dma_wait3A_533 : memref<128xf32, #tpu.memory_space<vmem>>)
        %dma_wait3A_538 = arith.constant 2304 : i32
        %dma_wait3A_539 = tpu.memref_slice %arg13[%dma_wait3A_538] : memref<3200xf32, #tpu.memory_space<vmem>> -> memref<128xf32, #tpu.memory_space<vmem>>
        %dma_wait3A_540 = arith.constant 2304 : i32
        %dma_wait3A_541 = tpu.memref_slice %arg12[%dma_wait3A_540] : memref<3200xi32, #tpu.memory_space<vmem>> -> memref<128xi32, #tpu.memory_space<vmem>>
        %dma_wait3A_542 = arith.constant 0 : i32
        %dma_wait3A_543 = tpu.memref_slice %arg2[%dma_wait3A_542] : memref<100000xf32, #tpu.memory_space<hbm>> -> memref<100000xf32, #tpu.memory_space<hbm>>
        tpu.wait_indirect_dma semaphore(%arg15 : memref<!tpu.dma_semaphore, #tpu.memory_space<semaphore_mem>>) src(%dma_wait3A_543 : memref<100000xf32, #tpu.memory_space<hbm>>) dst(%dma_wait3A_539 : memref<128xf32, #tpu.memory_space<vmem>>)
        %dma_wait3A_544 = arith.constant 2304 : i32
        %dma_wait3A_545 = tpu.memref_slice %arg14[%dma_wait3A_544] : memref<3200xf32, #tpu.memory_space<vmem>> -> memref<128xf32, #tpu.memory_space<vmem>>
        %dma_wait3A_546 = arith.constant 2304 : i32
        %dma_wait3A_547 = tpu.memref_slice %arg12[%dma_wait3A_546] : memref<3200xi32, #tpu.memory_space<vmem>> -> memref<128xi32, #tpu.memory_space<vmem>>
        %dma_wait3A_548 = arith.constant 0 : i32
        %dma_wait3A_549 = tpu.memref_slice %arg3[%dma_wait3A_548] : memref<100000xf32, #tpu.memory_space<hbm>> -> memref<100000xf32, #tpu.memory_space<hbm>>
        tpu.wait_indirect_dma semaphore(%arg15 : memref<!tpu.dma_semaphore, #tpu.memory_space<semaphore_mem>>) src(%dma_wait3A_549 : memref<100000xf32, #tpu.memory_space<hbm>>) dst(%dma_wait3A_545 : memref<128xf32, #tpu.memory_space<vmem>>)
        %dma_wait3A_550 = arith.constant 2432 : i32
        %dma_wait3A_551 = tpu.memref_slice %arg13[%dma_wait3A_550] : memref<3200xf32, #tpu.memory_space<vmem>> -> memref<128xf32, #tpu.memory_space<vmem>>
        %dma_wait3A_552 = arith.constant 2432 : i32
        %dma_wait3A_553 = tpu.memref_slice %arg12[%dma_wait3A_552] : memref<3200xi32, #tpu.memory_space<vmem>> -> memref<128xi32, #tpu.memory_space<vmem>>
        %dma_wait3A_554 = arith.constant 0 : i32
        %dma_wait3A_555 = tpu.memref_slice %arg2[%dma_wait3A_554] : memref<100000xf32, #tpu.memory_space<hbm>> -> memref<100000xf32, #tpu.memory_space<hbm>>
        tpu.wait_indirect_dma semaphore(%arg15 : memref<!tpu.dma_semaphore, #tpu.memory_space<semaphore_mem>>) src(%dma_wait3A_555 : memref<100000xf32, #tpu.memory_space<hbm>>) dst(%dma_wait3A_551 : memref<128xf32, #tpu.memory_space<vmem>>)
        %dma_wait3A_556 = arith.constant 2432 : i32
        %dma_wait3A_557 = tpu.memref_slice %arg14[%dma_wait3A_556] : memref<3200xf32, #tpu.memory_space<vmem>> -> memref<128xf32, #tpu.memory_space<vmem>>
        %dma_wait3A_558 = arith.constant 2432 : i32
        %dma_wait3A_559 = tpu.memref_slice %arg12[%dma_wait3A_558] : memref<3200xi32, #tpu.memory_space<vmem>> -> memref<128xi32, #tpu.memory_space<vmem>>
        %dma_wait3A_560 = arith.constant 0 : i32
        %dma_wait3A_561 = tpu.memref_slice %arg3[%dma_wait3A_560] : memref<100000xf32, #tpu.memory_space<hbm>> -> memref<100000xf32, #tpu.memory_space<hbm>>
        tpu.wait_indirect_dma semaphore(%arg15 : memref<!tpu.dma_semaphore, #tpu.memory_space<semaphore_mem>>) src(%dma_wait3A_561 : memref<100000xf32, #tpu.memory_space<hbm>>) dst(%dma_wait3A_557 : memref<128xf32, #tpu.memory_space<vmem>>)
        %dma_wait3A_562 = arith.constant 2560 : i32
        %dma_wait3A_563 = tpu.memref_slice %arg13[%dma_wait3A_562] : memref<3200xf32, #tpu.memory_space<vmem>> -> memref<128xf32, #tpu.memory_space<vmem>>
        %dma_wait3A_564 = arith.constant 2560 : i32
        %dma_wait3A_565 = tpu.memref_slice %arg12[%dma_wait3A_564] : memref<3200xi32, #tpu.memory_space<vmem>> -> memref<128xi32, #tpu.memory_space<vmem>>
        %dma_wait3A_566 = arith.constant 0 : i32
        %dma_wait3A_567 = tpu.memref_slice %arg2[%dma_wait3A_566] : memref<100000xf32, #tpu.memory_space<hbm>> -> memref<100000xf32, #tpu.memory_space<hbm>>
        tpu.wait_indirect_dma semaphore(%arg15 : memref<!tpu.dma_semaphore, #tpu.memory_space<semaphore_mem>>) src(%dma_wait3A_567 : memref<100000xf32, #tpu.memory_space<hbm>>) dst(%dma_wait3A_563 : memref<128xf32, #tpu.memory_space<vmem>>)
        %dma_wait3A_568 = arith.constant 2560 : i32
        %dma_wait3A_569 = tpu.memref_slice %arg14[%dma_wait3A_568] : memref<3200xf32, #tpu.memory_space<vmem>> -> memref<128xf32, #tpu.memory_space<vmem>>
        %dma_wait3A_570 = arith.constant 2560 : i32
        %dma_wait3A_571 = tpu.memref_slice %arg12[%dma_wait3A_570] : memref<3200xi32, #tpu.memory_space<vmem>> -> memref<128xi32, #tpu.memory_space<vmem>>
        %dma_wait3A_572 = arith.constant 0 : i32
        %dma_wait3A_573 = tpu.memref_slice %arg3[%dma_wait3A_572] : memref<100000xf32, #tpu.memory_space<hbm>> -> memref<100000xf32, #tpu.memory_space<hbm>>
        tpu.wait_indirect_dma semaphore(%arg15 : memref<!tpu.dma_semaphore, #tpu.memory_space<semaphore_mem>>) src(%dma_wait3A_573 : memref<100000xf32, #tpu.memory_space<hbm>>) dst(%dma_wait3A_569 : memref<128xf32, #tpu.memory_space<vmem>>)
        %dma_wait3A_574 = arith.constant 2688 : i32
        %dma_wait3A_575 = tpu.memref_slice %arg13[%dma_wait3A_574] : memref<3200xf32, #tpu.memory_space<vmem>> -> memref<128xf32, #tpu.memory_space<vmem>>
        %dma_wait3A_576 = arith.constant 2688 : i32
        %dma_wait3A_577 = tpu.memref_slice %arg12[%dma_wait3A_576] : memref<3200xi32, #tpu.memory_space<vmem>> -> memref<128xi32, #tpu.memory_space<vmem>>
        %dma_wait3A_578 = arith.constant 0 : i32
        %dma_wait3A_579 = tpu.memref_slice %arg2[%dma_wait3A_578] : memref<100000xf32, #tpu.memory_space<hbm>> -> memref<100000xf32, #tpu.memory_space<hbm>>
        tpu.wait_indirect_dma semaphore(%arg15 : memref<!tpu.dma_semaphore, #tpu.memory_space<semaphore_mem>>) src(%dma_wait3A_579 : memref<100000xf32, #tpu.memory_space<hbm>>) dst(%dma_wait3A_575 : memref<128xf32, #tpu.memory_space<vmem>>)
        %dma_wait3A_580 = arith.constant 2688 : i32
        %dma_wait3A_581 = tpu.memref_slice %arg14[%dma_wait3A_580] : memref<3200xf32, #tpu.memory_space<vmem>> -> memref<128xf32, #tpu.memory_space<vmem>>
        %dma_wait3A_582 = arith.constant 2688 : i32
        %dma_wait3A_583 = tpu.memref_slice %arg12[%dma_wait3A_582] : memref<3200xi32, #tpu.memory_space<vmem>> -> memref<128xi32, #tpu.memory_space<vmem>>
        %dma_wait3A_584 = arith.constant 0 : i32
        %dma_wait3A_585 = tpu.memref_slice %arg3[%dma_wait3A_584] : memref<100000xf32, #tpu.memory_space<hbm>> -> memref<100000xf32, #tpu.memory_space<hbm>>
        tpu.wait_indirect_dma semaphore(%arg15 : memref<!tpu.dma_semaphore, #tpu.memory_space<semaphore_mem>>) src(%dma_wait3A_585 : memref<100000xf32, #tpu.memory_space<hbm>>) dst(%dma_wait3A_581 : memref<128xf32, #tpu.memory_space<vmem>>)
        %dma_wait3A_586 = arith.constant 2816 : i32
        %dma_wait3A_587 = tpu.memref_slice %arg13[%dma_wait3A_586] : memref<3200xf32, #tpu.memory_space<vmem>> -> memref<128xf32, #tpu.memory_space<vmem>>
        %dma_wait3A_588 = arith.constant 2816 : i32
        %dma_wait3A_589 = tpu.memref_slice %arg12[%dma_wait3A_588] : memref<3200xi32, #tpu.memory_space<vmem>> -> memref<128xi32, #tpu.memory_space<vmem>>
        %dma_wait3A_590 = arith.constant 0 : i32
        %dma_wait3A_591 = tpu.memref_slice %arg2[%dma_wait3A_590] : memref<100000xf32, #tpu.memory_space<hbm>> -> memref<100000xf32, #tpu.memory_space<hbm>>
        tpu.wait_indirect_dma semaphore(%arg15 : memref<!tpu.dma_semaphore, #tpu.memory_space<semaphore_mem>>) src(%dma_wait3A_591 : memref<100000xf32, #tpu.memory_space<hbm>>) dst(%dma_wait3A_587 : memref<128xf32, #tpu.memory_space<vmem>>)
        %dma_wait3A_592 = arith.constant 2816 : i32
        %dma_wait3A_593 = tpu.memref_slice %arg14[%dma_wait3A_592] : memref<3200xf32, #tpu.memory_space<vmem>> -> memref<128xf32, #tpu.memory_space<vmem>>
        %dma_wait3A_594 = arith.constant 2816 : i32
        %dma_wait3A_595 = tpu.memref_slice %arg12[%dma_wait3A_594] : memref<3200xi32, #tpu.memory_space<vmem>> -> memref<128xi32, #tpu.memory_space<vmem>>
        %dma_wait3A_596 = arith.constant 0 : i32
        %dma_wait3A_597 = tpu.memref_slice %arg3[%dma_wait3A_596] : memref<100000xf32, #tpu.memory_space<hbm>> -> memref<100000xf32, #tpu.memory_space<hbm>>
        tpu.wait_indirect_dma semaphore(%arg15 : memref<!tpu.dma_semaphore, #tpu.memory_space<semaphore_mem>>) src(%dma_wait3A_597 : memref<100000xf32, #tpu.memory_space<hbm>>) dst(%dma_wait3A_593 : memref<128xf32, #tpu.memory_space<vmem>>)
        %dma_wait3A_598 = arith.constant 2944 : i32
        %dma_wait3A_599 = tpu.memref_slice %arg13[%dma_wait3A_598] : memref<3200xf32, #tpu.memory_space<vmem>> -> memref<128xf32, #tpu.memory_space<vmem>>
        %dma_wait3A_600 = arith.constant 2944 : i32
        %dma_wait3A_601 = tpu.memref_slice %arg12[%dma_wait3A_600] : memref<3200xi32, #tpu.memory_space<vmem>> -> memref<128xi32, #tpu.memory_space<vmem>>
        %dma_wait3A_602 = arith.constant 0 : i32
        %dma_wait3A_603 = tpu.memref_slice %arg2[%dma_wait3A_602] : memref<100000xf32, #tpu.memory_space<hbm>> -> memref<100000xf32, #tpu.memory_space<hbm>>
        tpu.wait_indirect_dma semaphore(%arg15 : memref<!tpu.dma_semaphore, #tpu.memory_space<semaphore_mem>>) src(%dma_wait3A_603 : memref<100000xf32, #tpu.memory_space<hbm>>) dst(%dma_wait3A_599 : memref<128xf32, #tpu.memory_space<vmem>>)
        %dma_wait3A_604 = arith.constant 2944 : i32
        %dma_wait3A_605 = tpu.memref_slice %arg14[%dma_wait3A_604] : memref<3200xf32, #tpu.memory_space<vmem>> -> memref<128xf32, #tpu.memory_space<vmem>>
        %dma_wait3A_606 = arith.constant 2944 : i32
        %dma_wait3A_607 = tpu.memref_slice %arg12[%dma_wait3A_606] : memref<3200xi32, #tpu.memory_space<vmem>> -> memref<128xi32, #tpu.memory_space<vmem>>
        %dma_wait3A_608 = arith.constant 0 : i32
        %dma_wait3A_609 = tpu.memref_slice %arg3[%dma_wait3A_608] : memref<100000xf32, #tpu.memory_space<hbm>> -> memref<100000xf32, #tpu.memory_space<hbm>>
        tpu.wait_indirect_dma semaphore(%arg15 : memref<!tpu.dma_semaphore, #tpu.memory_space<semaphore_mem>>) src(%dma_wait3A_609 : memref<100000xf32, #tpu.memory_space<hbm>>) dst(%dma_wait3A_605 : memref<128xf32, #tpu.memory_space<vmem>>)
        %dma_wait3A_610 = arith.constant 3072 : i32
        %dma_wait3A_611 = tpu.memref_slice %arg13[%dma_wait3A_610] : memref<3200xf32, #tpu.memory_space<vmem>> -> memref<128xf32, #tpu.memory_space<vmem>>
        %dma_wait3A_612 = arith.constant 3072 : i32
        %dma_wait3A_613 = tpu.memref_slice %arg12[%dma_wait3A_612] : memref<3200xi32, #tpu.memory_space<vmem>> -> memref<128xi32, #tpu.memory_space<vmem>>
        %dma_wait3A_614 = arith.constant 0 : i32
        %dma_wait3A_615 = tpu.memref_slice %arg2[%dma_wait3A_614] : memref<100000xf32, #tpu.memory_space<hbm>> -> memref<100000xf32, #tpu.memory_space<hbm>>
        tpu.wait_indirect_dma semaphore(%arg15 : memref<!tpu.dma_semaphore, #tpu.memory_space<semaphore_mem>>) src(%dma_wait3A_615 : memref<100000xf32, #tpu.memory_space<hbm>>) dst(%dma_wait3A_611 : memref<128xf32, #tpu.memory_space<vmem>>)
        %dma_wait3A_616 = arith.constant 3072 : i32
        %dma_wait3A_617 = tpu.memref_slice %arg14[%dma_wait3A_616] : memref<3200xf32, #tpu.memory_space<vmem>> -> memref<128xf32, #tpu.memory_space<vmem>>
        %dma_wait3A_618 = arith.constant 3072 : i32
        %dma_wait3A_619 = tpu.memref_slice %arg12[%dma_wait3A_618] : memref<3200xi32, #tpu.memory_space<vmem>> -> memref<128xi32, #tpu.memory_space<vmem>>
        %dma_wait3A_620 = arith.constant 0 : i32
        %dma_wait3A_621 = tpu.memref_slice %arg3[%dma_wait3A_620] : memref<100000xf32, #tpu.memory_space<hbm>> -> memref<100000xf32, #tpu.memory_space<hbm>>
        tpu.wait_indirect_dma semaphore(%arg15 : memref<!tpu.dma_semaphore, #tpu.memory_space<semaphore_mem>>) src(%dma_wait3A_621 : memref<100000xf32, #tpu.memory_space<hbm>>) dst(%dma_wait3A_617 : memref<128xf32, #tpu.memory_space<vmem>>)
        "tpu.region"() ({
          %run_scoped3A = tpu.sem_alloc : memref<!tpu.dma_semaphore, #tpu.memory_space<semaphore_mem>>
          %dma_start3A_622 = tpu.memref_slice %arg8[%mul3A_23] : memref<2000000xf32, #tpu.memory_space<hbm>> -> memref<3200xf32, #tpu.memory_space<hbm>>
          %dma_start3A_623 = tpu.memref_slice %arg8[%mul3A_23] : memref<2000000xf32, #tpu.memory_space<hbm>> -> memref<3200xf32, #tpu.memory_space<hbm>>
          tpu.enqueue_dma source(%arg13 : memref<3200xf32, #tpu.memory_space<vmem>>) target(%dma_start3A_623 : memref<3200xf32, #tpu.memory_space<hbm>>) target_semaphore(%run_scoped3A : memref<!tpu.dma_semaphore, #tpu.memory_space<semaphore_mem>>)
          %dma_wait3A_624 = tpu.memref_slice %arg8[%mul3A_23] : memref<2000000xf32, #tpu.memory_space<hbm>> -> memref<3200xf32, #tpu.memory_space<hbm>>
          %dma_wait3A_625 = tpu.memref_slice %arg8[%mul3A_23] : memref<2000000xf32, #tpu.memory_space<hbm>> -> memref<3200xf32, #tpu.memory_space<hbm>>
          tpu.wait_dma2 semaphore(%run_scoped3A : memref<!tpu.dma_semaphore, #tpu.memory_space<semaphore_mem>>) src(%arg13 : memref<3200xf32, #tpu.memory_space<vmem>>) dst(%dma_wait3A_625 : memref<3200xf32, #tpu.memory_space<hbm>>)
          tpu.yield
        }) : () -> ()
        "tpu.region"() ({
          %run_scoped3A = tpu.sem_alloc : memref<!tpu.dma_semaphore, #tpu.memory_space<semaphore_mem>>
          %dma_start3A_622 = tpu.memref_slice %arg9[%mul3A_23] : memref<2000000xf32, #tpu.memory_space<hbm>> -> memref<3200xf32, #tpu.memory_space<hbm>>
          %dma_start3A_623 = tpu.memref_slice %arg9[%mul3A_23] : memref<2000000xf32, #tpu.memory_space<hbm>> -> memref<3200xf32, #tpu.memory_space<hbm>>
          tpu.enqueue_dma source(%arg14 : memref<3200xf32, #tpu.memory_space<vmem>>) target(%dma_start3A_623 : memref<3200xf32, #tpu.memory_space<hbm>>) target_semaphore(%run_scoped3A : memref<!tpu.dma_semaphore, #tpu.memory_space<semaphore_mem>>)
          %dma_wait3A_624 = tpu.memref_slice %arg9[%mul3A_23] : memref<2000000xf32, #tpu.memory_space<hbm>> -> memref<3200xf32, #tpu.memory_space<hbm>>
          %dma_wait3A_625 = tpu.memref_slice %arg9[%mul3A_23] : memref<2000000xf32, #tpu.memory_space<hbm>> -> memref<3200xf32, #tpu.memory_space<hbm>>
          tpu.wait_dma2 semaphore(%run_scoped3A : memref<!tpu.dma_semaphore, #tpu.memory_space<semaphore_mem>>) src(%arg14 : memref<3200xf32, #tpu.memory_space<vmem>>) dst(%dma_wait3A_625 : memref<3200xf32, #tpu.memory_space<hbm>>)
          tpu.yield
        }) : () -> ()
      } else {
      }
      %scan3A_21 = arith.constant 0 : i32
      scf.yield %scan3A_21 : i32
    }
    %scan3A_6 = arith.constant 20 : i32
    %scan3A_7 = arith.constant 0 : i32
    %scan3A_8 = arith.constant 0 : i32
    %scan3A_9 = arith.constant 20 : i32
    %scan3A_10 = arith.addi %scan3A_8, %scan3A_9 : i32
    %scan3A_11 = arith.constant 1 : i32
    %scan3A_12 = scf.for %scan3A_14 = %scan3A_8 to %scan3A_10 step %scan3A_11 iter_args(%scan3A_15 = %scan3A_7) -> (i32)  : i32 {
      %mul3A_16 = arith.constant 32 : i32
      %mul3A_17 = arith.muli %scan3A_14, %mul3A_16 : i32
      %add3A_18 = arith.addi %mul3A_17, %add3A : i32
      %lt3A = arith.constant 625 : i32
      %lt3A_19 = arith.cmpi slt, %add3A_18, %lt3A : i32
      %convert_element_type3A = arith.extui %lt3A_19 : i1 to i32
      %cond3A = arith.constant 0 : i32
      %cond3A_20 = arith.cmpi ne, %convert_element_type3A, %cond3A : i32
      scf.if %cond3A_20 {
        %mul3A_22 = arith.constant 3200 : i32
        %mul3A_23 = arith.muli %add3A_18, %mul3A_22 : i32
        "tpu.region"() ({
          %run_scoped3A = tpu.sem_alloc : memref<!tpu.dma_semaphore, #tpu.memory_space<semaphore_mem>>
          %dma_start3A_622 = tpu.memref_slice %arg7[%mul3A_23] : memref<2000000xi32, #tpu.memory_space<hbm>> -> memref<3200xi32, #tpu.memory_space<hbm>>
          %dma_start3A_623 = tpu.memref_slice %arg7[%mul3A_23] : memref<2000000xi32, #tpu.memory_space<hbm>> -> memref<3200xi32, #tpu.memory_space<hbm>>
          tpu.enqueue_dma source(%dma_start3A_623 : memref<3200xi32, #tpu.memory_space<hbm>>) target(%arg12 : memref<3200xi32, #tpu.memory_space<vmem>>) target_semaphore(%run_scoped3A : memref<!tpu.dma_semaphore, #tpu.memory_space<semaphore_mem>>)
          %dma_wait3A_624 = tpu.memref_slice %arg7[%mul3A_23] : memref<2000000xi32, #tpu.memory_space<hbm>> -> memref<3200xi32, #tpu.memory_space<hbm>>
          %dma_wait3A_625 = tpu.memref_slice %arg7[%mul3A_23] : memref<2000000xi32, #tpu.memory_space<hbm>> -> memref<3200xi32, #tpu.memory_space<hbm>>
          tpu.wait_dma2 semaphore(%run_scoped3A : memref<!tpu.dma_semaphore, #tpu.memory_space<semaphore_mem>>) src(%dma_wait3A_625 : memref<3200xi32, #tpu.memory_space<hbm>>) dst(%arg12 : memref<3200xi32, #tpu.memory_space<vmem>>)
          tpu.yield
        }) : () -> ()
        %dma_start3A = arith.constant 0 : i32
        %dma_start3A_24 = tpu.memref_slice %arg13[%dma_start3A] : memref<3200xf32, #tpu.memory_space<vmem>> -> memref<128xf32, #tpu.memory_space<vmem>>
        %dma_start3A_25 = arith.constant 0 : i32
        %dma_start3A_26 = tpu.memref_slice %arg12[%dma_start3A_25] : memref<3200xi32, #tpu.memory_space<vmem>> -> memref<128xi32, #tpu.memory_space<vmem>>
        %dma_start3A_27 = arith.constant 0 : i32
        %dma_start3A_28 = tpu.memref_slice %arg4[%dma_start3A_27] : memref<6400000xf32, #tpu.memory_space<hbm>> -> memref<6400000xf32, #tpu.memory_space<hbm>>
        tpu.enqueue_indirect_dma source(%dma_start3A_28 : memref<6400000xf32, #tpu.memory_space<hbm>>) target(%dma_start3A_24 : memref<128xf32, #tpu.memory_space<vmem>>) offsets(%dma_start3A_26 : memref<128xi32, #tpu.memory_space<vmem>>) semaphore(%arg15 : memref<!tpu.dma_semaphore, #tpu.memory_space<semaphore_mem>>)
        %dma_start3A_29 = arith.constant 0 : i32
        %dma_start3A_30 = tpu.memref_slice %arg14[%dma_start3A_29] : memref<3200xf32, #tpu.memory_space<vmem>> -> memref<128xf32, #tpu.memory_space<vmem>>
        %dma_start3A_31 = arith.constant 0 : i32
        %dma_start3A_32 = tpu.memref_slice %arg12[%dma_start3A_31] : memref<3200xi32, #tpu.memory_space<vmem>> -> memref<128xi32, #tpu.memory_space<vmem>>
        %dma_start3A_33 = arith.constant 0 : i32
        %dma_start3A_34 = tpu.memref_slice %arg5[%dma_start3A_33] : memref<6400000xf32, #tpu.memory_space<hbm>> -> memref<6400000xf32, #tpu.memory_space<hbm>>
        tpu.enqueue_indirect_dma source(%dma_start3A_34 : memref<6400000xf32, #tpu.memory_space<hbm>>) target(%dma_start3A_30 : memref<128xf32, #tpu.memory_space<vmem>>) offsets(%dma_start3A_32 : memref<128xi32, #tpu.memory_space<vmem>>) semaphore(%arg15 : memref<!tpu.dma_semaphore, #tpu.memory_space<semaphore_mem>>)
        %dma_start3A_35 = arith.constant 128 : i32
        %dma_start3A_36 = tpu.memref_slice %arg13[%dma_start3A_35] : memref<3200xf32, #tpu.memory_space<vmem>> -> memref<128xf32, #tpu.memory_space<vmem>>
        %dma_start3A_37 = arith.constant 128 : i32
        %dma_start3A_38 = tpu.memref_slice %arg12[%dma_start3A_37] : memref<3200xi32, #tpu.memory_space<vmem>> -> memref<128xi32, #tpu.memory_space<vmem>>
        %dma_start3A_39 = arith.constant 0 : i32
        %dma_start3A_40 = tpu.memref_slice %arg4[%dma_start3A_39] : memref<6400000xf32, #tpu.memory_space<hbm>> -> memref<6400000xf32, #tpu.memory_space<hbm>>
        tpu.enqueue_indirect_dma source(%dma_start3A_40 : memref<6400000xf32, #tpu.memory_space<hbm>>) target(%dma_start3A_36 : memref<128xf32, #tpu.memory_space<vmem>>) offsets(%dma_start3A_38 : memref<128xi32, #tpu.memory_space<vmem>>) semaphore(%arg15 : memref<!tpu.dma_semaphore, #tpu.memory_space<semaphore_mem>>)
        %dma_start3A_41 = arith.constant 128 : i32
        %dma_start3A_42 = tpu.memref_slice %arg14[%dma_start3A_41] : memref<3200xf32, #tpu.memory_space<vmem>> -> memref<128xf32, #tpu.memory_space<vmem>>
        %dma_start3A_43 = arith.constant 128 : i32
        %dma_start3A_44 = tpu.memref_slice %arg12[%dma_start3A_43] : memref<3200xi32, #tpu.memory_space<vmem>> -> memref<128xi32, #tpu.memory_space<vmem>>
        %dma_start3A_45 = arith.constant 0 : i32
        %dma_start3A_46 = tpu.memref_slice %arg5[%dma_start3A_45] : memref<6400000xf32, #tpu.memory_space<hbm>> -> memref<6400000xf32, #tpu.memory_space<hbm>>
        tpu.enqueue_indirect_dma source(%dma_start3A_46 : memref<6400000xf32, #tpu.memory_space<hbm>>) target(%dma_start3A_42 : memref<128xf32, #tpu.memory_space<vmem>>) offsets(%dma_start3A_44 : memref<128xi32, #tpu.memory_space<vmem>>) semaphore(%arg15 : memref<!tpu.dma_semaphore, #tpu.memory_space<semaphore_mem>>)
        %dma_start3A_47 = arith.constant 256 : i32
        %dma_start3A_48 = tpu.memref_slice %arg13[%dma_start3A_47] : memref<3200xf32, #tpu.memory_space<vmem>> -> memref<128xf32, #tpu.memory_space<vmem>>
        %dma_start3A_49 = arith.constant 256 : i32
        %dma_start3A_50 = tpu.memref_slice %arg12[%dma_start3A_49] : memref<3200xi32, #tpu.memory_space<vmem>> -> memref<128xi32, #tpu.memory_space<vmem>>
        %dma_start3A_51 = arith.constant 0 : i32
        %dma_start3A_52 = tpu.memref_slice %arg4[%dma_start3A_51] : memref<6400000xf32, #tpu.memory_space<hbm>> -> memref<6400000xf32, #tpu.memory_space<hbm>>
        tpu.enqueue_indirect_dma source(%dma_start3A_52 : memref<6400000xf32, #tpu.memory_space<hbm>>) target(%dma_start3A_48 : memref<128xf32, #tpu.memory_space<vmem>>) offsets(%dma_start3A_50 : memref<128xi32, #tpu.memory_space<vmem>>) semaphore(%arg15 : memref<!tpu.dma_semaphore, #tpu.memory_space<semaphore_mem>>)
        %dma_start3A_53 = arith.constant 256 : i32
        %dma_start3A_54 = tpu.memref_slice %arg14[%dma_start3A_53] : memref<3200xf32, #tpu.memory_space<vmem>> -> memref<128xf32, #tpu.memory_space<vmem>>
        %dma_start3A_55 = arith.constant 256 : i32
        %dma_start3A_56 = tpu.memref_slice %arg12[%dma_start3A_55] : memref<3200xi32, #tpu.memory_space<vmem>> -> memref<128xi32, #tpu.memory_space<vmem>>
        %dma_start3A_57 = arith.constant 0 : i32
        %dma_start3A_58 = tpu.memref_slice %arg5[%dma_start3A_57] : memref<6400000xf32, #tpu.memory_space<hbm>> -> memref<6400000xf32, #tpu.memory_space<hbm>>
        tpu.enqueue_indirect_dma source(%dma_start3A_58 : memref<6400000xf32, #tpu.memory_space<hbm>>) target(%dma_start3A_54 : memref<128xf32, #tpu.memory_space<vmem>>) offsets(%dma_start3A_56 : memref<128xi32, #tpu.memory_space<vmem>>) semaphore(%arg15 : memref<!tpu.dma_semaphore, #tpu.memory_space<semaphore_mem>>)
        %dma_start3A_59 = arith.constant 384 : i32
        %dma_start3A_60 = tpu.memref_slice %arg13[%dma_start3A_59] : memref<3200xf32, #tpu.memory_space<vmem>> -> memref<128xf32, #tpu.memory_space<vmem>>
        %dma_start3A_61 = arith.constant 384 : i32
        %dma_start3A_62 = tpu.memref_slice %arg12[%dma_start3A_61] : memref<3200xi32, #tpu.memory_space<vmem>> -> memref<128xi32, #tpu.memory_space<vmem>>
        %dma_start3A_63 = arith.constant 0 : i32
        %dma_start3A_64 = tpu.memref_slice %arg4[%dma_start3A_63] : memref<6400000xf32, #tpu.memory_space<hbm>> -> memref<6400000xf32, #tpu.memory_space<hbm>>
        tpu.enqueue_indirect_dma source(%dma_start3A_64 : memref<6400000xf32, #tpu.memory_space<hbm>>) target(%dma_start3A_60 : memref<128xf32, #tpu.memory_space<vmem>>) offsets(%dma_start3A_62 : memref<128xi32, #tpu.memory_space<vmem>>) semaphore(%arg15 : memref<!tpu.dma_semaphore, #tpu.memory_space<semaphore_mem>>)
        %dma_start3A_65 = arith.constant 384 : i32
        %dma_start3A_66 = tpu.memref_slice %arg14[%dma_start3A_65] : memref<3200xf32, #tpu.memory_space<vmem>> -> memref<128xf32, #tpu.memory_space<vmem>>
        %dma_start3A_67 = arith.constant 384 : i32
        %dma_start3A_68 = tpu.memref_slice %arg12[%dma_start3A_67] : memref<3200xi32, #tpu.memory_space<vmem>> -> memref<128xi32, #tpu.memory_space<vmem>>
        %dma_start3A_69 = arith.constant 0 : i32
        %dma_start3A_70 = tpu.memref_slice %arg5[%dma_start3A_69] : memref<6400000xf32, #tpu.memory_space<hbm>> -> memref<6400000xf32, #tpu.memory_space<hbm>>
        tpu.enqueue_indirect_dma source(%dma_start3A_70 : memref<6400000xf32, #tpu.memory_space<hbm>>) target(%dma_start3A_66 : memref<128xf32, #tpu.memory_space<vmem>>) offsets(%dma_start3A_68 : memref<128xi32, #tpu.memory_space<vmem>>) semaphore(%arg15 : memref<!tpu.dma_semaphore, #tpu.memory_space<semaphore_mem>>)
        %dma_start3A_71 = arith.constant 512 : i32
        %dma_start3A_72 = tpu.memref_slice %arg13[%dma_start3A_71] : memref<3200xf32, #tpu.memory_space<vmem>> -> memref<128xf32, #tpu.memory_space<vmem>>
        %dma_start3A_73 = arith.constant 512 : i32
        %dma_start3A_74 = tpu.memref_slice %arg12[%dma_start3A_73] : memref<3200xi32, #tpu.memory_space<vmem>> -> memref<128xi32, #tpu.memory_space<vmem>>
        %dma_start3A_75 = arith.constant 0 : i32
        %dma_start3A_76 = tpu.memref_slice %arg4[%dma_start3A_75] : memref<6400000xf32, #tpu.memory_space<hbm>> -> memref<6400000xf32, #tpu.memory_space<hbm>>
        tpu.enqueue_indirect_dma source(%dma_start3A_76 : memref<6400000xf32, #tpu.memory_space<hbm>>) target(%dma_start3A_72 : memref<128xf32, #tpu.memory_space<vmem>>) offsets(%dma_start3A_74 : memref<128xi32, #tpu.memory_space<vmem>>) semaphore(%arg15 : memref<!tpu.dma_semaphore, #tpu.memory_space<semaphore_mem>>)
        %dma_start3A_77 = arith.constant 512 : i32
        %dma_start3A_78 = tpu.memref_slice %arg14[%dma_start3A_77] : memref<3200xf32, #tpu.memory_space<vmem>> -> memref<128xf32, #tpu.memory_space<vmem>>
        %dma_start3A_79 = arith.constant 512 : i32
        %dma_start3A_80 = tpu.memref_slice %arg12[%dma_start3A_79] : memref<3200xi32, #tpu.memory_space<vmem>> -> memref<128xi32, #tpu.memory_space<vmem>>
        %dma_start3A_81 = arith.constant 0 : i32
        %dma_start3A_82 = tpu.memref_slice %arg5[%dma_start3A_81] : memref<6400000xf32, #tpu.memory_space<hbm>> -> memref<6400000xf32, #tpu.memory_space<hbm>>
        tpu.enqueue_indirect_dma source(%dma_start3A_82 : memref<6400000xf32, #tpu.memory_space<hbm>>) target(%dma_start3A_78 : memref<128xf32, #tpu.memory_space<vmem>>) offsets(%dma_start3A_80 : memref<128xi32, #tpu.memory_space<vmem>>) semaphore(%arg15 : memref<!tpu.dma_semaphore, #tpu.memory_space<semaphore_mem>>)
        %dma_start3A_83 = arith.constant 640 : i32
        %dma_start3A_84 = tpu.memref_slice %arg13[%dma_start3A_83] : memref<3200xf32, #tpu.memory_space<vmem>> -> memref<128xf32, #tpu.memory_space<vmem>>
        %dma_start3A_85 = arith.constant 640 : i32
        %dma_start3A_86 = tpu.memref_slice %arg12[%dma_start3A_85] : memref<3200xi32, #tpu.memory_space<vmem>> -> memref<128xi32, #tpu.memory_space<vmem>>
        %dma_start3A_87 = arith.constant 0 : i32
        %dma_start3A_88 = tpu.memref_slice %arg4[%dma_start3A_87] : memref<6400000xf32, #tpu.memory_space<hbm>> -> memref<6400000xf32, #tpu.memory_space<hbm>>
        tpu.enqueue_indirect_dma source(%dma_start3A_88 : memref<6400000xf32, #tpu.memory_space<hbm>>) target(%dma_start3A_84 : memref<128xf32, #tpu.memory_space<vmem>>) offsets(%dma_start3A_86 : memref<128xi32, #tpu.memory_space<vmem>>) semaphore(%arg15 : memref<!tpu.dma_semaphore, #tpu.memory_space<semaphore_mem>>)
        %dma_start3A_89 = arith.constant 640 : i32
        %dma_start3A_90 = tpu.memref_slice %arg14[%dma_start3A_89] : memref<3200xf32, #tpu.memory_space<vmem>> -> memref<128xf32, #tpu.memory_space<vmem>>
        %dma_start3A_91 = arith.constant 640 : i32
        %dma_start3A_92 = tpu.memref_slice %arg12[%dma_start3A_91] : memref<3200xi32, #tpu.memory_space<vmem>> -> memref<128xi32, #tpu.memory_space<vmem>>
        %dma_start3A_93 = arith.constant 0 : i32
        %dma_start3A_94 = tpu.memref_slice %arg5[%dma_start3A_93] : memref<6400000xf32, #tpu.memory_space<hbm>> -> memref<6400000xf32, #tpu.memory_space<hbm>>
        tpu.enqueue_indirect_dma source(%dma_start3A_94 : memref<6400000xf32, #tpu.memory_space<hbm>>) target(%dma_start3A_90 : memref<128xf32, #tpu.memory_space<vmem>>) offsets(%dma_start3A_92 : memref<128xi32, #tpu.memory_space<vmem>>) semaphore(%arg15 : memref<!tpu.dma_semaphore, #tpu.memory_space<semaphore_mem>>)
        %dma_start3A_95 = arith.constant 768 : i32
        %dma_start3A_96 = tpu.memref_slice %arg13[%dma_start3A_95] : memref<3200xf32, #tpu.memory_space<vmem>> -> memref<128xf32, #tpu.memory_space<vmem>>
        %dma_start3A_97 = arith.constant 768 : i32
        %dma_start3A_98 = tpu.memref_slice %arg12[%dma_start3A_97] : memref<3200xi32, #tpu.memory_space<vmem>> -> memref<128xi32, #tpu.memory_space<vmem>>
        %dma_start3A_99 = arith.constant 0 : i32
        %dma_start3A_100 = tpu.memref_slice %arg4[%dma_start3A_99] : memref<6400000xf32, #tpu.memory_space<hbm>> -> memref<6400000xf32, #tpu.memory_space<hbm>>
        tpu.enqueue_indirect_dma source(%dma_start3A_100 : memref<6400000xf32, #tpu.memory_space<hbm>>) target(%dma_start3A_96 : memref<128xf32, #tpu.memory_space<vmem>>) offsets(%dma_start3A_98 : memref<128xi32, #tpu.memory_space<vmem>>) semaphore(%arg15 : memref<!tpu.dma_semaphore, #tpu.memory_space<semaphore_mem>>)
        %dma_start3A_101 = arith.constant 768 : i32
        %dma_start3A_102 = tpu.memref_slice %arg14[%dma_start3A_101] : memref<3200xf32, #tpu.memory_space<vmem>> -> memref<128xf32, #tpu.memory_space<vmem>>
        %dma_start3A_103 = arith.constant 768 : i32
        %dma_start3A_104 = tpu.memref_slice %arg12[%dma_start3A_103] : memref<3200xi32, #tpu.memory_space<vmem>> -> memref<128xi32, #tpu.memory_space<vmem>>
        %dma_start3A_105 = arith.constant 0 : i32
        %dma_start3A_106 = tpu.memref_slice %arg5[%dma_start3A_105] : memref<6400000xf32, #tpu.memory_space<hbm>> -> memref<6400000xf32, #tpu.memory_space<hbm>>
        tpu.enqueue_indirect_dma source(%dma_start3A_106 : memref<6400000xf32, #tpu.memory_space<hbm>>) target(%dma_start3A_102 : memref<128xf32, #tpu.memory_space<vmem>>) offsets(%dma_start3A_104 : memref<128xi32, #tpu.memory_space<vmem>>) semaphore(%arg15 : memref<!tpu.dma_semaphore, #tpu.memory_space<semaphore_mem>>)
        %dma_start3A_107 = arith.constant 896 : i32
        %dma_start3A_108 = tpu.memref_slice %arg13[%dma_start3A_107] : memref<3200xf32, #tpu.memory_space<vmem>> -> memref<128xf32, #tpu.memory_space<vmem>>
        %dma_start3A_109 = arith.constant 896 : i32
        %dma_start3A_110 = tpu.memref_slice %arg12[%dma_start3A_109] : memref<3200xi32, #tpu.memory_space<vmem>> -> memref<128xi32, #tpu.memory_space<vmem>>
        %dma_start3A_111 = arith.constant 0 : i32
        %dma_start3A_112 = tpu.memref_slice %arg4[%dma_start3A_111] : memref<6400000xf32, #tpu.memory_space<hbm>> -> memref<6400000xf32, #tpu.memory_space<hbm>>
        tpu.enqueue_indirect_dma source(%dma_start3A_112 : memref<6400000xf32, #tpu.memory_space<hbm>>) target(%dma_start3A_108 : memref<128xf32, #tpu.memory_space<vmem>>) offsets(%dma_start3A_110 : memref<128xi32, #tpu.memory_space<vmem>>) semaphore(%arg15 : memref<!tpu.dma_semaphore, #tpu.memory_space<semaphore_mem>>)
        %dma_start3A_113 = arith.constant 896 : i32
        %dma_start3A_114 = tpu.memref_slice %arg14[%dma_start3A_113] : memref<3200xf32, #tpu.memory_space<vmem>> -> memref<128xf32, #tpu.memory_space<vmem>>
        %dma_start3A_115 = arith.constant 896 : i32
        %dma_start3A_116 = tpu.memref_slice %arg12[%dma_start3A_115] : memref<3200xi32, #tpu.memory_space<vmem>> -> memref<128xi32, #tpu.memory_space<vmem>>
        %dma_start3A_117 = arith.constant 0 : i32
        %dma_start3A_118 = tpu.memref_slice %arg5[%dma_start3A_117] : memref<6400000xf32, #tpu.memory_space<hbm>> -> memref<6400000xf32, #tpu.memory_space<hbm>>
        tpu.enqueue_indirect_dma source(%dma_start3A_118 : memref<6400000xf32, #tpu.memory_space<hbm>>) target(%dma_start3A_114 : memref<128xf32, #tpu.memory_space<vmem>>) offsets(%dma_start3A_116 : memref<128xi32, #tpu.memory_space<vmem>>) semaphore(%arg15 : memref<!tpu.dma_semaphore, #tpu.memory_space<semaphore_mem>>)
        %dma_start3A_119 = arith.constant 1024 : i32
        %dma_start3A_120 = tpu.memref_slice %arg13[%dma_start3A_119] : memref<3200xf32, #tpu.memory_space<vmem>> -> memref<128xf32, #tpu.memory_space<vmem>>
        %dma_start3A_121 = arith.constant 1024 : i32
        %dma_start3A_122 = tpu.memref_slice %arg12[%dma_start3A_121] : memref<3200xi32, #tpu.memory_space<vmem>> -> memref<128xi32, #tpu.memory_space<vmem>>
        %dma_start3A_123 = arith.constant 0 : i32
        %dma_start3A_124 = tpu.memref_slice %arg4[%dma_start3A_123] : memref<6400000xf32, #tpu.memory_space<hbm>> -> memref<6400000xf32, #tpu.memory_space<hbm>>
        tpu.enqueue_indirect_dma source(%dma_start3A_124 : memref<6400000xf32, #tpu.memory_space<hbm>>) target(%dma_start3A_120 : memref<128xf32, #tpu.memory_space<vmem>>) offsets(%dma_start3A_122 : memref<128xi32, #tpu.memory_space<vmem>>) semaphore(%arg15 : memref<!tpu.dma_semaphore, #tpu.memory_space<semaphore_mem>>)
        %dma_start3A_125 = arith.constant 1024 : i32
        %dma_start3A_126 = tpu.memref_slice %arg14[%dma_start3A_125] : memref<3200xf32, #tpu.memory_space<vmem>> -> memref<128xf32, #tpu.memory_space<vmem>>
        %dma_start3A_127 = arith.constant 1024 : i32
        %dma_start3A_128 = tpu.memref_slice %arg12[%dma_start3A_127] : memref<3200xi32, #tpu.memory_space<vmem>> -> memref<128xi32, #tpu.memory_space<vmem>>
        %dma_start3A_129 = arith.constant 0 : i32
        %dma_start3A_130 = tpu.memref_slice %arg5[%dma_start3A_129] : memref<6400000xf32, #tpu.memory_space<hbm>> -> memref<6400000xf32, #tpu.memory_space<hbm>>
        tpu.enqueue_indirect_dma source(%dma_start3A_130 : memref<6400000xf32, #tpu.memory_space<hbm>>) target(%dma_start3A_126 : memref<128xf32, #tpu.memory_space<vmem>>) offsets(%dma_start3A_128 : memref<128xi32, #tpu.memory_space<vmem>>) semaphore(%arg15 : memref<!tpu.dma_semaphore, #tpu.memory_space<semaphore_mem>>)
        %dma_start3A_131 = arith.constant 1152 : i32
        %dma_start3A_132 = tpu.memref_slice %arg13[%dma_start3A_131] : memref<3200xf32, #tpu.memory_space<vmem>> -> memref<128xf32, #tpu.memory_space<vmem>>
        %dma_start3A_133 = arith.constant 1152 : i32
        %dma_start3A_134 = tpu.memref_slice %arg12[%dma_start3A_133] : memref<3200xi32, #tpu.memory_space<vmem>> -> memref<128xi32, #tpu.memory_space<vmem>>
        %dma_start3A_135 = arith.constant 0 : i32
        %dma_start3A_136 = tpu.memref_slice %arg4[%dma_start3A_135] : memref<6400000xf32, #tpu.memory_space<hbm>> -> memref<6400000xf32, #tpu.memory_space<hbm>>
        tpu.enqueue_indirect_dma source(%dma_start3A_136 : memref<6400000xf32, #tpu.memory_space<hbm>>) target(%dma_start3A_132 : memref<128xf32, #tpu.memory_space<vmem>>) offsets(%dma_start3A_134 : memref<128xi32, #tpu.memory_space<vmem>>) semaphore(%arg15 : memref<!tpu.dma_semaphore, #tpu.memory_space<semaphore_mem>>)
        %dma_start3A_137 = arith.constant 1152 : i32
        %dma_start3A_138 = tpu.memref_slice %arg14[%dma_start3A_137] : memref<3200xf32, #tpu.memory_space<vmem>> -> memref<128xf32, #tpu.memory_space<vmem>>
        %dma_start3A_139 = arith.constant 1152 : i32
        %dma_start3A_140 = tpu.memref_slice %arg12[%dma_start3A_139] : memref<3200xi32, #tpu.memory_space<vmem>> -> memref<128xi32, #tpu.memory_space<vmem>>
        %dma_start3A_141 = arith.constant 0 : i32
        %dma_start3A_142 = tpu.memref_slice %arg5[%dma_start3A_141] : memref<6400000xf32, #tpu.memory_space<hbm>> -> memref<6400000xf32, #tpu.memory_space<hbm>>
        tpu.enqueue_indirect_dma source(%dma_start3A_142 : memref<6400000xf32, #tpu.memory_space<hbm>>) target(%dma_start3A_138 : memref<128xf32, #tpu.memory_space<vmem>>) offsets(%dma_start3A_140 : memref<128xi32, #tpu.memory_space<vmem>>) semaphore(%arg15 : memref<!tpu.dma_semaphore, #tpu.memory_space<semaphore_mem>>)
        %dma_start3A_143 = arith.constant 1280 : i32
        %dma_start3A_144 = tpu.memref_slice %arg13[%dma_start3A_143] : memref<3200xf32, #tpu.memory_space<vmem>> -> memref<128xf32, #tpu.memory_space<vmem>>
        %dma_start3A_145 = arith.constant 1280 : i32
        %dma_start3A_146 = tpu.memref_slice %arg12[%dma_start3A_145] : memref<3200xi32, #tpu.memory_space<vmem>> -> memref<128xi32, #tpu.memory_space<vmem>>
        %dma_start3A_147 = arith.constant 0 : i32
        %dma_start3A_148 = tpu.memref_slice %arg4[%dma_start3A_147] : memref<6400000xf32, #tpu.memory_space<hbm>> -> memref<6400000xf32, #tpu.memory_space<hbm>>
        tpu.enqueue_indirect_dma source(%dma_start3A_148 : memref<6400000xf32, #tpu.memory_space<hbm>>) target(%dma_start3A_144 : memref<128xf32, #tpu.memory_space<vmem>>) offsets(%dma_start3A_146 : memref<128xi32, #tpu.memory_space<vmem>>) semaphore(%arg15 : memref<!tpu.dma_semaphore, #tpu.memory_space<semaphore_mem>>)
        %dma_start3A_149 = arith.constant 1280 : i32
        %dma_start3A_150 = tpu.memref_slice %arg14[%dma_start3A_149] : memref<3200xf32, #tpu.memory_space<vmem>> -> memref<128xf32, #tpu.memory_space<vmem>>
        %dma_start3A_151 = arith.constant 1280 : i32
        %dma_start3A_152 = tpu.memref_slice %arg12[%dma_start3A_151] : memref<3200xi32, #tpu.memory_space<vmem>> -> memref<128xi32, #tpu.memory_space<vmem>>
        %dma_start3A_153 = arith.constant 0 : i32
        %dma_start3A_154 = tpu.memref_slice %arg5[%dma_start3A_153] : memref<6400000xf32, #tpu.memory_space<hbm>> -> memref<6400000xf32, #tpu.memory_space<hbm>>
        tpu.enqueue_indirect_dma source(%dma_start3A_154 : memref<6400000xf32, #tpu.memory_space<hbm>>) target(%dma_start3A_150 : memref<128xf32, #tpu.memory_space<vmem>>) offsets(%dma_start3A_152 : memref<128xi32, #tpu.memory_space<vmem>>) semaphore(%arg15 : memref<!tpu.dma_semaphore, #tpu.memory_space<semaphore_mem>>)
        %dma_start3A_155 = arith.constant 1408 : i32
        %dma_start3A_156 = tpu.memref_slice %arg13[%dma_start3A_155] : memref<3200xf32, #tpu.memory_space<vmem>> -> memref<128xf32, #tpu.memory_space<vmem>>
        %dma_start3A_157 = arith.constant 1408 : i32
        %dma_start3A_158 = tpu.memref_slice %arg12[%dma_start3A_157] : memref<3200xi32, #tpu.memory_space<vmem>> -> memref<128xi32, #tpu.memory_space<vmem>>
        %dma_start3A_159 = arith.constant 0 : i32
        %dma_start3A_160 = tpu.memref_slice %arg4[%dma_start3A_159] : memref<6400000xf32, #tpu.memory_space<hbm>> -> memref<6400000xf32, #tpu.memory_space<hbm>>
        tpu.enqueue_indirect_dma source(%dma_start3A_160 : memref<6400000xf32, #tpu.memory_space<hbm>>) target(%dma_start3A_156 : memref<128xf32, #tpu.memory_space<vmem>>) offsets(%dma_start3A_158 : memref<128xi32, #tpu.memory_space<vmem>>) semaphore(%arg15 : memref<!tpu.dma_semaphore, #tpu.memory_space<semaphore_mem>>)
        %dma_start3A_161 = arith.constant 1408 : i32
        %dma_start3A_162 = tpu.memref_slice %arg14[%dma_start3A_161] : memref<3200xf32, #tpu.memory_space<vmem>> -> memref<128xf32, #tpu.memory_space<vmem>>
        %dma_start3A_163 = arith.constant 1408 : i32
        %dma_start3A_164 = tpu.memref_slice %arg12[%dma_start3A_163] : memref<3200xi32, #tpu.memory_space<vmem>> -> memref<128xi32, #tpu.memory_space<vmem>>
        %dma_start3A_165 = arith.constant 0 : i32
        %dma_start3A_166 = tpu.memref_slice %arg5[%dma_start3A_165] : memref<6400000xf32, #tpu.memory_space<hbm>> -> memref<6400000xf32, #tpu.memory_space<hbm>>
        tpu.enqueue_indirect_dma source(%dma_start3A_166 : memref<6400000xf32, #tpu.memory_space<hbm>>) target(%dma_start3A_162 : memref<128xf32, #tpu.memory_space<vmem>>) offsets(%dma_start3A_164 : memref<128xi32, #tpu.memory_space<vmem>>) semaphore(%arg15 : memref<!tpu.dma_semaphore, #tpu.memory_space<semaphore_mem>>)
        %dma_start3A_167 = arith.constant 1536 : i32
        %dma_start3A_168 = tpu.memref_slice %arg13[%dma_start3A_167] : memref<3200xf32, #tpu.memory_space<vmem>> -> memref<128xf32, #tpu.memory_space<vmem>>
        %dma_start3A_169 = arith.constant 1536 : i32
        %dma_start3A_170 = tpu.memref_slice %arg12[%dma_start3A_169] : memref<3200xi32, #tpu.memory_space<vmem>> -> memref<128xi32, #tpu.memory_space<vmem>>
        %dma_start3A_171 = arith.constant 0 : i32
        %dma_start3A_172 = tpu.memref_slice %arg4[%dma_start3A_171] : memref<6400000xf32, #tpu.memory_space<hbm>> -> memref<6400000xf32, #tpu.memory_space<hbm>>
        tpu.enqueue_indirect_dma source(%dma_start3A_172 : memref<6400000xf32, #tpu.memory_space<hbm>>) target(%dma_start3A_168 : memref<128xf32, #tpu.memory_space<vmem>>) offsets(%dma_start3A_170 : memref<128xi32, #tpu.memory_space<vmem>>) semaphore(%arg15 : memref<!tpu.dma_semaphore, #tpu.memory_space<semaphore_mem>>)
        %dma_start3A_173 = arith.constant 1536 : i32
        %dma_start3A_174 = tpu.memref_slice %arg14[%dma_start3A_173] : memref<3200xf32, #tpu.memory_space<vmem>> -> memref<128xf32, #tpu.memory_space<vmem>>
        %dma_start3A_175 = arith.constant 1536 : i32
        %dma_start3A_176 = tpu.memref_slice %arg12[%dma_start3A_175] : memref<3200xi32, #tpu.memory_space<vmem>> -> memref<128xi32, #tpu.memory_space<vmem>>
        %dma_start3A_177 = arith.constant 0 : i32
        %dma_start3A_178 = tpu.memref_slice %arg5[%dma_start3A_177] : memref<6400000xf32, #tpu.memory_space<hbm>> -> memref<6400000xf32, #tpu.memory_space<hbm>>
        tpu.enqueue_indirect_dma source(%dma_start3A_178 : memref<6400000xf32, #tpu.memory_space<hbm>>) target(%dma_start3A_174 : memref<128xf32, #tpu.memory_space<vmem>>) offsets(%dma_start3A_176 : memref<128xi32, #tpu.memory_space<vmem>>) semaphore(%arg15 : memref<!tpu.dma_semaphore, #tpu.memory_space<semaphore_mem>>)
        %dma_start3A_179 = arith.constant 1664 : i32
        %dma_start3A_180 = tpu.memref_slice %arg13[%dma_start3A_179] : memref<3200xf32, #tpu.memory_space<vmem>> -> memref<128xf32, #tpu.memory_space<vmem>>
        %dma_start3A_181 = arith.constant 1664 : i32
        %dma_start3A_182 = tpu.memref_slice %arg12[%dma_start3A_181] : memref<3200xi32, #tpu.memory_space<vmem>> -> memref<128xi32, #tpu.memory_space<vmem>>
        %dma_start3A_183 = arith.constant 0 : i32
        %dma_start3A_184 = tpu.memref_slice %arg4[%dma_start3A_183] : memref<6400000xf32, #tpu.memory_space<hbm>> -> memref<6400000xf32, #tpu.memory_space<hbm>>
        tpu.enqueue_indirect_dma source(%dma_start3A_184 : memref<6400000xf32, #tpu.memory_space<hbm>>) target(%dma_start3A_180 : memref<128xf32, #tpu.memory_space<vmem>>) offsets(%dma_start3A_182 : memref<128xi32, #tpu.memory_space<vmem>>) semaphore(%arg15 : memref<!tpu.dma_semaphore, #tpu.memory_space<semaphore_mem>>)
        %dma_start3A_185 = arith.constant 1664 : i32
        %dma_start3A_186 = tpu.memref_slice %arg14[%dma_start3A_185] : memref<3200xf32, #tpu.memory_space<vmem>> -> memref<128xf32, #tpu.memory_space<vmem>>
        %dma_start3A_187 = arith.constant 1664 : i32
        %dma_start3A_188 = tpu.memref_slice %arg12[%dma_start3A_187] : memref<3200xi32, #tpu.memory_space<vmem>> -> memref<128xi32, #tpu.memory_space<vmem>>
        %dma_start3A_189 = arith.constant 0 : i32
        %dma_start3A_190 = tpu.memref_slice %arg5[%dma_start3A_189] : memref<6400000xf32, #tpu.memory_space<hbm>> -> memref<6400000xf32, #tpu.memory_space<hbm>>
        tpu.enqueue_indirect_dma source(%dma_start3A_190 : memref<6400000xf32, #tpu.memory_space<hbm>>) target(%dma_start3A_186 : memref<128xf32, #tpu.memory_space<vmem>>) offsets(%dma_start3A_188 : memref<128xi32, #tpu.memory_space<vmem>>) semaphore(%arg15 : memref<!tpu.dma_semaphore, #tpu.memory_space<semaphore_mem>>)
        %dma_start3A_191 = arith.constant 1792 : i32
        %dma_start3A_192 = tpu.memref_slice %arg13[%dma_start3A_191] : memref<3200xf32, #tpu.memory_space<vmem>> -> memref<128xf32, #tpu.memory_space<vmem>>
        %dma_start3A_193 = arith.constant 1792 : i32
        %dma_start3A_194 = tpu.memref_slice %arg12[%dma_start3A_193] : memref<3200xi32, #tpu.memory_space<vmem>> -> memref<128xi32, #tpu.memory_space<vmem>>
        %dma_start3A_195 = arith.constant 0 : i32
        %dma_start3A_196 = tpu.memref_slice %arg4[%dma_start3A_195] : memref<6400000xf32, #tpu.memory_space<hbm>> -> memref<6400000xf32, #tpu.memory_space<hbm>>
        tpu.enqueue_indirect_dma source(%dma_start3A_196 : memref<6400000xf32, #tpu.memory_space<hbm>>) target(%dma_start3A_192 : memref<128xf32, #tpu.memory_space<vmem>>) offsets(%dma_start3A_194 : memref<128xi32, #tpu.memory_space<vmem>>) semaphore(%arg15 : memref<!tpu.dma_semaphore, #tpu.memory_space<semaphore_mem>>)
        %dma_start3A_197 = arith.constant 1792 : i32
        %dma_start3A_198 = tpu.memref_slice %arg14[%dma_start3A_197] : memref<3200xf32, #tpu.memory_space<vmem>> -> memref<128xf32, #tpu.memory_space<vmem>>
        %dma_start3A_199 = arith.constant 1792 : i32
        %dma_start3A_200 = tpu.memref_slice %arg12[%dma_start3A_199] : memref<3200xi32, #tpu.memory_space<vmem>> -> memref<128xi32, #tpu.memory_space<vmem>>
        %dma_start3A_201 = arith.constant 0 : i32
        %dma_start3A_202 = tpu.memref_slice %arg5[%dma_start3A_201] : memref<6400000xf32, #tpu.memory_space<hbm>> -> memref<6400000xf32, #tpu.memory_space<hbm>>
        tpu.enqueue_indirect_dma source(%dma_start3A_202 : memref<6400000xf32, #tpu.memory_space<hbm>>) target(%dma_start3A_198 : memref<128xf32, #tpu.memory_space<vmem>>) offsets(%dma_start3A_200 : memref<128xi32, #tpu.memory_space<vmem>>) semaphore(%arg15 : memref<!tpu.dma_semaphore, #tpu.memory_space<semaphore_mem>>)
        %dma_start3A_203 = arith.constant 1920 : i32
        %dma_start3A_204 = tpu.memref_slice %arg13[%dma_start3A_203] : memref<3200xf32, #tpu.memory_space<vmem>> -> memref<128xf32, #tpu.memory_space<vmem>>
        %dma_start3A_205 = arith.constant 1920 : i32
        %dma_start3A_206 = tpu.memref_slice %arg12[%dma_start3A_205] : memref<3200xi32, #tpu.memory_space<vmem>> -> memref<128xi32, #tpu.memory_space<vmem>>
        %dma_start3A_207 = arith.constant 0 : i32
        %dma_start3A_208 = tpu.memref_slice %arg4[%dma_start3A_207] : memref<6400000xf32, #tpu.memory_space<hbm>> -> memref<6400000xf32, #tpu.memory_space<hbm>>
        tpu.enqueue_indirect_dma source(%dma_start3A_208 : memref<6400000xf32, #tpu.memory_space<hbm>>) target(%dma_start3A_204 : memref<128xf32, #tpu.memory_space<vmem>>) offsets(%dma_start3A_206 : memref<128xi32, #tpu.memory_space<vmem>>) semaphore(%arg15 : memref<!tpu.dma_semaphore, #tpu.memory_space<semaphore_mem>>)
        %dma_start3A_209 = arith.constant 1920 : i32
        %dma_start3A_210 = tpu.memref_slice %arg14[%dma_start3A_209] : memref<3200xf32, #tpu.memory_space<vmem>> -> memref<128xf32, #tpu.memory_space<vmem>>
        %dma_start3A_211 = arith.constant 1920 : i32
        %dma_start3A_212 = tpu.memref_slice %arg12[%dma_start3A_211] : memref<3200xi32, #tpu.memory_space<vmem>> -> memref<128xi32, #tpu.memory_space<vmem>>
        %dma_start3A_213 = arith.constant 0 : i32
        %dma_start3A_214 = tpu.memref_slice %arg5[%dma_start3A_213] : memref<6400000xf32, #tpu.memory_space<hbm>> -> memref<6400000xf32, #tpu.memory_space<hbm>>
        tpu.enqueue_indirect_dma source(%dma_start3A_214 : memref<6400000xf32, #tpu.memory_space<hbm>>) target(%dma_start3A_210 : memref<128xf32, #tpu.memory_space<vmem>>) offsets(%dma_start3A_212 : memref<128xi32, #tpu.memory_space<vmem>>) semaphore(%arg15 : memref<!tpu.dma_semaphore, #tpu.memory_space<semaphore_mem>>)
        %dma_start3A_215 = arith.constant 2048 : i32
        %dma_start3A_216 = tpu.memref_slice %arg13[%dma_start3A_215] : memref<3200xf32, #tpu.memory_space<vmem>> -> memref<128xf32, #tpu.memory_space<vmem>>
        %dma_start3A_217 = arith.constant 2048 : i32
        %dma_start3A_218 = tpu.memref_slice %arg12[%dma_start3A_217] : memref<3200xi32, #tpu.memory_space<vmem>> -> memref<128xi32, #tpu.memory_space<vmem>>
        %dma_start3A_219 = arith.constant 0 : i32
        %dma_start3A_220 = tpu.memref_slice %arg4[%dma_start3A_219] : memref<6400000xf32, #tpu.memory_space<hbm>> -> memref<6400000xf32, #tpu.memory_space<hbm>>
        tpu.enqueue_indirect_dma source(%dma_start3A_220 : memref<6400000xf32, #tpu.memory_space<hbm>>) target(%dma_start3A_216 : memref<128xf32, #tpu.memory_space<vmem>>) offsets(%dma_start3A_218 : memref<128xi32, #tpu.memory_space<vmem>>) semaphore(%arg15 : memref<!tpu.dma_semaphore, #tpu.memory_space<semaphore_mem>>)
        %dma_start3A_221 = arith.constant 2048 : i32
        %dma_start3A_222 = tpu.memref_slice %arg14[%dma_start3A_221] : memref<3200xf32, #tpu.memory_space<vmem>> -> memref<128xf32, #tpu.memory_space<vmem>>
        %dma_start3A_223 = arith.constant 2048 : i32
        %dma_start3A_224 = tpu.memref_slice %arg12[%dma_start3A_223] : memref<3200xi32, #tpu.memory_space<vmem>> -> memref<128xi32, #tpu.memory_space<vmem>>
        %dma_start3A_225 = arith.constant 0 : i32
        %dma_start3A_226 = tpu.memref_slice %arg5[%dma_start3A_225] : memref<6400000xf32, #tpu.memory_space<hbm>> -> memref<6400000xf32, #tpu.memory_space<hbm>>
        tpu.enqueue_indirect_dma source(%dma_start3A_226 : memref<6400000xf32, #tpu.memory_space<hbm>>) target(%dma_start3A_222 : memref<128xf32, #tpu.memory_space<vmem>>) offsets(%dma_start3A_224 : memref<128xi32, #tpu.memory_space<vmem>>) semaphore(%arg15 : memref<!tpu.dma_semaphore, #tpu.memory_space<semaphore_mem>>)
        %dma_start3A_227 = arith.constant 2176 : i32
        %dma_start3A_228 = tpu.memref_slice %arg13[%dma_start3A_227] : memref<3200xf32, #tpu.memory_space<vmem>> -> memref<128xf32, #tpu.memory_space<vmem>>
        %dma_start3A_229 = arith.constant 2176 : i32
        %dma_start3A_230 = tpu.memref_slice %arg12[%dma_start3A_229] : memref<3200xi32, #tpu.memory_space<vmem>> -> memref<128xi32, #tpu.memory_space<vmem>>
        %dma_start3A_231 = arith.constant 0 : i32
        %dma_start3A_232 = tpu.memref_slice %arg4[%dma_start3A_231] : memref<6400000xf32, #tpu.memory_space<hbm>> -> memref<6400000xf32, #tpu.memory_space<hbm>>
        tpu.enqueue_indirect_dma source(%dma_start3A_232 : memref<6400000xf32, #tpu.memory_space<hbm>>) target(%dma_start3A_228 : memref<128xf32, #tpu.memory_space<vmem>>) offsets(%dma_start3A_230 : memref<128xi32, #tpu.memory_space<vmem>>) semaphore(%arg15 : memref<!tpu.dma_semaphore, #tpu.memory_space<semaphore_mem>>)
        %dma_start3A_233 = arith.constant 2176 : i32
        %dma_start3A_234 = tpu.memref_slice %arg14[%dma_start3A_233] : memref<3200xf32, #tpu.memory_space<vmem>> -> memref<128xf32, #tpu.memory_space<vmem>>
        %dma_start3A_235 = arith.constant 2176 : i32
        %dma_start3A_236 = tpu.memref_slice %arg12[%dma_start3A_235] : memref<3200xi32, #tpu.memory_space<vmem>> -> memref<128xi32, #tpu.memory_space<vmem>>
        %dma_start3A_237 = arith.constant 0 : i32
        %dma_start3A_238 = tpu.memref_slice %arg5[%dma_start3A_237] : memref<6400000xf32, #tpu.memory_space<hbm>> -> memref<6400000xf32, #tpu.memory_space<hbm>>
        tpu.enqueue_indirect_dma source(%dma_start3A_238 : memref<6400000xf32, #tpu.memory_space<hbm>>) target(%dma_start3A_234 : memref<128xf32, #tpu.memory_space<vmem>>) offsets(%dma_start3A_236 : memref<128xi32, #tpu.memory_space<vmem>>) semaphore(%arg15 : memref<!tpu.dma_semaphore, #tpu.memory_space<semaphore_mem>>)
        %dma_start3A_239 = arith.constant 2304 : i32
        %dma_start3A_240 = tpu.memref_slice %arg13[%dma_start3A_239] : memref<3200xf32, #tpu.memory_space<vmem>> -> memref<128xf32, #tpu.memory_space<vmem>>
        %dma_start3A_241 = arith.constant 2304 : i32
        %dma_start3A_242 = tpu.memref_slice %arg12[%dma_start3A_241] : memref<3200xi32, #tpu.memory_space<vmem>> -> memref<128xi32, #tpu.memory_space<vmem>>
        %dma_start3A_243 = arith.constant 0 : i32
        %dma_start3A_244 = tpu.memref_slice %arg4[%dma_start3A_243] : memref<6400000xf32, #tpu.memory_space<hbm>> -> memref<6400000xf32, #tpu.memory_space<hbm>>
        tpu.enqueue_indirect_dma source(%dma_start3A_244 : memref<6400000xf32, #tpu.memory_space<hbm>>) target(%dma_start3A_240 : memref<128xf32, #tpu.memory_space<vmem>>) offsets(%dma_start3A_242 : memref<128xi32, #tpu.memory_space<vmem>>) semaphore(%arg15 : memref<!tpu.dma_semaphore, #tpu.memory_space<semaphore_mem>>)
        %dma_start3A_245 = arith.constant 2304 : i32
        %dma_start3A_246 = tpu.memref_slice %arg14[%dma_start3A_245] : memref<3200xf32, #tpu.memory_space<vmem>> -> memref<128xf32, #tpu.memory_space<vmem>>
        %dma_start3A_247 = arith.constant 2304 : i32
        %dma_start3A_248 = tpu.memref_slice %arg12[%dma_start3A_247] : memref<3200xi32, #tpu.memory_space<vmem>> -> memref<128xi32, #tpu.memory_space<vmem>>
        %dma_start3A_249 = arith.constant 0 : i32
        %dma_start3A_250 = tpu.memref_slice %arg5[%dma_start3A_249] : memref<6400000xf32, #tpu.memory_space<hbm>> -> memref<6400000xf32, #tpu.memory_space<hbm>>
        tpu.enqueue_indirect_dma source(%dma_start3A_250 : memref<6400000xf32, #tpu.memory_space<hbm>>) target(%dma_start3A_246 : memref<128xf32, #tpu.memory_space<vmem>>) offsets(%dma_start3A_248 : memref<128xi32, #tpu.memory_space<vmem>>) semaphore(%arg15 : memref<!tpu.dma_semaphore, #tpu.memory_space<semaphore_mem>>)
        %dma_start3A_251 = arith.constant 2432 : i32
        %dma_start3A_252 = tpu.memref_slice %arg13[%dma_start3A_251] : memref<3200xf32, #tpu.memory_space<vmem>> -> memref<128xf32, #tpu.memory_space<vmem>>
        %dma_start3A_253 = arith.constant 2432 : i32
        %dma_start3A_254 = tpu.memref_slice %arg12[%dma_start3A_253] : memref<3200xi32, #tpu.memory_space<vmem>> -> memref<128xi32, #tpu.memory_space<vmem>>
        %dma_start3A_255 = arith.constant 0 : i32
        %dma_start3A_256 = tpu.memref_slice %arg4[%dma_start3A_255] : memref<6400000xf32, #tpu.memory_space<hbm>> -> memref<6400000xf32, #tpu.memory_space<hbm>>
        tpu.enqueue_indirect_dma source(%dma_start3A_256 : memref<6400000xf32, #tpu.memory_space<hbm>>) target(%dma_start3A_252 : memref<128xf32, #tpu.memory_space<vmem>>) offsets(%dma_start3A_254 : memref<128xi32, #tpu.memory_space<vmem>>) semaphore(%arg15 : memref<!tpu.dma_semaphore, #tpu.memory_space<semaphore_mem>>)
        %dma_start3A_257 = arith.constant 2432 : i32
        %dma_start3A_258 = tpu.memref_slice %arg14[%dma_start3A_257] : memref<3200xf32, #tpu.memory_space<vmem>> -> memref<128xf32, #tpu.memory_space<vmem>>
        %dma_start3A_259 = arith.constant 2432 : i32
        %dma_start3A_260 = tpu.memref_slice %arg12[%dma_start3A_259] : memref<3200xi32, #tpu.memory_space<vmem>> -> memref<128xi32, #tpu.memory_space<vmem>>
        %dma_start3A_261 = arith.constant 0 : i32
        %dma_start3A_262 = tpu.memref_slice %arg5[%dma_start3A_261] : memref<6400000xf32, #tpu.memory_space<hbm>> -> memref<6400000xf32, #tpu.memory_space<hbm>>
        tpu.enqueue_indirect_dma source(%dma_start3A_262 : memref<6400000xf32, #tpu.memory_space<hbm>>) target(%dma_start3A_258 : memref<128xf32, #tpu.memory_space<vmem>>) offsets(%dma_start3A_260 : memref<128xi32, #tpu.memory_space<vmem>>) semaphore(%arg15 : memref<!tpu.dma_semaphore, #tpu.memory_space<semaphore_mem>>)
        %dma_start3A_263 = arith.constant 2560 : i32
        %dma_start3A_264 = tpu.memref_slice %arg13[%dma_start3A_263] : memref<3200xf32, #tpu.memory_space<vmem>> -> memref<128xf32, #tpu.memory_space<vmem>>
        %dma_start3A_265 = arith.constant 2560 : i32
        %dma_start3A_266 = tpu.memref_slice %arg12[%dma_start3A_265] : memref<3200xi32, #tpu.memory_space<vmem>> -> memref<128xi32, #tpu.memory_space<vmem>>
        %dma_start3A_267 = arith.constant 0 : i32
        %dma_start3A_268 = tpu.memref_slice %arg4[%dma_start3A_267] : memref<6400000xf32, #tpu.memory_space<hbm>> -> memref<6400000xf32, #tpu.memory_space<hbm>>
        tpu.enqueue_indirect_dma source(%dma_start3A_268 : memref<6400000xf32, #tpu.memory_space<hbm>>) target(%dma_start3A_264 : memref<128xf32, #tpu.memory_space<vmem>>) offsets(%dma_start3A_266 : memref<128xi32, #tpu.memory_space<vmem>>) semaphore(%arg15 : memref<!tpu.dma_semaphore, #tpu.memory_space<semaphore_mem>>)
        %dma_start3A_269 = arith.constant 2560 : i32
        %dma_start3A_270 = tpu.memref_slice %arg14[%dma_start3A_269] : memref<3200xf32, #tpu.memory_space<vmem>> -> memref<128xf32, #tpu.memory_space<vmem>>
        %dma_start3A_271 = arith.constant 2560 : i32
        %dma_start3A_272 = tpu.memref_slice %arg12[%dma_start3A_271] : memref<3200xi32, #tpu.memory_space<vmem>> -> memref<128xi32, #tpu.memory_space<vmem>>
        %dma_start3A_273 = arith.constant 0 : i32
        %dma_start3A_274 = tpu.memref_slice %arg5[%dma_start3A_273] : memref<6400000xf32, #tpu.memory_space<hbm>> -> memref<6400000xf32, #tpu.memory_space<hbm>>
        tpu.enqueue_indirect_dma source(%dma_start3A_274 : memref<6400000xf32, #tpu.memory_space<hbm>>) target(%dma_start3A_270 : memref<128xf32, #tpu.memory_space<vmem>>) offsets(%dma_start3A_272 : memref<128xi32, #tpu.memory_space<vmem>>) semaphore(%arg15 : memref<!tpu.dma_semaphore, #tpu.memory_space<semaphore_mem>>)
        %dma_start3A_275 = arith.constant 2688 : i32
        %dma_start3A_276 = tpu.memref_slice %arg13[%dma_start3A_275] : memref<3200xf32, #tpu.memory_space<vmem>> -> memref<128xf32, #tpu.memory_space<vmem>>
        %dma_start3A_277 = arith.constant 2688 : i32
        %dma_start3A_278 = tpu.memref_slice %arg12[%dma_start3A_277] : memref<3200xi32, #tpu.memory_space<vmem>> -> memref<128xi32, #tpu.memory_space<vmem>>
        %dma_start3A_279 = arith.constant 0 : i32
        %dma_start3A_280 = tpu.memref_slice %arg4[%dma_start3A_279] : memref<6400000xf32, #tpu.memory_space<hbm>> -> memref<6400000xf32, #tpu.memory_space<hbm>>
        tpu.enqueue_indirect_dma source(%dma_start3A_280 : memref<6400000xf32, #tpu.memory_space<hbm>>) target(%dma_start3A_276 : memref<128xf32, #tpu.memory_space<vmem>>) offsets(%dma_start3A_278 : memref<128xi32, #tpu.memory_space<vmem>>) semaphore(%arg15 : memref<!tpu.dma_semaphore, #tpu.memory_space<semaphore_mem>>)
        %dma_start3A_281 = arith.constant 2688 : i32
        %dma_start3A_282 = tpu.memref_slice %arg14[%dma_start3A_281] : memref<3200xf32, #tpu.memory_space<vmem>> -> memref<128xf32, #tpu.memory_space<vmem>>
        %dma_start3A_283 = arith.constant 2688 : i32
        %dma_start3A_284 = tpu.memref_slice %arg12[%dma_start3A_283] : memref<3200xi32, #tpu.memory_space<vmem>> -> memref<128xi32, #tpu.memory_space<vmem>>
        %dma_start3A_285 = arith.constant 0 : i32
        %dma_start3A_286 = tpu.memref_slice %arg5[%dma_start3A_285] : memref<6400000xf32, #tpu.memory_space<hbm>> -> memref<6400000xf32, #tpu.memory_space<hbm>>
        tpu.enqueue_indirect_dma source(%dma_start3A_286 : memref<6400000xf32, #tpu.memory_space<hbm>>) target(%dma_start3A_282 : memref<128xf32, #tpu.memory_space<vmem>>) offsets(%dma_start3A_284 : memref<128xi32, #tpu.memory_space<vmem>>) semaphore(%arg15 : memref<!tpu.dma_semaphore, #tpu.memory_space<semaphore_mem>>)
        %dma_start3A_287 = arith.constant 2816 : i32
        %dma_start3A_288 = tpu.memref_slice %arg13[%dma_start3A_287] : memref<3200xf32, #tpu.memory_space<vmem>> -> memref<128xf32, #tpu.memory_space<vmem>>
        %dma_start3A_289 = arith.constant 2816 : i32
        %dma_start3A_290 = tpu.memref_slice %arg12[%dma_start3A_289] : memref<3200xi32, #tpu.memory_space<vmem>> -> memref<128xi32, #tpu.memory_space<vmem>>
        %dma_start3A_291 = arith.constant 0 : i32
        %dma_start3A_292 = tpu.memref_slice %arg4[%dma_start3A_291] : memref<6400000xf32, #tpu.memory_space<hbm>> -> memref<6400000xf32, #tpu.memory_space<hbm>>
        tpu.enqueue_indirect_dma source(%dma_start3A_292 : memref<6400000xf32, #tpu.memory_space<hbm>>) target(%dma_start3A_288 : memref<128xf32, #tpu.memory_space<vmem>>) offsets(%dma_start3A_290 : memref<128xi32, #tpu.memory_space<vmem>>) semaphore(%arg15 : memref<!tpu.dma_semaphore, #tpu.memory_space<semaphore_mem>>)
        %dma_start3A_293 = arith.constant 2816 : i32
        %dma_start3A_294 = tpu.memref_slice %arg14[%dma_start3A_293] : memref<3200xf32, #tpu.memory_space<vmem>> -> memref<128xf32, #tpu.memory_space<vmem>>
        %dma_start3A_295 = arith.constant 2816 : i32
        %dma_start3A_296 = tpu.memref_slice %arg12[%dma_start3A_295] : memref<3200xi32, #tpu.memory_space<vmem>> -> memref<128xi32, #tpu.memory_space<vmem>>
        %dma_start3A_297 = arith.constant 0 : i32
        %dma_start3A_298 = tpu.memref_slice %arg5[%dma_start3A_297] : memref<6400000xf32, #tpu.memory_space<hbm>> -> memref<6400000xf32, #tpu.memory_space<hbm>>
        tpu.enqueue_indirect_dma source(%dma_start3A_298 : memref<6400000xf32, #tpu.memory_space<hbm>>) target(%dma_start3A_294 : memref<128xf32, #tpu.memory_space<vmem>>) offsets(%dma_start3A_296 : memref<128xi32, #tpu.memory_space<vmem>>) semaphore(%arg15 : memref<!tpu.dma_semaphore, #tpu.memory_space<semaphore_mem>>)
        %dma_start3A_299 = arith.constant 2944 : i32
        %dma_start3A_300 = tpu.memref_slice %arg13[%dma_start3A_299] : memref<3200xf32, #tpu.memory_space<vmem>> -> memref<128xf32, #tpu.memory_space<vmem>>
        %dma_start3A_301 = arith.constant 2944 : i32
        %dma_start3A_302 = tpu.memref_slice %arg12[%dma_start3A_301] : memref<3200xi32, #tpu.memory_space<vmem>> -> memref<128xi32, #tpu.memory_space<vmem>>
        %dma_start3A_303 = arith.constant 0 : i32
        %dma_start3A_304 = tpu.memref_slice %arg4[%dma_start3A_303] : memref<6400000xf32, #tpu.memory_space<hbm>> -> memref<6400000xf32, #tpu.memory_space<hbm>>
        tpu.enqueue_indirect_dma source(%dma_start3A_304 : memref<6400000xf32, #tpu.memory_space<hbm>>) target(%dma_start3A_300 : memref<128xf32, #tpu.memory_space<vmem>>) offsets(%dma_start3A_302 : memref<128xi32, #tpu.memory_space<vmem>>) semaphore(%arg15 : memref<!tpu.dma_semaphore, #tpu.memory_space<semaphore_mem>>)
        %dma_start3A_305 = arith.constant 2944 : i32
        %dma_start3A_306 = tpu.memref_slice %arg14[%dma_start3A_305] : memref<3200xf32, #tpu.memory_space<vmem>> -> memref<128xf32, #tpu.memory_space<vmem>>
        %dma_start3A_307 = arith.constant 2944 : i32
        %dma_start3A_308 = tpu.memref_slice %arg12[%dma_start3A_307] : memref<3200xi32, #tpu.memory_space<vmem>> -> memref<128xi32, #tpu.memory_space<vmem>>
        %dma_start3A_309 = arith.constant 0 : i32
        %dma_start3A_310 = tpu.memref_slice %arg5[%dma_start3A_309] : memref<6400000xf32, #tpu.memory_space<hbm>> -> memref<6400000xf32, #tpu.memory_space<hbm>>
        tpu.enqueue_indirect_dma source(%dma_start3A_310 : memref<6400000xf32, #tpu.memory_space<hbm>>) target(%dma_start3A_306 : memref<128xf32, #tpu.memory_space<vmem>>) offsets(%dma_start3A_308 : memref<128xi32, #tpu.memory_space<vmem>>) semaphore(%arg15 : memref<!tpu.dma_semaphore, #tpu.memory_space<semaphore_mem>>)
        %dma_start3A_311 = arith.constant 3072 : i32
        %dma_start3A_312 = tpu.memref_slice %arg13[%dma_start3A_311] : memref<3200xf32, #tpu.memory_space<vmem>> -> memref<128xf32, #tpu.memory_space<vmem>>
        %dma_start3A_313 = arith.constant 3072 : i32
        %dma_start3A_314 = tpu.memref_slice %arg12[%dma_start3A_313] : memref<3200xi32, #tpu.memory_space<vmem>> -> memref<128xi32, #tpu.memory_space<vmem>>
        %dma_start3A_315 = arith.constant 0 : i32
        %dma_start3A_316 = tpu.memref_slice %arg4[%dma_start3A_315] : memref<6400000xf32, #tpu.memory_space<hbm>> -> memref<6400000xf32, #tpu.memory_space<hbm>>
        tpu.enqueue_indirect_dma source(%dma_start3A_316 : memref<6400000xf32, #tpu.memory_space<hbm>>) target(%dma_start3A_312 : memref<128xf32, #tpu.memory_space<vmem>>) offsets(%dma_start3A_314 : memref<128xi32, #tpu.memory_space<vmem>>) semaphore(%arg15 : memref<!tpu.dma_semaphore, #tpu.memory_space<semaphore_mem>>)
        %dma_start3A_317 = arith.constant 3072 : i32
        %dma_start3A_318 = tpu.memref_slice %arg14[%dma_start3A_317] : memref<3200xf32, #tpu.memory_space<vmem>> -> memref<128xf32, #tpu.memory_space<vmem>>
        %dma_start3A_319 = arith.constant 3072 : i32
        %dma_start3A_320 = tpu.memref_slice %arg12[%dma_start3A_319] : memref<3200xi32, #tpu.memory_space<vmem>> -> memref<128xi32, #tpu.memory_space<vmem>>
        %dma_start3A_321 = arith.constant 0 : i32
        %dma_start3A_322 = tpu.memref_slice %arg5[%dma_start3A_321] : memref<6400000xf32, #tpu.memory_space<hbm>> -> memref<6400000xf32, #tpu.memory_space<hbm>>
        tpu.enqueue_indirect_dma source(%dma_start3A_322 : memref<6400000xf32, #tpu.memory_space<hbm>>) target(%dma_start3A_318 : memref<128xf32, #tpu.memory_space<vmem>>) offsets(%dma_start3A_320 : memref<128xi32, #tpu.memory_space<vmem>>) semaphore(%arg15 : memref<!tpu.dma_semaphore, #tpu.memory_space<semaphore_mem>>)
        %dma_wait3A = arith.constant 0 : i32
        %dma_wait3A_323 = tpu.memref_slice %arg13[%dma_wait3A] : memref<3200xf32, #tpu.memory_space<vmem>> -> memref<128xf32, #tpu.memory_space<vmem>>
        %dma_wait3A_324 = arith.constant 0 : i32
        %dma_wait3A_325 = tpu.memref_slice %arg12[%dma_wait3A_324] : memref<3200xi32, #tpu.memory_space<vmem>> -> memref<128xi32, #tpu.memory_space<vmem>>
        %dma_wait3A_326 = arith.constant 0 : i32
        %dma_wait3A_327 = tpu.memref_slice %arg4[%dma_wait3A_326] : memref<6400000xf32, #tpu.memory_space<hbm>> -> memref<6400000xf32, #tpu.memory_space<hbm>>
        tpu.wait_indirect_dma semaphore(%arg15 : memref<!tpu.dma_semaphore, #tpu.memory_space<semaphore_mem>>) src(%dma_wait3A_327 : memref<6400000xf32, #tpu.memory_space<hbm>>) dst(%dma_wait3A_323 : memref<128xf32, #tpu.memory_space<vmem>>)
        %dma_wait3A_328 = arith.constant 0 : i32
        %dma_wait3A_329 = tpu.memref_slice %arg14[%dma_wait3A_328] : memref<3200xf32, #tpu.memory_space<vmem>> -> memref<128xf32, #tpu.memory_space<vmem>>
        %dma_wait3A_330 = arith.constant 0 : i32
        %dma_wait3A_331 = tpu.memref_slice %arg12[%dma_wait3A_330] : memref<3200xi32, #tpu.memory_space<vmem>> -> memref<128xi32, #tpu.memory_space<vmem>>
        %dma_wait3A_332 = arith.constant 0 : i32
        %dma_wait3A_333 = tpu.memref_slice %arg5[%dma_wait3A_332] : memref<6400000xf32, #tpu.memory_space<hbm>> -> memref<6400000xf32, #tpu.memory_space<hbm>>
        tpu.wait_indirect_dma semaphore(%arg15 : memref<!tpu.dma_semaphore, #tpu.memory_space<semaphore_mem>>) src(%dma_wait3A_333 : memref<6400000xf32, #tpu.memory_space<hbm>>) dst(%dma_wait3A_329 : memref<128xf32, #tpu.memory_space<vmem>>)
        %dma_wait3A_334 = arith.constant 128 : i32
        %dma_wait3A_335 = tpu.memref_slice %arg13[%dma_wait3A_334] : memref<3200xf32, #tpu.memory_space<vmem>> -> memref<128xf32, #tpu.memory_space<vmem>>
        %dma_wait3A_336 = arith.constant 128 : i32
        %dma_wait3A_337 = tpu.memref_slice %arg12[%dma_wait3A_336] : memref<3200xi32, #tpu.memory_space<vmem>> -> memref<128xi32, #tpu.memory_space<vmem>>
        %dma_wait3A_338 = arith.constant 0 : i32
        %dma_wait3A_339 = tpu.memref_slice %arg4[%dma_wait3A_338] : memref<6400000xf32, #tpu.memory_space<hbm>> -> memref<6400000xf32, #tpu.memory_space<hbm>>
        tpu.wait_indirect_dma semaphore(%arg15 : memref<!tpu.dma_semaphore, #tpu.memory_space<semaphore_mem>>) src(%dma_wait3A_339 : memref<6400000xf32, #tpu.memory_space<hbm>>) dst(%dma_wait3A_335 : memref<128xf32, #tpu.memory_space<vmem>>)
        %dma_wait3A_340 = arith.constant 128 : i32
        %dma_wait3A_341 = tpu.memref_slice %arg14[%dma_wait3A_340] : memref<3200xf32, #tpu.memory_space<vmem>> -> memref<128xf32, #tpu.memory_space<vmem>>
        %dma_wait3A_342 = arith.constant 128 : i32
        %dma_wait3A_343 = tpu.memref_slice %arg12[%dma_wait3A_342] : memref<3200xi32, #tpu.memory_space<vmem>> -> memref<128xi32, #tpu.memory_space<vmem>>
        %dma_wait3A_344 = arith.constant 0 : i32
        %dma_wait3A_345 = tpu.memref_slice %arg5[%dma_wait3A_344] : memref<6400000xf32, #tpu.memory_space<hbm>> -> memref<6400000xf32, #tpu.memory_space<hbm>>
        tpu.wait_indirect_dma semaphore(%arg15 : memref<!tpu.dma_semaphore, #tpu.memory_space<semaphore_mem>>) src(%dma_wait3A_345 : memref<6400000xf32, #tpu.memory_space<hbm>>) dst(%dma_wait3A_341 : memref<128xf32, #tpu.memory_space<vmem>>)
        %dma_wait3A_346 = arith.constant 256 : i32
        %dma_wait3A_347 = tpu.memref_slice %arg13[%dma_wait3A_346] : memref<3200xf32, #tpu.memory_space<vmem>> -> memref<128xf32, #tpu.memory_space<vmem>>
        %dma_wait3A_348 = arith.constant 256 : i32
        %dma_wait3A_349 = tpu.memref_slice %arg12[%dma_wait3A_348] : memref<3200xi32, #tpu.memory_space<vmem>> -> memref<128xi32, #tpu.memory_space<vmem>>
        %dma_wait3A_350 = arith.constant 0 : i32
        %dma_wait3A_351 = tpu.memref_slice %arg4[%dma_wait3A_350] : memref<6400000xf32, #tpu.memory_space<hbm>> -> memref<6400000xf32, #tpu.memory_space<hbm>>
        tpu.wait_indirect_dma semaphore(%arg15 : memref<!tpu.dma_semaphore, #tpu.memory_space<semaphore_mem>>) src(%dma_wait3A_351 : memref<6400000xf32, #tpu.memory_space<hbm>>) dst(%dma_wait3A_347 : memref<128xf32, #tpu.memory_space<vmem>>)
        %dma_wait3A_352 = arith.constant 256 : i32
        %dma_wait3A_353 = tpu.memref_slice %arg14[%dma_wait3A_352] : memref<3200xf32, #tpu.memory_space<vmem>> -> memref<128xf32, #tpu.memory_space<vmem>>
        %dma_wait3A_354 = arith.constant 256 : i32
        %dma_wait3A_355 = tpu.memref_slice %arg12[%dma_wait3A_354] : memref<3200xi32, #tpu.memory_space<vmem>> -> memref<128xi32, #tpu.memory_space<vmem>>
        %dma_wait3A_356 = arith.constant 0 : i32
        %dma_wait3A_357 = tpu.memref_slice %arg5[%dma_wait3A_356] : memref<6400000xf32, #tpu.memory_space<hbm>> -> memref<6400000xf32, #tpu.memory_space<hbm>>
        tpu.wait_indirect_dma semaphore(%arg15 : memref<!tpu.dma_semaphore, #tpu.memory_space<semaphore_mem>>) src(%dma_wait3A_357 : memref<6400000xf32, #tpu.memory_space<hbm>>) dst(%dma_wait3A_353 : memref<128xf32, #tpu.memory_space<vmem>>)
        %dma_wait3A_358 = arith.constant 384 : i32
        %dma_wait3A_359 = tpu.memref_slice %arg13[%dma_wait3A_358] : memref<3200xf32, #tpu.memory_space<vmem>> -> memref<128xf32, #tpu.memory_space<vmem>>
        %dma_wait3A_360 = arith.constant 384 : i32
        %dma_wait3A_361 = tpu.memref_slice %arg12[%dma_wait3A_360] : memref<3200xi32, #tpu.memory_space<vmem>> -> memref<128xi32, #tpu.memory_space<vmem>>
        %dma_wait3A_362 = arith.constant 0 : i32
        %dma_wait3A_363 = tpu.memref_slice %arg4[%dma_wait3A_362] : memref<6400000xf32, #tpu.memory_space<hbm>> -> memref<6400000xf32, #tpu.memory_space<hbm>>
        tpu.wait_indirect_dma semaphore(%arg15 : memref<!tpu.dma_semaphore, #tpu.memory_space<semaphore_mem>>) src(%dma_wait3A_363 : memref<6400000xf32, #tpu.memory_space<hbm>>) dst(%dma_wait3A_359 : memref<128xf32, #tpu.memory_space<vmem>>)
        %dma_wait3A_364 = arith.constant 384 : i32
        %dma_wait3A_365 = tpu.memref_slice %arg14[%dma_wait3A_364] : memref<3200xf32, #tpu.memory_space<vmem>> -> memref<128xf32, #tpu.memory_space<vmem>>
        %dma_wait3A_366 = arith.constant 384 : i32
        %dma_wait3A_367 = tpu.memref_slice %arg12[%dma_wait3A_366] : memref<3200xi32, #tpu.memory_space<vmem>> -> memref<128xi32, #tpu.memory_space<vmem>>
        %dma_wait3A_368 = arith.constant 0 : i32
        %dma_wait3A_369 = tpu.memref_slice %arg5[%dma_wait3A_368] : memref<6400000xf32, #tpu.memory_space<hbm>> -> memref<6400000xf32, #tpu.memory_space<hbm>>
        tpu.wait_indirect_dma semaphore(%arg15 : memref<!tpu.dma_semaphore, #tpu.memory_space<semaphore_mem>>) src(%dma_wait3A_369 : memref<6400000xf32, #tpu.memory_space<hbm>>) dst(%dma_wait3A_365 : memref<128xf32, #tpu.memory_space<vmem>>)
        %dma_wait3A_370 = arith.constant 512 : i32
        %dma_wait3A_371 = tpu.memref_slice %arg13[%dma_wait3A_370] : memref<3200xf32, #tpu.memory_space<vmem>> -> memref<128xf32, #tpu.memory_space<vmem>>
        %dma_wait3A_372 = arith.constant 512 : i32
        %dma_wait3A_373 = tpu.memref_slice %arg12[%dma_wait3A_372] : memref<3200xi32, #tpu.memory_space<vmem>> -> memref<128xi32, #tpu.memory_space<vmem>>
        %dma_wait3A_374 = arith.constant 0 : i32
        %dma_wait3A_375 = tpu.memref_slice %arg4[%dma_wait3A_374] : memref<6400000xf32, #tpu.memory_space<hbm>> -> memref<6400000xf32, #tpu.memory_space<hbm>>
        tpu.wait_indirect_dma semaphore(%arg15 : memref<!tpu.dma_semaphore, #tpu.memory_space<semaphore_mem>>) src(%dma_wait3A_375 : memref<6400000xf32, #tpu.memory_space<hbm>>) dst(%dma_wait3A_371 : memref<128xf32, #tpu.memory_space<vmem>>)
        %dma_wait3A_376 = arith.constant 512 : i32
        %dma_wait3A_377 = tpu.memref_slice %arg14[%dma_wait3A_376] : memref<3200xf32, #tpu.memory_space<vmem>> -> memref<128xf32, #tpu.memory_space<vmem>>
        %dma_wait3A_378 = arith.constant 512 : i32
        %dma_wait3A_379 = tpu.memref_slice %arg12[%dma_wait3A_378] : memref<3200xi32, #tpu.memory_space<vmem>> -> memref<128xi32, #tpu.memory_space<vmem>>
        %dma_wait3A_380 = arith.constant 0 : i32
        %dma_wait3A_381 = tpu.memref_slice %arg5[%dma_wait3A_380] : memref<6400000xf32, #tpu.memory_space<hbm>> -> memref<6400000xf32, #tpu.memory_space<hbm>>
        tpu.wait_indirect_dma semaphore(%arg15 : memref<!tpu.dma_semaphore, #tpu.memory_space<semaphore_mem>>) src(%dma_wait3A_381 : memref<6400000xf32, #tpu.memory_space<hbm>>) dst(%dma_wait3A_377 : memref<128xf32, #tpu.memory_space<vmem>>)
        %dma_wait3A_382 = arith.constant 640 : i32
        %dma_wait3A_383 = tpu.memref_slice %arg13[%dma_wait3A_382] : memref<3200xf32, #tpu.memory_space<vmem>> -> memref<128xf32, #tpu.memory_space<vmem>>
        %dma_wait3A_384 = arith.constant 640 : i32
        %dma_wait3A_385 = tpu.memref_slice %arg12[%dma_wait3A_384] : memref<3200xi32, #tpu.memory_space<vmem>> -> memref<128xi32, #tpu.memory_space<vmem>>
        %dma_wait3A_386 = arith.constant 0 : i32
        %dma_wait3A_387 = tpu.memref_slice %arg4[%dma_wait3A_386] : memref<6400000xf32, #tpu.memory_space<hbm>> -> memref<6400000xf32, #tpu.memory_space<hbm>>
        tpu.wait_indirect_dma semaphore(%arg15 : memref<!tpu.dma_semaphore, #tpu.memory_space<semaphore_mem>>) src(%dma_wait3A_387 : memref<6400000xf32, #tpu.memory_space<hbm>>) dst(%dma_wait3A_383 : memref<128xf32, #tpu.memory_space<vmem>>)
        %dma_wait3A_388 = arith.constant 640 : i32
        %dma_wait3A_389 = tpu.memref_slice %arg14[%dma_wait3A_388] : memref<3200xf32, #tpu.memory_space<vmem>> -> memref<128xf32, #tpu.memory_space<vmem>>
        %dma_wait3A_390 = arith.constant 640 : i32
        %dma_wait3A_391 = tpu.memref_slice %arg12[%dma_wait3A_390] : memref<3200xi32, #tpu.memory_space<vmem>> -> memref<128xi32, #tpu.memory_space<vmem>>
        %dma_wait3A_392 = arith.constant 0 : i32
        %dma_wait3A_393 = tpu.memref_slice %arg5[%dma_wait3A_392] : memref<6400000xf32, #tpu.memory_space<hbm>> -> memref<6400000xf32, #tpu.memory_space<hbm>>
        tpu.wait_indirect_dma semaphore(%arg15 : memref<!tpu.dma_semaphore, #tpu.memory_space<semaphore_mem>>) src(%dma_wait3A_393 : memref<6400000xf32, #tpu.memory_space<hbm>>) dst(%dma_wait3A_389 : memref<128xf32, #tpu.memory_space<vmem>>)
        %dma_wait3A_394 = arith.constant 768 : i32
        %dma_wait3A_395 = tpu.memref_slice %arg13[%dma_wait3A_394] : memref<3200xf32, #tpu.memory_space<vmem>> -> memref<128xf32, #tpu.memory_space<vmem>>
        %dma_wait3A_396 = arith.constant 768 : i32
        %dma_wait3A_397 = tpu.memref_slice %arg12[%dma_wait3A_396] : memref<3200xi32, #tpu.memory_space<vmem>> -> memref<128xi32, #tpu.memory_space<vmem>>
        %dma_wait3A_398 = arith.constant 0 : i32
        %dma_wait3A_399 = tpu.memref_slice %arg4[%dma_wait3A_398] : memref<6400000xf32, #tpu.memory_space<hbm>> -> memref<6400000xf32, #tpu.memory_space<hbm>>
        tpu.wait_indirect_dma semaphore(%arg15 : memref<!tpu.dma_semaphore, #tpu.memory_space<semaphore_mem>>) src(%dma_wait3A_399 : memref<6400000xf32, #tpu.memory_space<hbm>>) dst(%dma_wait3A_395 : memref<128xf32, #tpu.memory_space<vmem>>)
        %dma_wait3A_400 = arith.constant 768 : i32
        %dma_wait3A_401 = tpu.memref_slice %arg14[%dma_wait3A_400] : memref<3200xf32, #tpu.memory_space<vmem>> -> memref<128xf32, #tpu.memory_space<vmem>>
        %dma_wait3A_402 = arith.constant 768 : i32
        %dma_wait3A_403 = tpu.memref_slice %arg12[%dma_wait3A_402] : memref<3200xi32, #tpu.memory_space<vmem>> -> memref<128xi32, #tpu.memory_space<vmem>>
        %dma_wait3A_404 = arith.constant 0 : i32
        %dma_wait3A_405 = tpu.memref_slice %arg5[%dma_wait3A_404] : memref<6400000xf32, #tpu.memory_space<hbm>> -> memref<6400000xf32, #tpu.memory_space<hbm>>
        tpu.wait_indirect_dma semaphore(%arg15 : memref<!tpu.dma_semaphore, #tpu.memory_space<semaphore_mem>>) src(%dma_wait3A_405 : memref<6400000xf32, #tpu.memory_space<hbm>>) dst(%dma_wait3A_401 : memref<128xf32, #tpu.memory_space<vmem>>)
        %dma_wait3A_406 = arith.constant 896 : i32
        %dma_wait3A_407 = tpu.memref_slice %arg13[%dma_wait3A_406] : memref<3200xf32, #tpu.memory_space<vmem>> -> memref<128xf32, #tpu.memory_space<vmem>>
        %dma_wait3A_408 = arith.constant 896 : i32
        %dma_wait3A_409 = tpu.memref_slice %arg12[%dma_wait3A_408] : memref<3200xi32, #tpu.memory_space<vmem>> -> memref<128xi32, #tpu.memory_space<vmem>>
        %dma_wait3A_410 = arith.constant 0 : i32
        %dma_wait3A_411 = tpu.memref_slice %arg4[%dma_wait3A_410] : memref<6400000xf32, #tpu.memory_space<hbm>> -> memref<6400000xf32, #tpu.memory_space<hbm>>
        tpu.wait_indirect_dma semaphore(%arg15 : memref<!tpu.dma_semaphore, #tpu.memory_space<semaphore_mem>>) src(%dma_wait3A_411 : memref<6400000xf32, #tpu.memory_space<hbm>>) dst(%dma_wait3A_407 : memref<128xf32, #tpu.memory_space<vmem>>)
        %dma_wait3A_412 = arith.constant 896 : i32
        %dma_wait3A_413 = tpu.memref_slice %arg14[%dma_wait3A_412] : memref<3200xf32, #tpu.memory_space<vmem>> -> memref<128xf32, #tpu.memory_space<vmem>>
        %dma_wait3A_414 = arith.constant 896 : i32
        %dma_wait3A_415 = tpu.memref_slice %arg12[%dma_wait3A_414] : memref<3200xi32, #tpu.memory_space<vmem>> -> memref<128xi32, #tpu.memory_space<vmem>>
        %dma_wait3A_416 = arith.constant 0 : i32
        %dma_wait3A_417 = tpu.memref_slice %arg5[%dma_wait3A_416] : memref<6400000xf32, #tpu.memory_space<hbm>> -> memref<6400000xf32, #tpu.memory_space<hbm>>
        tpu.wait_indirect_dma semaphore(%arg15 : memref<!tpu.dma_semaphore, #tpu.memory_space<semaphore_mem>>) src(%dma_wait3A_417 : memref<6400000xf32, #tpu.memory_space<hbm>>) dst(%dma_wait3A_413 : memref<128xf32, #tpu.memory_space<vmem>>)
        %dma_wait3A_418 = arith.constant 1024 : i32
        %dma_wait3A_419 = tpu.memref_slice %arg13[%dma_wait3A_418] : memref<3200xf32, #tpu.memory_space<vmem>> -> memref<128xf32, #tpu.memory_space<vmem>>
        %dma_wait3A_420 = arith.constant 1024 : i32
        %dma_wait3A_421 = tpu.memref_slice %arg12[%dma_wait3A_420] : memref<3200xi32, #tpu.memory_space<vmem>> -> memref<128xi32, #tpu.memory_space<vmem>>
        %dma_wait3A_422 = arith.constant 0 : i32
        %dma_wait3A_423 = tpu.memref_slice %arg4[%dma_wait3A_422] : memref<6400000xf32, #tpu.memory_space<hbm>> -> memref<6400000xf32, #tpu.memory_space<hbm>>
        tpu.wait_indirect_dma semaphore(%arg15 : memref<!tpu.dma_semaphore, #tpu.memory_space<semaphore_mem>>) src(%dma_wait3A_423 : memref<6400000xf32, #tpu.memory_space<hbm>>) dst(%dma_wait3A_419 : memref<128xf32, #tpu.memory_space<vmem>>)
        %dma_wait3A_424 = arith.constant 1024 : i32
        %dma_wait3A_425 = tpu.memref_slice %arg14[%dma_wait3A_424] : memref<3200xf32, #tpu.memory_space<vmem>> -> memref<128xf32, #tpu.memory_space<vmem>>
        %dma_wait3A_426 = arith.constant 1024 : i32
        %dma_wait3A_427 = tpu.memref_slice %arg12[%dma_wait3A_426] : memref<3200xi32, #tpu.memory_space<vmem>> -> memref<128xi32, #tpu.memory_space<vmem>>
        %dma_wait3A_428 = arith.constant 0 : i32
        %dma_wait3A_429 = tpu.memref_slice %arg5[%dma_wait3A_428] : memref<6400000xf32, #tpu.memory_space<hbm>> -> memref<6400000xf32, #tpu.memory_space<hbm>>
        tpu.wait_indirect_dma semaphore(%arg15 : memref<!tpu.dma_semaphore, #tpu.memory_space<semaphore_mem>>) src(%dma_wait3A_429 : memref<6400000xf32, #tpu.memory_space<hbm>>) dst(%dma_wait3A_425 : memref<128xf32, #tpu.memory_space<vmem>>)
        %dma_wait3A_430 = arith.constant 1152 : i32
        %dma_wait3A_431 = tpu.memref_slice %arg13[%dma_wait3A_430] : memref<3200xf32, #tpu.memory_space<vmem>> -> memref<128xf32, #tpu.memory_space<vmem>>
        %dma_wait3A_432 = arith.constant 1152 : i32
        %dma_wait3A_433 = tpu.memref_slice %arg12[%dma_wait3A_432] : memref<3200xi32, #tpu.memory_space<vmem>> -> memref<128xi32, #tpu.memory_space<vmem>>
        %dma_wait3A_434 = arith.constant 0 : i32
        %dma_wait3A_435 = tpu.memref_slice %arg4[%dma_wait3A_434] : memref<6400000xf32, #tpu.memory_space<hbm>> -> memref<6400000xf32, #tpu.memory_space<hbm>>
        tpu.wait_indirect_dma semaphore(%arg15 : memref<!tpu.dma_semaphore, #tpu.memory_space<semaphore_mem>>) src(%dma_wait3A_435 : memref<6400000xf32, #tpu.memory_space<hbm>>) dst(%dma_wait3A_431 : memref<128xf32, #tpu.memory_space<vmem>>)
        %dma_wait3A_436 = arith.constant 1152 : i32
        %dma_wait3A_437 = tpu.memref_slice %arg14[%dma_wait3A_436] : memref<3200xf32, #tpu.memory_space<vmem>> -> memref<128xf32, #tpu.memory_space<vmem>>
        %dma_wait3A_438 = arith.constant 1152 : i32
        %dma_wait3A_439 = tpu.memref_slice %arg12[%dma_wait3A_438] : memref<3200xi32, #tpu.memory_space<vmem>> -> memref<128xi32, #tpu.memory_space<vmem>>
        %dma_wait3A_440 = arith.constant 0 : i32
        %dma_wait3A_441 = tpu.memref_slice %arg5[%dma_wait3A_440] : memref<6400000xf32, #tpu.memory_space<hbm>> -> memref<6400000xf32, #tpu.memory_space<hbm>>
        tpu.wait_indirect_dma semaphore(%arg15 : memref<!tpu.dma_semaphore, #tpu.memory_space<semaphore_mem>>) src(%dma_wait3A_441 : memref<6400000xf32, #tpu.memory_space<hbm>>) dst(%dma_wait3A_437 : memref<128xf32, #tpu.memory_space<vmem>>)
        %dma_wait3A_442 = arith.constant 1280 : i32
        %dma_wait3A_443 = tpu.memref_slice %arg13[%dma_wait3A_442] : memref<3200xf32, #tpu.memory_space<vmem>> -> memref<128xf32, #tpu.memory_space<vmem>>
        %dma_wait3A_444 = arith.constant 1280 : i32
        %dma_wait3A_445 = tpu.memref_slice %arg12[%dma_wait3A_444] : memref<3200xi32, #tpu.memory_space<vmem>> -> memref<128xi32, #tpu.memory_space<vmem>>
        %dma_wait3A_446 = arith.constant 0 : i32
        %dma_wait3A_447 = tpu.memref_slice %arg4[%dma_wait3A_446] : memref<6400000xf32, #tpu.memory_space<hbm>> -> memref<6400000xf32, #tpu.memory_space<hbm>>
        tpu.wait_indirect_dma semaphore(%arg15 : memref<!tpu.dma_semaphore, #tpu.memory_space<semaphore_mem>>) src(%dma_wait3A_447 : memref<6400000xf32, #tpu.memory_space<hbm>>) dst(%dma_wait3A_443 : memref<128xf32, #tpu.memory_space<vmem>>)
        %dma_wait3A_448 = arith.constant 1280 : i32
        %dma_wait3A_449 = tpu.memref_slice %arg14[%dma_wait3A_448] : memref<3200xf32, #tpu.memory_space<vmem>> -> memref<128xf32, #tpu.memory_space<vmem>>
        %dma_wait3A_450 = arith.constant 1280 : i32
        %dma_wait3A_451 = tpu.memref_slice %arg12[%dma_wait3A_450] : memref<3200xi32, #tpu.memory_space<vmem>> -> memref<128xi32, #tpu.memory_space<vmem>>
        %dma_wait3A_452 = arith.constant 0 : i32
        %dma_wait3A_453 = tpu.memref_slice %arg5[%dma_wait3A_452] : memref<6400000xf32, #tpu.memory_space<hbm>> -> memref<6400000xf32, #tpu.memory_space<hbm>>
        tpu.wait_indirect_dma semaphore(%arg15 : memref<!tpu.dma_semaphore, #tpu.memory_space<semaphore_mem>>) src(%dma_wait3A_453 : memref<6400000xf32, #tpu.memory_space<hbm>>) dst(%dma_wait3A_449 : memref<128xf32, #tpu.memory_space<vmem>>)
        %dma_wait3A_454 = arith.constant 1408 : i32
        %dma_wait3A_455 = tpu.memref_slice %arg13[%dma_wait3A_454] : memref<3200xf32, #tpu.memory_space<vmem>> -> memref<128xf32, #tpu.memory_space<vmem>>
        %dma_wait3A_456 = arith.constant 1408 : i32
        %dma_wait3A_457 = tpu.memref_slice %arg12[%dma_wait3A_456] : memref<3200xi32, #tpu.memory_space<vmem>> -> memref<128xi32, #tpu.memory_space<vmem>>
        %dma_wait3A_458 = arith.constant 0 : i32
        %dma_wait3A_459 = tpu.memref_slice %arg4[%dma_wait3A_458] : memref<6400000xf32, #tpu.memory_space<hbm>> -> memref<6400000xf32, #tpu.memory_space<hbm>>
        tpu.wait_indirect_dma semaphore(%arg15 : memref<!tpu.dma_semaphore, #tpu.memory_space<semaphore_mem>>) src(%dma_wait3A_459 : memref<6400000xf32, #tpu.memory_space<hbm>>) dst(%dma_wait3A_455 : memref<128xf32, #tpu.memory_space<vmem>>)
        %dma_wait3A_460 = arith.constant 1408 : i32
        %dma_wait3A_461 = tpu.memref_slice %arg14[%dma_wait3A_460] : memref<3200xf32, #tpu.memory_space<vmem>> -> memref<128xf32, #tpu.memory_space<vmem>>
        %dma_wait3A_462 = arith.constant 1408 : i32
        %dma_wait3A_463 = tpu.memref_slice %arg12[%dma_wait3A_462] : memref<3200xi32, #tpu.memory_space<vmem>> -> memref<128xi32, #tpu.memory_space<vmem>>
        %dma_wait3A_464 = arith.constant 0 : i32
        %dma_wait3A_465 = tpu.memref_slice %arg5[%dma_wait3A_464] : memref<6400000xf32, #tpu.memory_space<hbm>> -> memref<6400000xf32, #tpu.memory_space<hbm>>
        tpu.wait_indirect_dma semaphore(%arg15 : memref<!tpu.dma_semaphore, #tpu.memory_space<semaphore_mem>>) src(%dma_wait3A_465 : memref<6400000xf32, #tpu.memory_space<hbm>>) dst(%dma_wait3A_461 : memref<128xf32, #tpu.memory_space<vmem>>)
        %dma_wait3A_466 = arith.constant 1536 : i32
        %dma_wait3A_467 = tpu.memref_slice %arg13[%dma_wait3A_466] : memref<3200xf32, #tpu.memory_space<vmem>> -> memref<128xf32, #tpu.memory_space<vmem>>
        %dma_wait3A_468 = arith.constant 1536 : i32
        %dma_wait3A_469 = tpu.memref_slice %arg12[%dma_wait3A_468] : memref<3200xi32, #tpu.memory_space<vmem>> -> memref<128xi32, #tpu.memory_space<vmem>>
        %dma_wait3A_470 = arith.constant 0 : i32
        %dma_wait3A_471 = tpu.memref_slice %arg4[%dma_wait3A_470] : memref<6400000xf32, #tpu.memory_space<hbm>> -> memref<6400000xf32, #tpu.memory_space<hbm>>
        tpu.wait_indirect_dma semaphore(%arg15 : memref<!tpu.dma_semaphore, #tpu.memory_space<semaphore_mem>>) src(%dma_wait3A_471 : memref<6400000xf32, #tpu.memory_space<hbm>>) dst(%dma_wait3A_467 : memref<128xf32, #tpu.memory_space<vmem>>)
        %dma_wait3A_472 = arith.constant 1536 : i32
        %dma_wait3A_473 = tpu.memref_slice %arg14[%dma_wait3A_472] : memref<3200xf32, #tpu.memory_space<vmem>> -> memref<128xf32, #tpu.memory_space<vmem>>
        %dma_wait3A_474 = arith.constant 1536 : i32
        %dma_wait3A_475 = tpu.memref_slice %arg12[%dma_wait3A_474] : memref<3200xi32, #tpu.memory_space<vmem>> -> memref<128xi32, #tpu.memory_space<vmem>>
        %dma_wait3A_476 = arith.constant 0 : i32
        %dma_wait3A_477 = tpu.memref_slice %arg5[%dma_wait3A_476] : memref<6400000xf32, #tpu.memory_space<hbm>> -> memref<6400000xf32, #tpu.memory_space<hbm>>
        tpu.wait_indirect_dma semaphore(%arg15 : memref<!tpu.dma_semaphore, #tpu.memory_space<semaphore_mem>>) src(%dma_wait3A_477 : memref<6400000xf32, #tpu.memory_space<hbm>>) dst(%dma_wait3A_473 : memref<128xf32, #tpu.memory_space<vmem>>)
        %dma_wait3A_478 = arith.constant 1664 : i32
        %dma_wait3A_479 = tpu.memref_slice %arg13[%dma_wait3A_478] : memref<3200xf32, #tpu.memory_space<vmem>> -> memref<128xf32, #tpu.memory_space<vmem>>
        %dma_wait3A_480 = arith.constant 1664 : i32
        %dma_wait3A_481 = tpu.memref_slice %arg12[%dma_wait3A_480] : memref<3200xi32, #tpu.memory_space<vmem>> -> memref<128xi32, #tpu.memory_space<vmem>>
        %dma_wait3A_482 = arith.constant 0 : i32
        %dma_wait3A_483 = tpu.memref_slice %arg4[%dma_wait3A_482] : memref<6400000xf32, #tpu.memory_space<hbm>> -> memref<6400000xf32, #tpu.memory_space<hbm>>
        tpu.wait_indirect_dma semaphore(%arg15 : memref<!tpu.dma_semaphore, #tpu.memory_space<semaphore_mem>>) src(%dma_wait3A_483 : memref<6400000xf32, #tpu.memory_space<hbm>>) dst(%dma_wait3A_479 : memref<128xf32, #tpu.memory_space<vmem>>)
        %dma_wait3A_484 = arith.constant 1664 : i32
        %dma_wait3A_485 = tpu.memref_slice %arg14[%dma_wait3A_484] : memref<3200xf32, #tpu.memory_space<vmem>> -> memref<128xf32, #tpu.memory_space<vmem>>
        %dma_wait3A_486 = arith.constant 1664 : i32
        %dma_wait3A_487 = tpu.memref_slice %arg12[%dma_wait3A_486] : memref<3200xi32, #tpu.memory_space<vmem>> -> memref<128xi32, #tpu.memory_space<vmem>>
        %dma_wait3A_488 = arith.constant 0 : i32
        %dma_wait3A_489 = tpu.memref_slice %arg5[%dma_wait3A_488] : memref<6400000xf32, #tpu.memory_space<hbm>> -> memref<6400000xf32, #tpu.memory_space<hbm>>
        tpu.wait_indirect_dma semaphore(%arg15 : memref<!tpu.dma_semaphore, #tpu.memory_space<semaphore_mem>>) src(%dma_wait3A_489 : memref<6400000xf32, #tpu.memory_space<hbm>>) dst(%dma_wait3A_485 : memref<128xf32, #tpu.memory_space<vmem>>)
        %dma_wait3A_490 = arith.constant 1792 : i32
        %dma_wait3A_491 = tpu.memref_slice %arg13[%dma_wait3A_490] : memref<3200xf32, #tpu.memory_space<vmem>> -> memref<128xf32, #tpu.memory_space<vmem>>
        %dma_wait3A_492 = arith.constant 1792 : i32
        %dma_wait3A_493 = tpu.memref_slice %arg12[%dma_wait3A_492] : memref<3200xi32, #tpu.memory_space<vmem>> -> memref<128xi32, #tpu.memory_space<vmem>>
        %dma_wait3A_494 = arith.constant 0 : i32
        %dma_wait3A_495 = tpu.memref_slice %arg4[%dma_wait3A_494] : memref<6400000xf32, #tpu.memory_space<hbm>> -> memref<6400000xf32, #tpu.memory_space<hbm>>
        tpu.wait_indirect_dma semaphore(%arg15 : memref<!tpu.dma_semaphore, #tpu.memory_space<semaphore_mem>>) src(%dma_wait3A_495 : memref<6400000xf32, #tpu.memory_space<hbm>>) dst(%dma_wait3A_491 : memref<128xf32, #tpu.memory_space<vmem>>)
        %dma_wait3A_496 = arith.constant 1792 : i32
        %dma_wait3A_497 = tpu.memref_slice %arg14[%dma_wait3A_496] : memref<3200xf32, #tpu.memory_space<vmem>> -> memref<128xf32, #tpu.memory_space<vmem>>
        %dma_wait3A_498 = arith.constant 1792 : i32
        %dma_wait3A_499 = tpu.memref_slice %arg12[%dma_wait3A_498] : memref<3200xi32, #tpu.memory_space<vmem>> -> memref<128xi32, #tpu.memory_space<vmem>>
        %dma_wait3A_500 = arith.constant 0 : i32
        %dma_wait3A_501 = tpu.memref_slice %arg5[%dma_wait3A_500] : memref<6400000xf32, #tpu.memory_space<hbm>> -> memref<6400000xf32, #tpu.memory_space<hbm>>
        tpu.wait_indirect_dma semaphore(%arg15 : memref<!tpu.dma_semaphore, #tpu.memory_space<semaphore_mem>>) src(%dma_wait3A_501 : memref<6400000xf32, #tpu.memory_space<hbm>>) dst(%dma_wait3A_497 : memref<128xf32, #tpu.memory_space<vmem>>)
        %dma_wait3A_502 = arith.constant 1920 : i32
        %dma_wait3A_503 = tpu.memref_slice %arg13[%dma_wait3A_502] : memref<3200xf32, #tpu.memory_space<vmem>> -> memref<128xf32, #tpu.memory_space<vmem>>
        %dma_wait3A_504 = arith.constant 1920 : i32
        %dma_wait3A_505 = tpu.memref_slice %arg12[%dma_wait3A_504] : memref<3200xi32, #tpu.memory_space<vmem>> -> memref<128xi32, #tpu.memory_space<vmem>>
        %dma_wait3A_506 = arith.constant 0 : i32
        %dma_wait3A_507 = tpu.memref_slice %arg4[%dma_wait3A_506] : memref<6400000xf32, #tpu.memory_space<hbm>> -> memref<6400000xf32, #tpu.memory_space<hbm>>
        tpu.wait_indirect_dma semaphore(%arg15 : memref<!tpu.dma_semaphore, #tpu.memory_space<semaphore_mem>>) src(%dma_wait3A_507 : memref<6400000xf32, #tpu.memory_space<hbm>>) dst(%dma_wait3A_503 : memref<128xf32, #tpu.memory_space<vmem>>)
        %dma_wait3A_508 = arith.constant 1920 : i32
        %dma_wait3A_509 = tpu.memref_slice %arg14[%dma_wait3A_508] : memref<3200xf32, #tpu.memory_space<vmem>> -> memref<128xf32, #tpu.memory_space<vmem>>
        %dma_wait3A_510 = arith.constant 1920 : i32
        %dma_wait3A_511 = tpu.memref_slice %arg12[%dma_wait3A_510] : memref<3200xi32, #tpu.memory_space<vmem>> -> memref<128xi32, #tpu.memory_space<vmem>>
        %dma_wait3A_512 = arith.constant 0 : i32
        %dma_wait3A_513 = tpu.memref_slice %arg5[%dma_wait3A_512] : memref<6400000xf32, #tpu.memory_space<hbm>> -> memref<6400000xf32, #tpu.memory_space<hbm>>
        tpu.wait_indirect_dma semaphore(%arg15 : memref<!tpu.dma_semaphore, #tpu.memory_space<semaphore_mem>>) src(%dma_wait3A_513 : memref<6400000xf32, #tpu.memory_space<hbm>>) dst(%dma_wait3A_509 : memref<128xf32, #tpu.memory_space<vmem>>)
        %dma_wait3A_514 = arith.constant 2048 : i32
        %dma_wait3A_515 = tpu.memref_slice %arg13[%dma_wait3A_514] : memref<3200xf32, #tpu.memory_space<vmem>> -> memref<128xf32, #tpu.memory_space<vmem>>
        %dma_wait3A_516 = arith.constant 2048 : i32
        %dma_wait3A_517 = tpu.memref_slice %arg12[%dma_wait3A_516] : memref<3200xi32, #tpu.memory_space<vmem>> -> memref<128xi32, #tpu.memory_space<vmem>>
        %dma_wait3A_518 = arith.constant 0 : i32
        %dma_wait3A_519 = tpu.memref_slice %arg4[%dma_wait3A_518] : memref<6400000xf32, #tpu.memory_space<hbm>> -> memref<6400000xf32, #tpu.memory_space<hbm>>
        tpu.wait_indirect_dma semaphore(%arg15 : memref<!tpu.dma_semaphore, #tpu.memory_space<semaphore_mem>>) src(%dma_wait3A_519 : memref<6400000xf32, #tpu.memory_space<hbm>>) dst(%dma_wait3A_515 : memref<128xf32, #tpu.memory_space<vmem>>)
        %dma_wait3A_520 = arith.constant 2048 : i32
        %dma_wait3A_521 = tpu.memref_slice %arg14[%dma_wait3A_520] : memref<3200xf32, #tpu.memory_space<vmem>> -> memref<128xf32, #tpu.memory_space<vmem>>
        %dma_wait3A_522 = arith.constant 2048 : i32
        %dma_wait3A_523 = tpu.memref_slice %arg12[%dma_wait3A_522] : memref<3200xi32, #tpu.memory_space<vmem>> -> memref<128xi32, #tpu.memory_space<vmem>>
        %dma_wait3A_524 = arith.constant 0 : i32
        %dma_wait3A_525 = tpu.memref_slice %arg5[%dma_wait3A_524] : memref<6400000xf32, #tpu.memory_space<hbm>> -> memref<6400000xf32, #tpu.memory_space<hbm>>
        tpu.wait_indirect_dma semaphore(%arg15 : memref<!tpu.dma_semaphore, #tpu.memory_space<semaphore_mem>>) src(%dma_wait3A_525 : memref<6400000xf32, #tpu.memory_space<hbm>>) dst(%dma_wait3A_521 : memref<128xf32, #tpu.memory_space<vmem>>)
        %dma_wait3A_526 = arith.constant 2176 : i32
        %dma_wait3A_527 = tpu.memref_slice %arg13[%dma_wait3A_526] : memref<3200xf32, #tpu.memory_space<vmem>> -> memref<128xf32, #tpu.memory_space<vmem>>
        %dma_wait3A_528 = arith.constant 2176 : i32
        %dma_wait3A_529 = tpu.memref_slice %arg12[%dma_wait3A_528] : memref<3200xi32, #tpu.memory_space<vmem>> -> memref<128xi32, #tpu.memory_space<vmem>>
        %dma_wait3A_530 = arith.constant 0 : i32
        %dma_wait3A_531 = tpu.memref_slice %arg4[%dma_wait3A_530] : memref<6400000xf32, #tpu.memory_space<hbm>> -> memref<6400000xf32, #tpu.memory_space<hbm>>
        tpu.wait_indirect_dma semaphore(%arg15 : memref<!tpu.dma_semaphore, #tpu.memory_space<semaphore_mem>>) src(%dma_wait3A_531 : memref<6400000xf32, #tpu.memory_space<hbm>>) dst(%dma_wait3A_527 : memref<128xf32, #tpu.memory_space<vmem>>)
        %dma_wait3A_532 = arith.constant 2176 : i32
        %dma_wait3A_533 = tpu.memref_slice %arg14[%dma_wait3A_532] : memref<3200xf32, #tpu.memory_space<vmem>> -> memref<128xf32, #tpu.memory_space<vmem>>
        %dma_wait3A_534 = arith.constant 2176 : i32
        %dma_wait3A_535 = tpu.memref_slice %arg12[%dma_wait3A_534] : memref<3200xi32, #tpu.memory_space<vmem>> -> memref<128xi32, #tpu.memory_space<vmem>>
        %dma_wait3A_536 = arith.constant 0 : i32
        %dma_wait3A_537 = tpu.memref_slice %arg5[%dma_wait3A_536] : memref<6400000xf32, #tpu.memory_space<hbm>> -> memref<6400000xf32, #tpu.memory_space<hbm>>
        tpu.wait_indirect_dma semaphore(%arg15 : memref<!tpu.dma_semaphore, #tpu.memory_space<semaphore_mem>>) src(%dma_wait3A_537 : memref<6400000xf32, #tpu.memory_space<hbm>>) dst(%dma_wait3A_533 : memref<128xf32, #tpu.memory_space<vmem>>)
        %dma_wait3A_538 = arith.constant 2304 : i32
        %dma_wait3A_539 = tpu.memref_slice %arg13[%dma_wait3A_538] : memref<3200xf32, #tpu.memory_space<vmem>> -> memref<128xf32, #tpu.memory_space<vmem>>
        %dma_wait3A_540 = arith.constant 2304 : i32
        %dma_wait3A_541 = tpu.memref_slice %arg12[%dma_wait3A_540] : memref<3200xi32, #tpu.memory_space<vmem>> -> memref<128xi32, #tpu.memory_space<vmem>>
        %dma_wait3A_542 = arith.constant 0 : i32
        %dma_wait3A_543 = tpu.memref_slice %arg4[%dma_wait3A_542] : memref<6400000xf32, #tpu.memory_space<hbm>> -> memref<6400000xf32, #tpu.memory_space<hbm>>
        tpu.wait_indirect_dma semaphore(%arg15 : memref<!tpu.dma_semaphore, #tpu.memory_space<semaphore_mem>>) src(%dma_wait3A_543 : memref<6400000xf32, #tpu.memory_space<hbm>>) dst(%dma_wait3A_539 : memref<128xf32, #tpu.memory_space<vmem>>)
        %dma_wait3A_544 = arith.constant 2304 : i32
        %dma_wait3A_545 = tpu.memref_slice %arg14[%dma_wait3A_544] : memref<3200xf32, #tpu.memory_space<vmem>> -> memref<128xf32, #tpu.memory_space<vmem>>
        %dma_wait3A_546 = arith.constant 2304 : i32
        %dma_wait3A_547 = tpu.memref_slice %arg12[%dma_wait3A_546] : memref<3200xi32, #tpu.memory_space<vmem>> -> memref<128xi32, #tpu.memory_space<vmem>>
        %dma_wait3A_548 = arith.constant 0 : i32
        %dma_wait3A_549 = tpu.memref_slice %arg5[%dma_wait3A_548] : memref<6400000xf32, #tpu.memory_space<hbm>> -> memref<6400000xf32, #tpu.memory_space<hbm>>
        tpu.wait_indirect_dma semaphore(%arg15 : memref<!tpu.dma_semaphore, #tpu.memory_space<semaphore_mem>>) src(%dma_wait3A_549 : memref<6400000xf32, #tpu.memory_space<hbm>>) dst(%dma_wait3A_545 : memref<128xf32, #tpu.memory_space<vmem>>)
        %dma_wait3A_550 = arith.constant 2432 : i32
        %dma_wait3A_551 = tpu.memref_slice %arg13[%dma_wait3A_550] : memref<3200xf32, #tpu.memory_space<vmem>> -> memref<128xf32, #tpu.memory_space<vmem>>
        %dma_wait3A_552 = arith.constant 2432 : i32
        %dma_wait3A_553 = tpu.memref_slice %arg12[%dma_wait3A_552] : memref<3200xi32, #tpu.memory_space<vmem>> -> memref<128xi32, #tpu.memory_space<vmem>>
        %dma_wait3A_554 = arith.constant 0 : i32
        %dma_wait3A_555 = tpu.memref_slice %arg4[%dma_wait3A_554] : memref<6400000xf32, #tpu.memory_space<hbm>> -> memref<6400000xf32, #tpu.memory_space<hbm>>
        tpu.wait_indirect_dma semaphore(%arg15 : memref<!tpu.dma_semaphore, #tpu.memory_space<semaphore_mem>>) src(%dma_wait3A_555 : memref<6400000xf32, #tpu.memory_space<hbm>>) dst(%dma_wait3A_551 : memref<128xf32, #tpu.memory_space<vmem>>)
        %dma_wait3A_556 = arith.constant 2432 : i32
        %dma_wait3A_557 = tpu.memref_slice %arg14[%dma_wait3A_556] : memref<3200xf32, #tpu.memory_space<vmem>> -> memref<128xf32, #tpu.memory_space<vmem>>
        %dma_wait3A_558 = arith.constant 2432 : i32
        %dma_wait3A_559 = tpu.memref_slice %arg12[%dma_wait3A_558] : memref<3200xi32, #tpu.memory_space<vmem>> -> memref<128xi32, #tpu.memory_space<vmem>>
        %dma_wait3A_560 = arith.constant 0 : i32
        %dma_wait3A_561 = tpu.memref_slice %arg5[%dma_wait3A_560] : memref<6400000xf32, #tpu.memory_space<hbm>> -> memref<6400000xf32, #tpu.memory_space<hbm>>
        tpu.wait_indirect_dma semaphore(%arg15 : memref<!tpu.dma_semaphore, #tpu.memory_space<semaphore_mem>>) src(%dma_wait3A_561 : memref<6400000xf32, #tpu.memory_space<hbm>>) dst(%dma_wait3A_557 : memref<128xf32, #tpu.memory_space<vmem>>)
        %dma_wait3A_562 = arith.constant 2560 : i32
        %dma_wait3A_563 = tpu.memref_slice %arg13[%dma_wait3A_562] : memref<3200xf32, #tpu.memory_space<vmem>> -> memref<128xf32, #tpu.memory_space<vmem>>
        %dma_wait3A_564 = arith.constant 2560 : i32
        %dma_wait3A_565 = tpu.memref_slice %arg12[%dma_wait3A_564] : memref<3200xi32, #tpu.memory_space<vmem>> -> memref<128xi32, #tpu.memory_space<vmem>>
        %dma_wait3A_566 = arith.constant 0 : i32
        %dma_wait3A_567 = tpu.memref_slice %arg4[%dma_wait3A_566] : memref<6400000xf32, #tpu.memory_space<hbm>> -> memref<6400000xf32, #tpu.memory_space<hbm>>
        tpu.wait_indirect_dma semaphore(%arg15 : memref<!tpu.dma_semaphore, #tpu.memory_space<semaphore_mem>>) src(%dma_wait3A_567 : memref<6400000xf32, #tpu.memory_space<hbm>>) dst(%dma_wait3A_563 : memref<128xf32, #tpu.memory_space<vmem>>)
        %dma_wait3A_568 = arith.constant 2560 : i32
        %dma_wait3A_569 = tpu.memref_slice %arg14[%dma_wait3A_568] : memref<3200xf32, #tpu.memory_space<vmem>> -> memref<128xf32, #tpu.memory_space<vmem>>
        %dma_wait3A_570 = arith.constant 2560 : i32
        %dma_wait3A_571 = tpu.memref_slice %arg12[%dma_wait3A_570] : memref<3200xi32, #tpu.memory_space<vmem>> -> memref<128xi32, #tpu.memory_space<vmem>>
        %dma_wait3A_572 = arith.constant 0 : i32
        %dma_wait3A_573 = tpu.memref_slice %arg5[%dma_wait3A_572] : memref<6400000xf32, #tpu.memory_space<hbm>> -> memref<6400000xf32, #tpu.memory_space<hbm>>
        tpu.wait_indirect_dma semaphore(%arg15 : memref<!tpu.dma_semaphore, #tpu.memory_space<semaphore_mem>>) src(%dma_wait3A_573 : memref<6400000xf32, #tpu.memory_space<hbm>>) dst(%dma_wait3A_569 : memref<128xf32, #tpu.memory_space<vmem>>)
        %dma_wait3A_574 = arith.constant 2688 : i32
        %dma_wait3A_575 = tpu.memref_slice %arg13[%dma_wait3A_574] : memref<3200xf32, #tpu.memory_space<vmem>> -> memref<128xf32, #tpu.memory_space<vmem>>
        %dma_wait3A_576 = arith.constant 2688 : i32
        %dma_wait3A_577 = tpu.memref_slice %arg12[%dma_wait3A_576] : memref<3200xi32, #tpu.memory_space<vmem>> -> memref<128xi32, #tpu.memory_space<vmem>>
        %dma_wait3A_578 = arith.constant 0 : i32
        %dma_wait3A_579 = tpu.memref_slice %arg4[%dma_wait3A_578] : memref<6400000xf32, #tpu.memory_space<hbm>> -> memref<6400000xf32, #tpu.memory_space<hbm>>
        tpu.wait_indirect_dma semaphore(%arg15 : memref<!tpu.dma_semaphore, #tpu.memory_space<semaphore_mem>>) src(%dma_wait3A_579 : memref<6400000xf32, #tpu.memory_space<hbm>>) dst(%dma_wait3A_575 : memref<128xf32, #tpu.memory_space<vmem>>)
        %dma_wait3A_580 = arith.constant 2688 : i32
        %dma_wait3A_581 = tpu.memref_slice %arg14[%dma_wait3A_580] : memref<3200xf32, #tpu.memory_space<vmem>> -> memref<128xf32, #tpu.memory_space<vmem>>
        %dma_wait3A_582 = arith.constant 2688 : i32
        %dma_wait3A_583 = tpu.memref_slice %arg12[%dma_wait3A_582] : memref<3200xi32, #tpu.memory_space<vmem>> -> memref<128xi32, #tpu.memory_space<vmem>>
        %dma_wait3A_584 = arith.constant 0 : i32
        %dma_wait3A_585 = tpu.memref_slice %arg5[%dma_wait3A_584] : memref<6400000xf32, #tpu.memory_space<hbm>> -> memref<6400000xf32, #tpu.memory_space<hbm>>
        tpu.wait_indirect_dma semaphore(%arg15 : memref<!tpu.dma_semaphore, #tpu.memory_space<semaphore_mem>>) src(%dma_wait3A_585 : memref<6400000xf32, #tpu.memory_space<hbm>>) dst(%dma_wait3A_581 : memref<128xf32, #tpu.memory_space<vmem>>)
        %dma_wait3A_586 = arith.constant 2816 : i32
        %dma_wait3A_587 = tpu.memref_slice %arg13[%dma_wait3A_586] : memref<3200xf32, #tpu.memory_space<vmem>> -> memref<128xf32, #tpu.memory_space<vmem>>
        %dma_wait3A_588 = arith.constant 2816 : i32
        %dma_wait3A_589 = tpu.memref_slice %arg12[%dma_wait3A_588] : memref<3200xi32, #tpu.memory_space<vmem>> -> memref<128xi32, #tpu.memory_space<vmem>>
        %dma_wait3A_590 = arith.constant 0 : i32
        %dma_wait3A_591 = tpu.memref_slice %arg4[%dma_wait3A_590] : memref<6400000xf32, #tpu.memory_space<hbm>> -> memref<6400000xf32, #tpu.memory_space<hbm>>
        tpu.wait_indirect_dma semaphore(%arg15 : memref<!tpu.dma_semaphore, #tpu.memory_space<semaphore_mem>>) src(%dma_wait3A_591 : memref<6400000xf32, #tpu.memory_space<hbm>>) dst(%dma_wait3A_587 : memref<128xf32, #tpu.memory_space<vmem>>)
        %dma_wait3A_592 = arith.constant 2816 : i32
        %dma_wait3A_593 = tpu.memref_slice %arg14[%dma_wait3A_592] : memref<3200xf32, #tpu.memory_space<vmem>> -> memref<128xf32, #tpu.memory_space<vmem>>
        %dma_wait3A_594 = arith.constant 2816 : i32
        %dma_wait3A_595 = tpu.memref_slice %arg12[%dma_wait3A_594] : memref<3200xi32, #tpu.memory_space<vmem>> -> memref<128xi32, #tpu.memory_space<vmem>>
        %dma_wait3A_596 = arith.constant 0 : i32
        %dma_wait3A_597 = tpu.memref_slice %arg5[%dma_wait3A_596] : memref<6400000xf32, #tpu.memory_space<hbm>> -> memref<6400000xf32, #tpu.memory_space<hbm>>
        tpu.wait_indirect_dma semaphore(%arg15 : memref<!tpu.dma_semaphore, #tpu.memory_space<semaphore_mem>>) src(%dma_wait3A_597 : memref<6400000xf32, #tpu.memory_space<hbm>>) dst(%dma_wait3A_593 : memref<128xf32, #tpu.memory_space<vmem>>)
        %dma_wait3A_598 = arith.constant 2944 : i32
        %dma_wait3A_599 = tpu.memref_slice %arg13[%dma_wait3A_598] : memref<3200xf32, #tpu.memory_space<vmem>> -> memref<128xf32, #tpu.memory_space<vmem>>
        %dma_wait3A_600 = arith.constant 2944 : i32
        %dma_wait3A_601 = tpu.memref_slice %arg12[%dma_wait3A_600] : memref<3200xi32, #tpu.memory_space<vmem>> -> memref<128xi32, #tpu.memory_space<vmem>>
        %dma_wait3A_602 = arith.constant 0 : i32
        %dma_wait3A_603 = tpu.memref_slice %arg4[%dma_wait3A_602] : memref<6400000xf32, #tpu.memory_space<hbm>> -> memref<6400000xf32, #tpu.memory_space<hbm>>
        tpu.wait_indirect_dma semaphore(%arg15 : memref<!tpu.dma_semaphore, #tpu.memory_space<semaphore_mem>>) src(%dma_wait3A_603 : memref<6400000xf32, #tpu.memory_space<hbm>>) dst(%dma_wait3A_599 : memref<128xf32, #tpu.memory_space<vmem>>)
        %dma_wait3A_604 = arith.constant 2944 : i32
        %dma_wait3A_605 = tpu.memref_slice %arg14[%dma_wait3A_604] : memref<3200xf32, #tpu.memory_space<vmem>> -> memref<128xf32, #tpu.memory_space<vmem>>
        %dma_wait3A_606 = arith.constant 2944 : i32
        %dma_wait3A_607 = tpu.memref_slice %arg12[%dma_wait3A_606] : memref<3200xi32, #tpu.memory_space<vmem>> -> memref<128xi32, #tpu.memory_space<vmem>>
        %dma_wait3A_608 = arith.constant 0 : i32
        %dma_wait3A_609 = tpu.memref_slice %arg5[%dma_wait3A_608] : memref<6400000xf32, #tpu.memory_space<hbm>> -> memref<6400000xf32, #tpu.memory_space<hbm>>
        tpu.wait_indirect_dma semaphore(%arg15 : memref<!tpu.dma_semaphore, #tpu.memory_space<semaphore_mem>>) src(%dma_wait3A_609 : memref<6400000xf32, #tpu.memory_space<hbm>>) dst(%dma_wait3A_605 : memref<128xf32, #tpu.memory_space<vmem>>)
        %dma_wait3A_610 = arith.constant 3072 : i32
        %dma_wait3A_611 = tpu.memref_slice %arg13[%dma_wait3A_610] : memref<3200xf32, #tpu.memory_space<vmem>> -> memref<128xf32, #tpu.memory_space<vmem>>
        %dma_wait3A_612 = arith.constant 3072 : i32
        %dma_wait3A_613 = tpu.memref_slice %arg12[%dma_wait3A_612] : memref<3200xi32, #tpu.memory_space<vmem>> -> memref<128xi32, #tpu.memory_space<vmem>>
        %dma_wait3A_614 = arith.constant 0 : i32
        %dma_wait3A_615 = tpu.memref_slice %arg4[%dma_wait3A_614] : memref<6400000xf32, #tpu.memory_space<hbm>> -> memref<6400000xf32, #tpu.memory_space<hbm>>
        tpu.wait_indirect_dma semaphore(%arg15 : memref<!tpu.dma_semaphore, #tpu.memory_space<semaphore_mem>>) src(%dma_wait3A_615 : memref<6400000xf32, #tpu.memory_space<hbm>>) dst(%dma_wait3A_611 : memref<128xf32, #tpu.memory_space<vmem>>)
        %dma_wait3A_616 = arith.constant 3072 : i32
        %dma_wait3A_617 = tpu.memref_slice %arg14[%dma_wait3A_616] : memref<3200xf32, #tpu.memory_space<vmem>> -> memref<128xf32, #tpu.memory_space<vmem>>
        %dma_wait3A_618 = arith.constant 3072 : i32
        %dma_wait3A_619 = tpu.memref_slice %arg12[%dma_wait3A_618] : memref<3200xi32, #tpu.memory_space<vmem>> -> memref<128xi32, #tpu.memory_space<vmem>>
        %dma_wait3A_620 = arith.constant 0 : i32
        %dma_wait3A_621 = tpu.memref_slice %arg5[%dma_wait3A_620] : memref<6400000xf32, #tpu.memory_space<hbm>> -> memref<6400000xf32, #tpu.memory_space<hbm>>
        tpu.wait_indirect_dma semaphore(%arg15 : memref<!tpu.dma_semaphore, #tpu.memory_space<semaphore_mem>>) src(%dma_wait3A_621 : memref<6400000xf32, #tpu.memory_space<hbm>>) dst(%dma_wait3A_617 : memref<128xf32, #tpu.memory_space<vmem>>)
        "tpu.region"() ({
          %run_scoped3A = tpu.sem_alloc : memref<!tpu.dma_semaphore, #tpu.memory_space<semaphore_mem>>
          %dma_start3A_622 = tpu.memref_slice %arg10[%mul3A_23] : memref<2000000xf32, #tpu.memory_space<hbm>> -> memref<3200xf32, #tpu.memory_space<hbm>>
          %dma_start3A_623 = tpu.memref_slice %arg10[%mul3A_23] : memref<2000000xf32, #tpu.memory_space<hbm>> -> memref<3200xf32, #tpu.memory_space<hbm>>
          tpu.enqueue_dma source(%arg13 : memref<3200xf32, #tpu.memory_space<vmem>>) target(%dma_start3A_623 : memref<3200xf32, #tpu.memory_space<hbm>>) target_semaphore(%run_scoped3A : memref<!tpu.dma_semaphore, #tpu.memory_space<semaphore_mem>>)
          %dma_wait3A_624 = tpu.memref_slice %arg10[%mul3A_23] : memref<2000000xf32, #tpu.memory_space<hbm>> -> memref<3200xf32, #tpu.memory_space<hbm>>
          %dma_wait3A_625 = tpu.memref_slice %arg10[%mul3A_23] : memref<2000000xf32, #tpu.memory_space<hbm>> -> memref<3200xf32, #tpu.memory_space<hbm>>
          tpu.wait_dma2 semaphore(%run_scoped3A : memref<!tpu.dma_semaphore, #tpu.memory_space<semaphore_mem>>) src(%arg13 : memref<3200xf32, #tpu.memory_space<vmem>>) dst(%dma_wait3A_625 : memref<3200xf32, #tpu.memory_space<hbm>>)
          tpu.yield
        }) : () -> ()
        "tpu.region"() ({
          %run_scoped3A = tpu.sem_alloc : memref<!tpu.dma_semaphore, #tpu.memory_space<semaphore_mem>>
          %dma_start3A_622 = tpu.memref_slice %arg11[%mul3A_23] : memref<2000000xf32, #tpu.memory_space<hbm>> -> memref<3200xf32, #tpu.memory_space<hbm>>
          %dma_start3A_623 = tpu.memref_slice %arg11[%mul3A_23] : memref<2000000xf32, #tpu.memory_space<hbm>> -> memref<3200xf32, #tpu.memory_space<hbm>>
          tpu.enqueue_dma source(%arg14 : memref<3200xf32, #tpu.memory_space<vmem>>) target(%dma_start3A_623 : memref<3200xf32, #tpu.memory_space<hbm>>) target_semaphore(%run_scoped3A : memref<!tpu.dma_semaphore, #tpu.memory_space<semaphore_mem>>)
          %dma_wait3A_624 = tpu.memref_slice %arg11[%mul3A_23] : memref<2000000xf32, #tpu.memory_space<hbm>> -> memref<3200xf32, #tpu.memory_space<hbm>>
          %dma_wait3A_625 = tpu.memref_slice %arg11[%mul3A_23] : memref<2000000xf32, #tpu.memory_space<hbm>> -> memref<3200xf32, #tpu.memory_space<hbm>>
          tpu.wait_dma2 semaphore(%run_scoped3A : memref<!tpu.dma_semaphore, #tpu.memory_space<semaphore_mem>>) src(%arg14 : memref<3200xf32, #tpu.memory_space<vmem>>) dst(%dma_wait3A_625 : memref<3200xf32, #tpu.memory_space<hbm>>)
          tpu.yield
        }) : () -> ()
      } else {
      }
      %scan3A_21 = arith.constant 0 : i32
      scf.yield %scan3A_21 : i32
    }
    %scan3A_13 = arith.constant 20 : i32
    return
  }
}

module attributes {stable_mosaic.version = 14 : i64} {
  func.func @_tc_loss_kernel(%arg0: i32, %arg1: memref<1024x128xf32, #tpu.memory_space<vmem>>, %arg2: memref<1024x128xf32, #tpu.memory_space<vmem>>, %arg3: memref<1024x128xf32, #tpu.memory_space<vmem>>, %arg4: memref<1024x128xf32, #tpu.memory_space<vmem>>, %arg5: memref<1024x128xf32, #tpu.memory_space<vmem>>, %arg6: memref<1024x128xf32, #tpu.memory_space<vmem>>, %arg7: memref<1x1xf32, #tpu.memory_space<smem>>) attributes {dimension_semantics = [#tpu.dimension_semantics<arbitrary>], iteration_bounds = array<i64: 16>, scalar_prefetch = 0 : i64, scratch_operands = 0 : i64, tpu.core_type = #tpu.core_type<tc>, window_params = [{transform_indices = @transform_0, window_bounds = array<i64: 1024, 128>}, {transform_indices = @transform_1, window_bounds = array<i64: 1024, 128>}, {transform_indices = @transform_2, window_bounds = array<i64: 1024, 128>}, {transform_indices = @transform_3, window_bounds = array<i64: 1024, 128>}, {transform_indices = @transform_4, window_bounds = array<i64: 1024, 128>}, {transform_indices = @transform_5, window_bounds = array<i64: 1024, 128>}, {transform_indices = @transform_6, window_bounds = array<i64: 1, 1>}]} {
    %iota3A = tpu.iota {dimensions = array<i32: 0>} : vector<1024x128xi32>
    %mul3A = arith.constant 1024 : i32
    %mul3A_0 = arith.muli %arg0, %mul3A : i32
    %add3A = vector.broadcast %mul3A_0 : i32 to vector<1024x128xi32>
    %add3A_1 = arith.addi %iota3A, %add3A : vector<1024x128xi32>
    %lt3A = arith.constant 15625 : i32
    %lt3A_2 = vector.broadcast %lt3A : i32 to vector<1024x128xi32>
    %lt3A_3 = arith.cmpi slt, %add3A_1, %lt3A_2 : vector<1024x128xi32>
    %get3A = arith.constant 0 : index
    %get3A_4 = arith.constant 0 : index
    %get3A_5 = vector.load %arg2[%get3A, %get3A_4] : memref<1024x128xf32, #tpu.memory_space<vmem>>, vector<1024x128xf32>
    %add3A_6 = arith.constant 1.000000e+00 : f32
    %add3A_7 = vector.broadcast %add3A_6 : f32 to vector<1024x128xf32>
    %add3A_8 = arith.addf %add3A_7, %get3A_5 : vector<1024x128xf32>
    %log3A = math.log %add3A_8 : vector<1024x128xf32>
    %mul3A_9 = arith.constant 5.000000e-01 : f32
    %mul3A_10 = vector.broadcast %mul3A_9 : f32 to vector<1024x128xf32>
    %mul3A_11 = arith.mulf %mul3A_10, %log3A : vector<1024x128xf32>
    %get3A_12 = arith.constant 0 : index
    %get3A_13 = arith.constant 0 : index
    %get3A_14 = vector.load %arg3[%get3A_12, %get3A_13] : memref<1024x128xf32, #tpu.memory_space<vmem>>, vector<1024x128xf32>
    %get3A_15 = arith.constant 0 : index
    %get3A_16 = arith.constant 0 : index
    %get3A_17 = vector.load %arg1[%get3A_15, %get3A_16] : memref<1024x128xf32, #tpu.memory_space<vmem>>, vector<1024x128xf32>
    %sub3A = arith.subf %get3A_14, %get3A_17 : vector<1024x128xf32>
    %integer_pow3A = arith.mulf %sub3A, %sub3A : vector<1024x128xf32>
    %get3A_18 = arith.constant 0 : index
    %get3A_19 = arith.constant 0 : index
    %get3A_20 = vector.load %arg2[%get3A_18, %get3A_19] : memref<1024x128xf32, #tpu.memory_space<vmem>>, vector<1024x128xf32>
    %add3A_21 = arith.constant 1.000000e+00 : f32
    %add3A_22 = vector.broadcast %add3A_21 : f32 to vector<1024x128xf32>
    %add3A_23 = arith.addf %add3A_22, %get3A_20 : vector<1024x128xf32>
    %div3A = arith.divf %integer_pow3A, %add3A_23 : vector<1024x128xf32>
    %add3A_24 = arith.addf %mul3A_11, %div3A : vector<1024x128xf32>
    %get3A_25 = arith.constant 0 : index
    %get3A_26 = arith.constant 0 : index
    %get3A_27 = vector.load %arg5[%get3A_25, %get3A_26] : memref<1024x128xf32, #tpu.memory_space<vmem>>, vector<1024x128xf32>
    %add3A_28 = arith.constant 1.000000e+00 : f32
    %add3A_29 = vector.broadcast %add3A_28 : f32 to vector<1024x128xf32>
    %add3A_30 = arith.addf %add3A_29, %get3A_27 : vector<1024x128xf32>
    %log3A_31 = math.log %add3A_30 : vector<1024x128xf32>
    %mul3A_32 = arith.constant 5.000000e-01 : f32
    %mul3A_33 = vector.broadcast %mul3A_32 : f32 to vector<1024x128xf32>
    %mul3A_34 = arith.mulf %mul3A_33, %log3A_31 : vector<1024x128xf32>
    %get3A_35 = arith.constant 0 : index
    %get3A_36 = arith.constant 0 : index
    %get3A_37 = vector.load %arg6[%get3A_35, %get3A_36] : memref<1024x128xf32, #tpu.memory_space<vmem>>, vector<1024x128xf32>
    %get3A_38 = arith.constant 0 : index
    %get3A_39 = arith.constant 0 : index
    %get3A_40 = vector.load %arg4[%get3A_38, %get3A_39] : memref<1024x128xf32, #tpu.memory_space<vmem>>, vector<1024x128xf32>
    %sub3A_41 = arith.subf %get3A_37, %get3A_40 : vector<1024x128xf32>
    %integer_pow3A_42 = arith.mulf %sub3A_41, %sub3A_41 : vector<1024x128xf32>
    %get3A_43 = arith.constant 0 : index
    %get3A_44 = arith.constant 0 : index
    %get3A_45 = vector.load %arg5[%get3A_43, %get3A_44] : memref<1024x128xf32, #tpu.memory_space<vmem>>, vector<1024x128xf32>
    %add3A_46 = arith.constant 1.000000e+00 : f32
    %add3A_47 = vector.broadcast %add3A_46 : f32 to vector<1024x128xf32>
    %add3A_48 = arith.addf %add3A_47, %get3A_45 : vector<1024x128xf32>
    %div3A_49 = arith.divf %integer_pow3A_42, %add3A_48 : vector<1024x128xf32>
    %add3A_50 = arith.addf %mul3A_34, %div3A_49 : vector<1024x128xf32>
    %mul3A_51 = arith.constant 5.000000e-01 : f32
    %mul3A_52 = vector.broadcast %mul3A_51 : f32 to vector<1024x128xf32>
    %mul3A_53 = arith.mulf %mul3A_52, %add3A_24 : vector<1024x128xf32>
    %mul3A_54 = arith.constant 5.000000e-01 : f32
    %mul3A_55 = vector.broadcast %mul3A_54 : f32 to vector<1024x128xf32>
    %mul3A_56 = arith.mulf %mul3A_55, %add3A_50 : vector<1024x128xf32>
    %add3A_57 = arith.addf %mul3A_53, %mul3A_56 : vector<1024x128xf32>
    %jit3A = arith.constant 0.000000e+00 : f32
    %broadcast_in_dim3A = vector.broadcast %jit3A : f32 to vector<1024x128xf32>
    %select_n3A = arith.select %lt3A_3, %add3A_57, %broadcast_in_dim3A : vector<1024x128xi1>, vector<1024x128xf32>
    %reduce_sum3A = vector.shape_cast %select_n3A : vector<1024x128xf32> to vector<1x1024x128xf32>
    %reduce_sum3A_58 = arith.constant dense<0.000000e+00> : vector<1xf32>
    %reduce_sum3A_59 = vector.multi_reduction <add>, %reduce_sum3A, %reduce_sum3A_58 [1, 2] : vector<1x1024x128xf32> to vector<1xf32>
    %reduce_sum3A_60 = vector.shape_cast %reduce_sum3A_59 : vector<1xf32> to vector<1x1x1xf32>
    %reduce_sum3A_61 = vector.extract %reduce_sum3A_60[0, 0, 0] : f32 from vector<1x1x1xf32>
    %eq3A = arith.constant 0 : i32
    %eq3A_62 = arith.cmpi eq, %arg0, %eq3A : i32
    %convert_element_type3A = arith.extui %eq3A_62 : i1 to i32
    %cond3A = arith.constant 0 : i32
    %cond3A_63 = arith.cmpi ne, %convert_element_type3A, %cond3A : i32
    scf.if %cond3A_63 {
      %swap3A_70 = arith.constant 0.000000e+00 : f32
      %swap3A_71 = arith.constant 0 : index
      %swap3A_72 = arith.constant 0 : index
      %swap3A_73 = memref.load %arg7[%swap3A_71, %swap3A_72] : memref<1x1xf32, #tpu.memory_space<smem>>
      memref.store %swap3A_70, %arg7[%swap3A_71, %swap3A_72] : memref<1x1xf32, #tpu.memory_space<smem>>
    } else {
    }
    %get3A_64 = arith.constant 0 : index
    %get3A_65 = arith.constant 0 : index
    %get3A_66 = memref.load %arg7[%get3A_64, %get3A_65] : memref<1x1xf32, #tpu.memory_space<smem>>
    %add3A_67 = arith.addf %get3A_66, %reduce_sum3A_61 : f32
    %swap3A = arith.constant 0 : index
    %swap3A_68 = arith.constant 0 : index
    %swap3A_69 = memref.load %arg7[%swap3A, %swap3A_68] : memref<1x1xf32, #tpu.memory_space<smem>>
    memref.store %add3A_67, %arg7[%swap3A, %swap3A_68] : memref<1x1xf32, #tpu.memory_space<smem>>
    return
  }
  func.func @transform_0(%arg0: i32) -> (i32, i32) {
    %c0_i32 = arith.constant 0 : i32
    %c0_i32_0 = arith.constant 0 : i32
    return %arg0, %c0_i32 : i32, i32
  }
  func.func @transform_1(%arg0: i32) -> (i32, i32) {
    %c0_i32 = arith.constant 0 : i32
    %c0_i32_0 = arith.constant 0 : i32
    return %arg0, %c0_i32 : i32, i32
  }
  func.func @transform_2(%arg0: i32) -> (i32, i32) {
    %c0_i32 = arith.constant 0 : i32
    %c0_i32_0 = arith.constant 0 : i32
    return %arg0, %c0_i32 : i32, i32
  }
  func.func @transform_3(%arg0: i32) -> (i32, i32) {
    %c0_i32 = arith.constant 0 : i32
    %c0_i32_0 = arith.constant 0 : i32
    return %arg0, %c0_i32 : i32, i32
  }
  func.func @transform_4(%arg0: i32) -> (i32, i32) {
    %c0_i32 = arith.constant 0 : i32
    %c0_i32_0 = arith.constant 0 : i32
    return %arg0, %c0_i32 : i32, i32
  }
  func.func @transform_5(%arg0: i32) -> (i32, i32) {
    %c0_i32 = arith.constant 0 : i32
    %c0_i32_0 = arith.constant 0 : i32
    return %arg0, %c0_i32 : i32, i32
  }
  func.func @transform_6(%arg0: i32) -> (i32, i32) {
    %c0_i32 = arith.constant 0 : i32
    %c0_i32_0 = arith.constant 0 : i32
    %c0_i32_1 = arith.constant 0 : i32
    return %c0_i32, %c0_i32_0 : i32, i32
  }
}

</mosaic_0001>

<sc_bundles>
// kernel: kernel.4.cloned.1.call-start
scs
__scs_entry_jumppad:
0x0: {  	(pc) =	sbr.rel $0x88, $3  }
0x1: {  	(tag) =	ssettag $0x0;
	lr =	simm.s32 $0x1  }
0x2: {  	[smem:$0x3F99] =	sst lr;
	_ =	strace $0xD0000000  }
0x3: {  	_ = 	snop  }
0x4: {  	_ = 	snop  }
0x5: {  	_ = 	snop  }
0x6: {  	_ = 	snop  }
0x7: {  	_ = 	snop  }
__scs_overlays_trampoline_lowered:
0x8: {  	[smem:$0x3FA8] =	sst s0  }
0x9: {  	[smem:$0x3FA9] =	sst s1  }
0xa: {  	[smem:$0x3FAA] =	sst s2  }
0xb: {  	[smem:$0x3FAB] =	sst s3  }
0xc: {  	[smem:$0x3FAC] =	sst s4  }
0xd: {  	[smem:$0x3FAD] =	sst s5  }
0xe: {  	[smem:$0x3FAE] =	sst s6  }
0xf: {  	[smem:$0x3FAF] =	sst s7  }
0x10: {  	[smem:$0x3FB0] =	sst s8  }
0x11: {  	[smem:$0x3FB1] =	sst s9;
	s0 =	simm.s32 @!p0 $0x0  }
0x12: {  	s1 =	sld [smem:$0x3F97];
	s0 =	simm.s32 @p0 $0x1  }
0x13: {  	[smem:$0x3FB2] =	sst s0;
	s0 =	simm.s32 @!p1 $0x0  }
0x14: {  	s2 =	sld [smem:$0x3F96];
	s0 =	simm.s32 @p1 $0x1  }
0x15: {  	[smem:$0x3FB3] =	sst s0;
	s0 =	simm.s32 @!p2 $0x0  }
0x16: {  	s3 =	sld [smem:$0x3FDB];
	s0 =	simm.s32 @p2 $0x1  }
0x17: {  	s4 =	simm.s32 $0x1BF5;
	[smem:$0x3FB5] =	sst s0  }
0x18: {  	s0 =	sld [smem:$0x3F98];
	_ =	swait.ge [sflag:s4], $0x0  }
0x19: {  	s7 =	sld [smem:$0x3F99]  }
0x1a: {  	s8 =	sadd.s32 $0xFFFFE003, lr  }
0x1b: {  	s9 =	sadd.s32 $0xFFFFFEF7, lr;
	s5 =	simm.s32 $0xFFFFFFFF;
	p2 =	slt.u32 s8, $0xFFFFF086  }
0x1c: {  	p1 =	slt.u32 s9, $0xF7A;
	s5 =	simm.s32 @!p2 $0x0  }
0x1d: {  	s5 =	simm.s32 @p1 $0x1;
	p0 =	seq.s32 s7, s2  }
0x1e: {  	s7 =	smul.u32 @!p0 $0xF7A, s2;
	p2 =	seq.s32 @!p0 s5, $0x0  }
0x1f: {  	s9 =	smul.u32 $0xF7A, s1;
	s8 =	simm.s32 @!p0 $0x1BF5;
	p2 =	por !p2, p0  }
0x20: {  	[sflag:s8] =	ssyncset.s32 @!p0 $0xFFFFF086;
	s6 =	sadd.s32 @!p0 s3, s7;
	s7 =	simm.s32 @!p0 $0x108  }
0x21: {  	s3 =	sadd.s32 s3, s9;
	s6 =	sadd.s32 @!p0 $0x88, s6;
	s7 =	simm.s32 @p2 $0x1082  }
0x22: {  	[simem:s7], [sflag:s8] =	dma.local @!p0 [hbm:s6], $0xF7A  }
0x23: {  	s9 =	sor.u32 $0xD0000000, s2;
	s6 =	simm.s32 $0x108;
	_ =	swait.ge @!p0 [sflag:s8], $0x0  }
0x24: {  	s3 =	sadd.s32 $0x88, s3;
	s6 =	simm.s32 @!p1 $0x1082;
	[sflag:s4] =	ssyncset.s32 $0xFFFFF086  }
0x25: {  	[simem:s6], [sflag:s4] =	dma.local [hbm:s3], $0xF7A  }
0x26: {  	[smem:$0x3F99] =	sst s1;
	(tag) =	ssettag s2;
	_ =	strace s9  }
0x27: {  	s1 =	sld [smem:$0x3FA9]  }
0x28: {  	s2 =	sld [smem:$0x3FAA]  }
0x29: {  	s4 =	sld [smem:$0x3FAC]  }
0x2a: {  	p0 =	seq.s32 s5, $0x0;
	s5 =	sld [smem:$0x3FAD]  }
0x2b: {  	s6 =	sld [smem:$0x3FAE]  }
0x2c: {  	s7 =	sld [smem:$0x3FAF]  }
0x2d: {  	s3 =	simm.s32 $0x108;
	s8 =	sld [smem:$0x3FB0]  }
0x2e: {  	s3 =	simm.s32 @!p0 $0x1082;
	s9 =	sld [smem:$0x3FB1]  }
0x2f: {  	lr =	sadd.s32 s0, s3;
	s0 =	sld [smem:$0x3FA8]  }
0x30: {  	s3 =	sld [smem:$0x3FAB]  }
0x31: {  	[smem:$0x3FB4] =	sst s10  }
0x32: {  	s10 =	sld [smem:$0x3FB2];
	_ =	sdelay $0x3  }
0x33: {  	p0 =	seq.s32 s10, $0x1;
	s10 =	sld [smem:$0x3FB4];
	_ =	sdelay $0x3  }
0x34: {  	[smem:$0x3FB4] =	sst s10  }
0x35: {  	s10 =	sld [smem:$0x3FB3];
	_ =	sdelay $0x3  }
0x36: {  	p1 =	seq.s32 s10, $0x1;
	s10 =	sld [smem:$0x3FB4];
	_ =	sdelay $0x3  }
0x37: {  	[smem:$0x3FB4] =	sst s10  }
0x38: {  	s10 =	sld [smem:$0x3FB5]  }
0x39: {  	_ = 	snop;
	(pc) =	sbr.ind lr, $3  }
0x3a: {  	_ = 	snop  }
0x3b: {  	_ = 	snop  }
0x3c: {  	p2 =	seq.s32 s10, $0x1;
	s10 =	sld [smem:$0x3FB4]  }
0x3d: {  	_ =	shalt  }
0x3e: {  	_ =	shalt  }
0x3f: {  	_ =	shalt  }
0x40: {  	_ =	shalt  }
0x41: {  	_ =	shalt  }
0x42: {  	_ =	shalt  }
0x43: {  	_ =	shalt  }
0x44: {  	_ =	shalt  }
0x45: {  	_ =	shalt  }
0x46: {  	_ =	shalt  }
0x47: {  	_ =	shalt  }
0x48: {  	_ =	shalt  }
0x49: {  	_ =	shalt  }
0x4a: {  	_ =	shalt  }
0x4b: {  	_ =	shalt  }
0x4c: {  	_ =	shalt  }
0x4d: {  	_ =	shalt  }
0x4e: {  	_ =	shalt  }
0x4f: {  	_ =	shalt  }
0x50: {  	_ =	shalt  }
0x51: {  	_ =	shalt  }
0x52: {  	_ =	shalt  }
0x53: {  	_ =	shalt  }
0x54: {  	_ =	shalt  }
0x55: {  	_ =	shalt  }
0x56: {  	_ =	shalt  }
0x57: {  	_ =	shalt  }
0x58: {  	_ =	shalt  }
0x59: {  	_ =	shalt  }
0x5a: {  	_ =	shalt  }
0x5b: {  	_ =	shalt  }
0x5c: {  	_ =	shalt  }
0x5d: {  	_ =	shalt  }
0x5e: {  	_ =	shalt  }
0x5f: {  	_ =	shalt  }
0x60: {  	_ =	shalt  }
0x61: {  	_ =	shalt  }
0x62: {  	_ =	shalt  }
0x63: {  	_ =	shalt  }
0x64: {  	_ =	shalt  }
0x65: {  	_ =	shalt  }
0x66: {  	_ =	shalt  }
0x67: {  	_ =	shalt  }
0x68: {  	_ =	shalt  }
0x69: {  	_ =	shalt  }
0x6a: {  	_ =	shalt  }
0x6b: {  	_ =	shalt  }
0x6c: {  	_ =	shalt  }
0x6d: {  	_ =	shalt  }
0x6e: {  	_ =	shalt  }
0x6f: {  	_ =	shalt  }
0x70: {  	_ =	shalt  }
0x71: {  	_ =	shalt  }
0x72: {  	_ =	shalt  }
0x73: {  	_ =	shalt  }
0x74: {  	_ =	shalt  }
0x75: {  	_ =	shalt  }
0x76: {  	_ =	shalt  }
0x77: {  	_ =	shalt  }
0x78: {  	_ =	shalt  }
0x79: {  	_ =	shalt  }
0x7a: {  	_ =	shalt  }
0x7b: {  	_ =	shalt  }
0x7c: {  	_ =	shalt  }
0x7d: {  	_ =	shalt  }
0x7e: {  	_ =	shalt  }
0x7f: {  	_ =	shalt  }
0x80: {  	_ =	shalt  }
0x81: {  	_ =	shalt  }
0x82: {  	_ =	shalt  }
0x83: {  	_ =	shalt  }
0x84: {  	_ =	shalt  }
0x85: {  	_ =	shalt  }
0x86: {  	_ =	shalt  }
0x87: {  	_ =	shalt  }
.Lfunc_end0:
.L_simem_size_0:
called_computation_lowered:
.L_overlay_start_0:
0x88: {  	s2 =	sld [smem:$0x3FD9]  }
0x89: {  	s3 =	sld [smem:$0x3FFE];
	_ =	sdelay $0x1  }
0x8a: {  	s1 =	srdreg.scid  }
0x8b: {  	s0 =	sand.u32 $0x1, s1  }
0x8c: {  	s17 =	sshll.u32 s0, $0xA;
	s2 =	sadd.s32 s3, s2  }
0x8d: {  	s2 =	sadd.s32 s2, s17  }
0x8e: {  	[smem:$0x3FC0] =	sst s2  }
0x8f: {  	_ = 	snop  }
0x90: {  	s2 =	sld [smem:$0x3FC9]  }
0x91: {  	s18 =	sld [smem:$0x3FC8]  }
0x92: {  	s4 =	sld [smem:$0x3FC7]  }
0x93: {  	s5 =	sld [smem:$0x3FC6]  }
0x94: {  	s6 =	sld [smem:$0x3FC5]  }
0x95: {  	s7 =	sld [smem:$0x3FC3];
	(tm) =	ssettm $0x1  }
0x96: {  	s8 =	sld [smem:$0x3FFB];
	_ =	sdelay $0x3  }
0x97: {  	_ =	strace s8  }
0x98: {  	s8 =	sld [smem:$0x3FFC];
	_ =	sdelay $0x3  }
0x99: {  	_ =	strace s8  }
0x9a: {  	s8 =	sld [smem:$0x3FFD];
	_ =	sdelay $0x3  }
0x9b: {  	_ =	strace s8  }
0x9c: {  	_ =	strace $0x8FFFFFFF  }
0x9d: {  	s19 =	sld [smem:$0x3FDB];
	_ =	sdelay $0x1  }
0x9e: {  	s9 =	simm.s32 $_scs_section_size  }
0x9f: {  	s10 =	simm.s32 $_size__tile_overlayer_lowered;
	s11 =	simm.s32 $_tile_overlayer_lowered  }
0xa0: {  	s22 =	simm.s32 $0x1BFF;
	s21 =	sshll.u32 s11, $0x1;
	s8 =	sadd.s32 s9, s19  }
0xa1: {  	s12 =	simm.s32 $0x0;
	s20 =	sshll.u32 s10, $0x1;
	s10 =	sadd.s32 s21, s8  }
0xa2: {  	[timem:s12], [sflag:s22] =	dma.local [hbm:s10], s20  }
0xa3: {  	_ =	swait.ge [sflag:s22], s20  }
0xa4: {  	s9 =	ssub.s32 $0x0, s20;
	[sflag:s22] =	ssyncset.done $0x0  }
0xa5: {  	[sflag:s22] =	ssyncadd.s32 s9;
	_ =	sdelay $0x1  }
0xa6: {  	s23 =	simm.s32 $0x1B8B  }
0xa7: {  	_ =	swait.ge [sflag:s23], $0x1  }
0xa8: {  	[sflag:s23] =	ssyncset.done $0x0  }
0xa9: {  	s25 =	simm.s32 $0x1B8E;
	s24 =	sld [smem:$0x3FFE];
	[sflag:s23] =	ssyncadd.s32 $0xFFFFFFFF  }
0xaa: {  	s26 =	simm.s32 $execute0_lowered;
	[smem:$0x3FD2] =	sst s25  }
0xab: {  	s10 =	sshll.u32 s26, $0x1;
	_ =	strace $0x80000046;
	[dreg:$0x1] =	wrdreg $0xFFFFFFFF  }
0xac: {  	s28 =	simm.s32 $_size_execute0_lowered;
	s8 =	sadd.s32 s8, s10;
	[dreg:$0x0] =	wrdreg $0x0  }
0xad: {  	s10 =	sshll.u32 s28, $0x1;
	[dreg:$0x2] =	wrdreg s8  }
0xae: {  	[dreg:$0x3] =	wrdreg s10  }
0xaf: {  	[dreg:$0x4] =	wrdreg $0xC0  }
0xb0: {  	_ =	task [dreg:s12], $0x5FFFF  }
0xb1: {  	[dreg:$0x1] =	wrdreg $0xFFFFFFFF  }
0xb2: {  	[dreg:$0x0] =	wrdreg $0x60  }
0xb3: {  	[dreg:$0x2] =	wrdreg s2  }
0xb4: {  	[dreg:$0x3] =	wrdreg s18  }
0xb5: {  	[dreg:$0x4] =	wrdreg s4  }
0xb6: {  	[dreg:$0x5] =	wrdreg s5  }
0xb7: {  	[dreg:$0x6] =	wrdreg s6  }
0xb8: {  	[dreg:$0x7] =	wrdreg s7  }
0xb9: {  	[dreg:$0x8] =	wrdreg s24  }
0xba: {  	[dreg:$0x9] =	wrdreg $0x9  }
0xbb: {  	_ =	task.clear_ibuf [dreg:s12], $0xAFFFF;
	_ =	strace $0x90000046  }
0xbc: {  	s29 =	simm.s32 $0x9;
	_ =	strace $0x80000048  }
0xbd: {  	_ =	swait.ge [sflag:s29], $0x1  }
0xbe: {  	[sflag:s29] =	ssyncadd.s32 $0xFFFFFFFF  }
0xbf: {  	_ =	strace $0x90000048  }
0xc0: {  	_ =	sfence  }
0xc1: {  	s30 =	sld [smem:$0x0];
	_ =	sdelay $0x2  }
0xc2: {  	s31 =	sshll.u32 s1, $0xD;
	s1 =	sshrl.u32 s1, $0x2  }
0xc3: {  	s3 =	sand.u32 $0x4000, s31;
	s1 =	sadd.s32 s1, s30  }
0xc4: {  	s0 =	sor.u32 s3, s0;
	s1 =	sshll.u32 s1, $0x11  }
0xc5: {  	s0 =	sor.u32 s1, s0  }
0xc6: {  	s0 =	sadd.s32 $0x8F2B, s0  }
0xc7: {  	[sflag:s0] =	ssyncadd.remote.s32 $0x1  }
0xc8: {  	_ =	sfence.sel $0xFFFF  }
0xc9: {  	[dreg:$0x0] =	wrdreg $0xFFFFFFFF;
	(pc) =	sbr.abs _section_cstart, $3  }
0xca: {  	[dreg:$0x1] =	wrdreg $0xFFFFFFFF  }
0xcb: {  	_ =	task.clear_ibuf [dreg:s12], $0x2FFFF;
	_ =	strace $0x9FFFFFFF  }
0xcc: {  	(tm) =	ssettm $0x7FFFFFFF  }
0xcd: {  	_ =	shalt  }
tec
execute0_lowered:
.L_overlay_start_1:
0x0: {  	(tag) =	ssettag $0x1  }
0x1: {  	s0 =	rddreg [dreg:$0x0]  }
0x2: {  	s1 =	rddreg [dreg:$0x1]  }
0x3: {  	s3 =	rddreg [dreg:$0x2]  }
0x4: {  	s4 =	rddreg [dreg:$0x3]  }
0x5: {  	s2 =	rddreg [dreg:$0x4]  }
0x6: {  	s5 =	rddreg [dreg:$0x5]  }
0x7: {  	s7 =	rddreg [dreg:$0x6]  }
0x8: {  	s6 =	srdreg.scid;
	s13 =	stileid.u32;
	s15 =	simm.s32 $0x3  }
0x9: {  	s16 =	simm.s32 $0x80;
	s20 =	simm.s32 $0x480;
	s30 =	simm.s32 $0x580  }
0xa: {  	s29 =	simm.s32 $0x780;
	s19 =	simm.s32 $0x880;
	s14 =	simm.s32 $0x980  }
0xb: {  	s17 =	simm.s32 $0xC00;
	s18 =	simm.s32 $0x1;
	s21 =	simm.s32 $0x2  }
0xc: {  	s8 =	sand.u32 $0x1, s6;
	s6 =	simm.s32 $0x0;
	s9 =	smul.u32 $0x320, s13  }
0xd: {  	s22 =	sshll.u32 s13, $0x1;
	s10 =	ssub.s32 $0x2, s8;
	[smem:$0x7FF] =	sst s6  }
0xe: {  	s12 =	smul.u32 $0x190, s8;
	s25 =	sor.u32 s8, s22;
	s22 =	simm.s32 $0x700  }
0xf: {  	s8 =	simm.s32 $0x800;
	s11 =	sshrl.u32 s10, $0x1;
	_ =	strace $0x80000047  }
0x10: {  	s7 =	sadd.s32 s9, s7;
	s2 =	sadd.s32 s9, s2;
	[dreg:$0xc] =	wrdreg s25  }
0x11: {  	s26 =	sadd.s32 s9, s5;
	s10 =	ssub.s32 s10, s11;
	s2 =	sadd.s32 s12, s2  }
0x12: {  	s7 =	sadd.s32 s12, s7;
	s10 =	smax.u32 s10, $0x1;
	[dreg:$0x9] =	wrdreg s2  }
0x13: {  	s25 =	simm.s32 $0x500;
	s23 =	sadd.s32 $0x600, s7;
	[dreg:$0x8] =	wrdreg s10  }
0x14: {  	s5 =	simm.s32 $0xA00;
	s24 =	sadd.s32 $0x3D800, s7;
	[dreg:$0xa] =	wrdreg s23  }
.Ltmp0:
0x15: {  	s2 =	sadd.s32 s12, s26;
	[dreg:$0xb] =	wrdreg s24;
	(pc) =	sbr.rel .LBB2_1-.Ltmp0, $4  }
0x16: {  	s11 =	simm.s32 $0x600;
	s28 =	sadd.s32 $0x7AA00, s7;
	[dreg:$0xd] =	wrdreg s2  }
0x17: {  	s31 =	sadd.s32 $0xB7C00, s7;
	s12 =	simm.s32 $0x680;
	[dreg:$0xe] =	wrdreg s28  }
0x18: {  	s26 =	simm.s32 $0xA80;
	s7 =	simm.s32 $0x0;
	[dreg:$0xf] =	wrdreg s31  }
0x19: {  	s2 =	simm.s32 $0x900;
	s10 =	simm.s32 $0xB00;
	s23 =	simm.s32 $0xB80  }
.LBB2_9:
0x1a: {  	s7 =	rddreg [dreg:$0x10]  }
0x1b: {  	s24 =	rddreg [dreg:$0x8];
	s7 =	sadd.s32 $0x1, s7  }
0x1c: {  	p0 =	sne.s32 s7, s24  }
.Ltmp1:
0x1d: {  	_ = 	snop;
	(pc) =	sbr.rel @!p0 .LBB2_10-.Ltmp1, $1  }
0x1e: {  	_ =	sdelay $0x3  }
.LBB2_1:
.Ltmp2:
0x1f: {  	(pc) =	sbr.rel .LBB2_2-.Ltmp2, $3  }
0x20: {  	_ =	sdelay $0x1  }
0x21: {  	[dreg:$0x10] =	wrdreg s7  }
0x22: {  	s24 =	rddreg [dreg:$0xc];
	s28 =	simm.s32 $0x0  }
.LBB2_4:
0x23: {  	s28 =	sadd.s32 $0x3200, s28  }
0x24: {  	p0 =	sne.s32 s28, $0x3E800  }
.Ltmp3:
0x25: {  	_ = 	snop;
	(pc) =	sbr.rel @!p0 .LBB2_5-.Ltmp3, $2  }
0x26: {  	_ =	sdelay $0x2  }
0x27: {  	s24 =	sadd.s32 $0x20, s24  }
.LBB2_2:
0x28: {  	p0 =	sgt.u32 s24, $0x270  }
.Ltmp4:
0x29: {  	_ = 	snop;
	(pc) =	sbr.rel @p0 .LBB2_4-.Ltmp4, $1  }
0x2a: {  	_ =	sdelay $0x3  }
0x2b: {  	s31 =	rddreg [dreg:$0x9]  }
0x2c: {  	s31 =	sadd.s32 s28, s31  }
0x2d: {  	[tilespmem:s6], [sflag:$0x3] =	stream.linear.gather [hbm4b:s31+s6], $0xC80, $0x38;
	[tilespmem:$0x2580] =	vst v63  }
0x2e: {  	_ =	swait.ge [sflag:s15], $0xC80  }
0x2f: {  	[sflag:s15] =	ssyncset.done $0x0  }
0x30: {  	s7 =	simm.s32 $0xC80;
	[sflag:s15] =	ssyncadd.s32 $0xFFFFF380  }
0x31: {  	[tilespmem:s7], [sflag:$0x1] =	stream.indirect.gather [hbm4b:s0+s16], $0x1, s6, s16, $0xb8;
	[tilespmem:$0x2580] =	vst v63  }
0x32: {  	s9 =	simm.s32 $0x1900  }
0x33: {  	[tilespmem:s9], [sflag:$0x1] =	stream.indirect.gather [hbm4b:s1+s16], $0x1, s6, s16, $0xb8;
	[tilespmem:$0x2580] =	vst v63  }
0x34: {  	s13 =	simm.s32 $0xD00  }
0x35: {  	[tilespmem:s13], [sflag:$0x1] =	stream.indirect.gather [hbm4b:s0+s16], $0x1, s16, s16, $0xb8;
	[tilespmem:$0x2580] =	vst v63  }
0x36: {  	s13 =	simm.s32 $0x1980  }
0x37: {  	[tilespmem:s13], [sflag:$0x1] =	stream.indirect.gather [hbm4b:s1+s16], $0x1, s16, s16, $0xb8;
	[tilespmem:$0x2580] =	vst v63  }
0x38: {  	s31 =	simm.s32 $0x100;
	s13 =	simm.s32 $0xD80  }
0x39: {  	[tilespmem:s13], [sflag:$0x1] =	stream.indirect.gather [hbm4b:s0+s16], $0x1, s31, s16, $0xb8;
	[tilespmem:$0x2580] =	vst v63  }
0x3a: {  	s13 =	simm.s32 $0x1A00  }
0x3b: {  	[tilespmem:s13], [sflag:$0x1] =	stream.indirect.gather [hbm4b:s1+s16], $0x1, s31, s16, $0xb8;
	[tilespmem:$0x2580] =	vst v63  }
0x3c: {  	s13 =	simm.s32 $0x180;
	s31 =	simm.s32 $0xE00  }
0x3d: {  	[tilespmem:s31], [sflag:$0x1] =	stream.indirect.gather [hbm4b:s0+s16], $0x1, s13, s16, $0xb8;
	[tilespmem:$0x2580] =	vst v63  }
0x3e: {  	s31 =	simm.s32 $0x1A80  }
0x3f: {  	[tilespmem:s31], [sflag:$0x1] =	stream.indirect.gather [hbm4b:s1+s16], $0x1, s13, s16, $0xb8;
	[tilespmem:$0x2580] =	vst v63  }
0x40: {  	s13 =	simm.s32 $0x200;
	s31 =	simm.s32 $0xE80  }
0x41: {  	[tilespmem:s31], [sflag:$0x1] =	stream.indirect.gather [hbm4b:s0+s16], $0x1, s13, s16, $0xb8;
	[tilespmem:$0x2580] =	vst v63  }
0x42: {  	s31 =	simm.s32 $0x1B00  }
0x43: {  	[tilespmem:s31], [sflag:$0x1] =	stream.indirect.gather [hbm4b:s1+s16], $0x1, s13, s16, $0xb8;
	[tilespmem:$0x2580] =	vst v63  }
0x44: {  	s13 =	simm.s32 $0x280;
	s31 =	simm.s32 $0xF00  }
0x45: {  	[tilespmem:s31], [sflag:$0x1] =	stream.indirect.gather [hbm4b:s0+s16], $0x1, s13, s16, $0xb8;
	[tilespmem:$0x2580] =	vst v63  }
0x46: {  	s31 =	simm.s32 $0x1B80  }
0x47: {  	[tilespmem:s31], [sflag:$0x1] =	stream.indirect.gather [hbm4b:s1+s16], $0x1, s13, s16, $0xb8;
	[tilespmem:$0x2580] =	vst v63  }
0x48: {  	s13 =	simm.s32 $0x300;
	s31 =	simm.s32 $0xF80  }
0x49: {  	[tilespmem:s31], [sflag:$0x1] =	stream.indirect.gather [hbm4b:s0+s16], $0x1, s13, s16, $0xb8;
	[tilespmem:$0x2580] =	vst v63  }
0x4a: {  	s31 =	simm.s32 $0x1C00  }
0x4b: {  	[tilespmem:s31], [sflag:$0x1] =	stream.indirect.gather [hbm4b:s1+s16], $0x1, s13, s16, $0xb8;
	[tilespmem:$0x2580] =	vst v63  }
0x4c: {  	s13 =	simm.s32 $0x380;
	s31 =	simm.s32 $0x1000  }
0x4d: {  	[tilespmem:s31], [sflag:$0x1] =	stream.indirect.gather [hbm4b:s0+s16], $0x1, s13, s16, $0xb8;
	[tilespmem:$0x2580] =	vst v63  }
0x4e: {  	s31 =	simm.s32 $0x1C80  }
0x4f: {  	[tilespmem:s31], [sflag:$0x1] =	stream.indirect.gather [hbm4b:s1+s16], $0x1, s13, s16, $0xb8;
	[tilespmem:$0x2580] =	vst v63  }
0x50: {  	s13 =	simm.s32 $0x400;
	s31 =	simm.s32 $0x1080  }
0x51: {  	[tilespmem:s31], [sflag:$0x1] =	stream.indirect.gather [hbm4b:s0+s16], $0x1, s13, s16, $0xb8;
	[tilespmem:$0x2580] =	vst v63  }
0x52: {  	s31 =	simm.s32 $0x1D00  }
0x53: {  	[tilespmem:s31], [sflag:$0x1] =	stream.indirect.gather [hbm4b:s1+s16], $0x1, s13, s16, $0xb8;
	[tilespmem:$0x2580] =	vst v63  }
0x54: {  	s31 =	simm.s32 $0x1100  }
0x55: {  	[tilespmem:s31], [sflag:$0x1] =	stream.indirect.gather [hbm4b:s0+s16], $0x1, s20, s16, $0xb8;
	[tilespmem:$0x2580] =	vst v63  }
0x56: {  	s31 =	simm.s32 $0x1D80  }
0x57: {  	[tilespmem:s31], [sflag:$0x1] =	stream.indirect.gather [hbm4b:s1+s16], $0x1, s20, s16, $0xb8;
	[tilespmem:$0x2580] =	vst v63  }
0x58: {  	s31 =	simm.s32 $0x1180  }
0x59: {  	[tilespmem:s31], [sflag:$0x1] =	stream.indirect.gather [hbm4b:s0+s16], $0x1, s25, s16, $0xb8;
	[tilespmem:$0x2580] =	vst v63  }
0x5a: {  	s31 =	simm.s32 $0x1E00  }
0x5b: {  	[tilespmem:s31], [sflag:$0x1] =	stream.indirect.gather [hbm4b:s1+s16], $0x1, s25, s16, $0xb8;
	[tilespmem:$0x2580] =	vst v63  }
0x5c: {  	s31 =	simm.s32 $0x1200  }
0x5d: {  	[tilespmem:s31], [sflag:$0x1] =	stream.indirect.gather [hbm4b:s0+s16], $0x1, s30, s16, $0xb8;
	[tilespmem:$0x2580] =	vst v63  }
0x5e: {  	s31 =	simm.s32 $0x1E80  }
0x5f: {  	[tilespmem:s31], [sflag:$0x1] =	stream.indirect.gather [hbm4b:s1+s16], $0x1, s30, s16, $0xb8;
	[tilespmem:$0x2580] =	vst v63  }
0x60: {  	s31 =	simm.s32 $0x1280  }
0x61: {  	[tilespmem:s31], [sflag:$0x1] =	stream.indirect.gather [hbm4b:s0+s16], $0x1, s11, s16, $0xb8;
	[tilespmem:$0x2580] =	vst v63  }
0x62: {  	s31 =	simm.s32 $0x1F00  }
0x63: {  	[tilespmem:s31], [sflag:$0x1] =	stream.indirect.gather [hbm4b:s1+s16], $0x1, s11, s16, $0xb8;
	[tilespmem:$0x2580] =	vst v63  }
0x64: {  	s31 =	simm.s32 $0x1300  }
0x65: {  	[tilespmem:s31], [sflag:$0x1] =	stream.indirect.gather [hbm4b:s0+s16], $0x1, s12, s16, $0xb8;
	[tilespmem:$0x2580] =	vst v63  }
0x66: {  	s31 =	simm.s32 $0x1F80  }
0x67: {  	[tilespmem:s31], [sflag:$0x1] =	stream.indirect.gather [hbm4b:s1+s16], $0x1, s12, s16, $0xb8;
	[tilespmem:$0x2580] =	vst v63  }
0x68: {  	s31 =	simm.s32 $0x1380  }
0x69: {  	[tilespmem:s31], [sflag:$0x1] =	stream.indirect.gather [hbm4b:s0+s16], $0x1, s22, s16, $0xb8;
	[tilespmem:$0x2580] =	vst v63  }
0x6a: {  	s31 =	simm.s32 $0x2000  }
0x6b: {  	[tilespmem:s31], [sflag:$0x1] =	stream.indirect.gather [hbm4b:s1+s16], $0x1, s22, s16, $0xb8;
	[tilespmem:$0x2580] =	vst v63  }
0x6c: {  	s31 =	simm.s32 $0x1400  }
0x6d: {  	[tilespmem:s31], [sflag:$0x1] =	stream.indirect.gather [hbm4b:s0+s16], $0x1, s29, s16, $0xb8;
	[tilespmem:$0x2580] =	vst v63  }
0x6e: {  	s31 =	simm.s32 $0x2080  }
0x6f: {  	[tilespmem:s31], [sflag:$0x1] =	stream.indirect.gather [hbm4b:s1+s16], $0x1, s29, s16, $0xb8;
	[tilespmem:$0x2580] =	vst v63  }
0x70: {  	s31 =	simm.s32 $0x1480  }
0x71: {  	[tilespmem:s31], [sflag:$0x1] =	stream.indirect.gather [hbm4b:s0+s16], $0x1, s8, s16, $0xb8;
	[tilespmem:$0x2580] =	vst v63  }
0x72: {  	s31 =	simm.s32 $0x2100  }
0x73: {  	[tilespmem:s31], [sflag:$0x1] =	stream.indirect.gather [hbm4b:s1+s16], $0x1, s8, s16, $0xb8;
	[tilespmem:$0x2580] =	vst v63  }
0x74: {  	s31 =	simm.s32 $0x1500  }
0x75: {  	[tilespmem:s31], [sflag:$0x1] =	stream.indirect.gather [hbm4b:s0+s16], $0x1, s19, s16, $0xb8;
	[tilespmem:$0x2580] =	vst v63  }
0x76: {  	s31 =	simm.s32 $0x2180  }
0x77: {  	[tilespmem:s31], [sflag:$0x1] =	stream.indirect.gather [hbm4b:s1+s16], $0x1, s19, s16, $0xb8;
	[tilespmem:$0x2580] =	vst v63  }
0x78: {  	s31 =	simm.s32 $0x1580  }
0x79: {  	[tilespmem:s31], [sflag:$0x1] =	stream.indirect.gather [hbm4b:s0+s16], $0x1, s2, s16, $0xb8;
	[tilespmem:$0x2580] =	vst v63  }
0x7a: {  	s31 =	simm.s32 $0x2200  }
0x7b: {  	[tilespmem:s31], [sflag:$0x1] =	stream.indirect.gather [hbm4b:s1+s16], $0x1, s2, s16, $0xb8;
	[tilespmem:$0x2580] =	vst v63  }
0x7c: {  	s31 =	simm.s32 $0x1600  }
0x7d: {  	[tilespmem:s31], [sflag:$0x1] =	stream.indirect.gather [hbm4b:s0+s16], $0x1, s14, s16, $0xb8;
	[tilespmem:$0x2580] =	vst v63  }
0x7e: {  	s31 =	simm.s32 $0x2280  }
0x7f: {  	[tilespmem:s31], [sflag:$0x1] =	stream.indirect.gather [hbm4b:s1+s16], $0x1, s14, s16, $0xb8;
	[tilespmem:$0x2580] =	vst v63  }
0x80: {  	s31 =	simm.s32 $0x1680  }
0x81: {  	[tilespmem:s31], [sflag:$0x1] =	stream.indirect.gather [hbm4b:s0+s16], $0x1, s5, s16, $0xb8;
	[tilespmem:$0x2580] =	vst v63  }
0x82: {  	s31 =	simm.s32 $0x2300  }
0x83: {  	[tilespmem:s31], [sflag:$0x1] =	stream.indirect.gather [hbm4b:s1+s16], $0x1, s5, s16, $0xb8;
	[tilespmem:$0x2580] =	vst v63  }
0x84: {  	s31 =	simm.s32 $0x1700  }
0x85: {  	[tilespmem:s31], [sflag:$0x1] =	stream.indirect.gather [hbm4b:s0+s16], $0x1, s26, s16, $0xb8;
	[tilespmem:$0x2580] =	vst v63  }
0x86: {  	s31 =	simm.s32 $0x2380  }
0x87: {  	[tilespmem:s31], [sflag:$0x1] =	stream.indirect.gather [hbm4b:s1+s16], $0x1, s26, s16, $0xb8;
	[tilespmem:$0x2580] =	vst v63  }
0x88: {  	s31 =	simm.s32 $0x1780  }
0x89: {  	[tilespmem:s31], [sflag:$0x1] =	stream.indirect.gather [hbm4b:s0+s16], $0x1, s10, s16, $0xb8;
	[tilespmem:$0x2580] =	vst v63  }
0x8a: {  	s31 =	simm.s32 $0x2400  }
0x8b: {  	[tilespmem:s31], [sflag:$0x1] =	stream.indirect.gather [hbm4b:s1+s16], $0x1, s10, s16, $0xb8;
	[tilespmem:$0x2580] =	vst v63  }
0x8c: {  	s31 =	simm.s32 $0x1800  }
0x8d: {  	[tilespmem:s31], [sflag:$0x1] =	stream.indirect.gather [hbm4b:s0+s16], $0x1, s23, s16, $0xb8;
	[tilespmem:$0x2580] =	vst v63  }
0x8e: {  	s31 =	simm.s32 $0x2480  }
0x8f: {  	[tilespmem:s31], [sflag:$0x1] =	stream.indirect.gather [hbm4b:s1+s16], $0x1, s23, s16, $0xb8;
	[tilespmem:$0x2580] =	vst v63  }
0x90: {  	s31 =	simm.s32 $0x1880  }
0x91: {  	[tilespmem:s31], [sflag:$0x1] =	stream.indirect.gather [hbm4b:s0+s16], $0x1, s17, s16, $0xb8;
	[tilespmem:$0x2580] =	vst v63  }
0x92: {  	s31 =	simm.s32 $0x2500  }
0x93: {  	[tilespmem:s31], [sflag:$0x1] =	stream.indirect.gather [hbm4b:s1+s16], $0x1, s17, s16, $0xb8;
	[tilespmem:$0x2580] =	vst v63  }
0x94: {  	_ =	swait.ge [sflag:s18], $0x80  }
0x95: {  	[sflag:s18] =	ssyncset.done $0x0  }
0x96: {  	[sflag:s18] =	ssyncadd.s32 $0xFFFFFF80  }
0x97: {  	_ =	swait.ge [sflag:s18], $0x80  }
0x98: {  	[sflag:s18] =	ssyncset.done $0x0  }
0x99: {  	[sflag:s18] =	ssyncadd.s32 $0xFFFFFF80  }
0x9a: {  	_ =	swait.ge [sflag:s18], $0x80  }
0x9b: {  	[sflag:s18] =	ssyncset.done $0x0  }
0x9c: {  	[sflag:s18] =	ssyncadd.s32 $0xFFFFFF80  }
0x9d: {  	_ =	swait.ge [sflag:s18], $0x80  }
0x9e: {  	[sflag:s18] =	ssyncset.done $0x0  }
0x9f: {  	[sflag:s18] =	ssyncadd.s32 $0xFFFFFF80  }
0xa0: {  	_ =	swait.ge [sflag:s18], $0x80  }
0xa1: {  	[sflag:s18] =	ssyncset.done $0x0  }
0xa2: {  	[sflag:s18] =	ssyncadd.s32 $0xFFFFFF80  }
0xa3: {  	_ =	swait.ge [sflag:s18], $0x80  }
0xa4: {  	[sflag:s18] =	ssyncset.done $0x0  }
0xa5: {  	[sflag:s18] =	ssyncadd.s32 $0xFFFFFF80  }
0xa6: {  	_ =	swait.ge [sflag:s18], $0x80  }
0xa7: {  	[sflag:s18] =	ssyncset.done $0x0  }
0xa8: {  	[sflag:s18] =	ssyncadd.s32 $0xFFFFFF80  }
0xa9: {  	_ =	swait.ge [sflag:s18], $0x80  }
0xaa: {  	[sflag:s18] =	ssyncset.done $0x0  }
0xab: {  	[sflag:s18] =	ssyncadd.s32 $0xFFFFFF80  }
0xac: {  	_ =	swait.ge [sflag:s18], $0x80  }
0xad: {  	[sflag:s18] =	ssyncset.done $0x0  }
0xae: {  	[sflag:s18] =	ssyncadd.s32 $0xFFFFFF80  }
0xaf: {  	_ =	swait.ge [sflag:s18], $0x80  }
0xb0: {  	[sflag:s18] =	ssyncset.done $0x0  }
0xb1: {  	[sflag:s18] =	ssyncadd.s32 $0xFFFFFF80  }
0xb2: {  	_ =	swait.ge [sflag:s18], $0x80  }
0xb3: {  	[sflag:s18] =	ssyncset.done $0x0  }
0xb4: {  	[sflag:s18] =	ssyncadd.s32 $0xFFFFFF80  }
0xb5: {  	_ =	swait.ge [sflag:s18], $0x80  }
0xb6: {  	[sflag:s18] =	ssyncset.done $0x0  }
0xb7: {  	[sflag:s18] =	ssyncadd.s32 $0xFFFFFF80  }
0xb8: {  	_ =	swait.ge [sflag:s18], $0x80  }
0xb9: {  	[sflag:s18] =	ssyncset.done $0x0  }
0xba: {  	[sflag:s18] =	ssyncadd.s32 $0xFFFFFF80  }
0xbb: {  	_ =	swait.ge [sflag:s18], $0x80  }
0xbc: {  	[sflag:s18] =	ssyncset.done $0x0  }
0xbd: {  	[sflag:s18] =	ssyncadd.s32 $0xFFFFFF80  }
0xbe: {  	_ =	swait.ge [sflag:s18], $0x80  }
0xbf: {  	[sflag:s18] =	ssyncset.done $0x0  }
0xc0: {  	[sflag:s18] =	ssyncadd.s32 $0xFFFFFF80  }
0xc1: {  	_ =	swait.ge [sflag:s18], $0x80  }
0xc2: {  	[sflag:s18] =	ssyncset.done $0x0  }
0xc3: {  	[sflag:s18] =	ssyncadd.s32 $0xFFFFFF80  }
0xc4: {  	_ =	swait.ge [sflag:s18], $0x80  }
0xc5: {  	[sflag:s18] =	ssyncset.done $0x0  }
0xc6: {  	[sflag:s18] =	ssyncadd.s32 $0xFFFFFF80  }
0xc7: {  	_ =	swait.ge [sflag:s18], $0x80  }
0xc8: {  	[sflag:s18] =	ssyncset.done $0x0  }
0xc9: {  	[sflag:s18] =	ssyncadd.s32 $0xFFFFFF80  }
0xca: {  	_ =	swait.ge [sflag:s18], $0x80  }
0xcb: {  	[sflag:s18] =	ssyncset.done $0x0  }
0xcc: {  	[sflag:s18] =	ssyncadd.s32 $0xFFFFFF80  }
0xcd: {  	_ =	swait.ge [sflag:s18], $0x80  }
0xce: {  	[sflag:s18] =	ssyncset.done $0x0  }
0xcf: {  	[sflag:s18] =	ssyncadd.s32 $0xFFFFFF80  }
0xd0: {  	_ =	swait.ge [sflag:s18], $0x80  }
0xd1: {  	[sflag:s18] =	ssyncset.done $0x0  }
0xd2: {  	[sflag:s18] =	ssyncadd.s32 $0xFFFFFF80  }
0xd3: {  	_ =	swait.ge [sflag:s18], $0x80  }
0xd4: {  	[sflag:s18] =	ssyncset.done $0x0  }
0xd5: {  	[sflag:s18] =	ssyncadd.s32 $0xFFFFFF80  }
0xd6: {  	_ =	swait.ge [sflag:s18], $0x80  }
0xd7: {  	[sflag:s18] =	ssyncset.done $0x0  }
0xd8: {  	[sflag:s18] =	ssyncadd.s32 $0xFFFFFF80  }
0xd9: {  	_ =	swait.ge [sflag:s18], $0x80  }
0xda: {  	[sflag:s18] =	ssyncset.done $0x0  }
0xdb: {  	[sflag:s18] =	ssyncadd.s32 $0xFFFFFF80  }
0xdc: {  	_ =	swait.ge [sflag:s18], $0x80  }
0xdd: {  	[sflag:s18] =	ssyncset.done $0x0  }
0xde: {  	[sflag:s18] =	ssyncadd.s32 $0xFFFFFF80  }
0xdf: {  	_ =	swait.ge [sflag:s18], $0x80  }
0xe0: {  	[sflag:s18] =	ssyncset.done $0x0  }
0xe1: {  	[sflag:s18] =	ssyncadd.s32 $0xFFFFFF80  }
0xe2: {  	_ =	swait.ge [sflag:s18], $0x80  }
0xe3: {  	[sflag:s18] =	ssyncset.done $0x0  }
0xe4: {  	[sflag:s18] =	ssyncadd.s32 $0xFFFFFF80  }
0xe5: {  	_ =	swait.ge [sflag:s18], $0x80  }
0xe6: {  	[sflag:s18] =	ssyncset.done $0x0  }
0xe7: {  	[sflag:s18] =	ssyncadd.s32 $0xFFFFFF80  }
0xe8: {  	_ =	swait.ge [sflag:s18], $0x80  }
0xe9: {  	[sflag:s18] =	ssyncset.done $0x0  }
0xea: {  	[sflag:s18] =	ssyncadd.s32 $0xFFFFFF80  }
0xeb: {  	_ =	swait.ge [sflag:s18], $0x80  }
0xec: {  	[sflag:s18] =	ssyncset.done $0x0  }
0xed: {  	[sflag:s18] =	ssyncadd.s32 $0xFFFFFF80  }
0xee: {  	_ =	swait.ge [sflag:s18], $0x80  }
0xef: {  	[sflag:s18] =	ssyncset.done $0x0  }
0xf0: {  	[sflag:s18] =	ssyncadd.s32 $0xFFFFFF80  }
0xf1: {  	_ =	swait.ge [sflag:s18], $0x80  }
0xf2: {  	[sflag:s18] =	ssyncset.done $0x0  }
0xf3: {  	[sflag:s18] =	ssyncadd.s32 $0xFFFFFF80  }
0xf4: {  	_ =	swait.ge [sflag:s18], $0x80  }
0xf5: {  	[sflag:s18] =	ssyncset.done $0x0  }
0xf6: {  	[sflag:s18] =	ssyncadd.s32 $0xFFFFFF80  }
0xf7: {  	_ =	swait.ge [sflag:s18], $0x80  }
0xf8: {  	[sflag:s18] =	ssyncset.done $0x0  }
0xf9: {  	[sflag:s18] =	ssyncadd.s32 $0xFFFFFF80  }
0xfa: {  	_ =	swait.ge [sflag:s18], $0x80  }
0xfb: {  	[sflag:s18] =	ssyncset.done $0x0  }
0xfc: {  	[sflag:s18] =	ssyncadd.s32 $0xFFFFFF80  }
0xfd: {  	_ =	swait.ge [sflag:s18], $0x80  }
0xfe: {  	[sflag:s18] =	ssyncset.done $0x0  }
0xff: {  	[sflag:s18] =	ssyncadd.s32 $0xFFFFFF80  }
0x100: {  	_ =	swait.ge [sflag:s18], $0x80  }
0x101: {  	[sflag:s18] =	ssyncset.done $0x0  }
0x102: {  	[sflag:s18] =	ssyncadd.s32 $0xFFFFFF80  }
0x103: {  	_ =	swait.ge [sflag:s18], $0x80  }
0x104: {  	[sflag:s18] =	ssyncset.done $0x0  }
0x105: {  	[sflag:s18] =	ssyncadd.s32 $0xFFFFFF80  }
0x106: {  	_ =	swait.ge [sflag:s18], $0x80  }
0x107: {  	[sflag:s18] =	ssyncset.done $0x0  }
0x108: {  	[sflag:s18] =	ssyncadd.s32 $0xFFFFFF80  }
0x109: {  	_ =	swait.ge [sflag:s18], $0x80  }
0x10a: {  	[sflag:s18] =	ssyncset.done $0x0  }
0x10b: {  	[sflag:s18] =	ssyncadd.s32 $0xFFFFFF80  }
0x10c: {  	_ =	swait.ge [sflag:s18], $0x80  }
0x10d: {  	[sflag:s18] =	ssyncset.done $0x0  }
0x10e: {  	[sflag:s18] =	ssyncadd.s32 $0xFFFFFF80  }
0x10f: {  	_ =	swait.ge [sflag:s18], $0x80  }
0x110: {  	[sflag:s18] =	ssyncset.done $0x0  }
0x111: {  	[sflag:s18] =	ssyncadd.s32 $0xFFFFFF80  }
0x112: {  	_ =	swait.ge [sflag:s18], $0x80  }
0x113: {  	[sflag:s18] =	ssyncset.done $0x0  }
0x114: {  	[sflag:s18] =	ssyncadd.s32 $0xFFFFFF80  }
0x115: {  	_ =	swait.ge [sflag:s18], $0x80  }
0x116: {  	[sflag:s18] =	ssyncset.done $0x0  }
0x117: {  	[sflag:s18] =	ssyncadd.s32 $0xFFFFFF80  }
0x118: {  	_ =	swait.ge [sflag:s18], $0x80  }
0x119: {  	[sflag:s18] =	ssyncset.done $0x0  }
0x11a: {  	[sflag:s18] =	ssyncadd.s32 $0xFFFFFF80  }
0x11b: {  	_ =	swait.ge [sflag:s18], $0x80  }
0x11c: {  	[sflag:s18] =	ssyncset.done $0x0  }
0x11d: {  	[sflag:s18] =	ssyncadd.s32 $0xFFFFFF80  }
0x11e: {  	_ =	swait.ge [sflag:s18], $0x80  }
0x11f: {  	[sflag:s18] =	ssyncset.done $0x0  }
0x120: {  	[sflag:s18] =	ssyncadd.s32 $0xFFFFFF80  }
0x121: {  	_ =	swait.ge [sflag:s18], $0x80  }
0x122: {  	[sflag:s18] =	ssyncset.done $0x0  }
0x123: {  	[sflag:s18] =	ssyncadd.s32 $0xFFFFFF80  }
0x124: {  	_ =	swait.ge [sflag:s18], $0x80  }
0x125: {  	[sflag:s18] =	ssyncset.done $0x0  }
0x126: {  	[sflag:s18] =	ssyncadd.s32 $0xFFFFFF80  }
0x127: {  	_ =	swait.ge [sflag:s18], $0x80  }
0x128: {  	[sflag:s18] =	ssyncset.done $0x0;
	s13 =	rddreg [dreg:$0xa]  }
0x129: {  	[sflag:s18] =	ssyncadd.s32 $0xFFFFFF80;
	s31 =	sadd.s32 s28, s13  }
0x12a: {  	[hbm4b:s31+s6] =	stream.linear.scatter [tilespmem:s7], [sflag:$0x3], $0xC80, $0x38;
	[tilespmem:$0x2580] =	vst v63  }
0x12b: {  	_ =	swait.ge [sflag:s15], $0xC80  }
0x12c: {  	[sflag:s15] =	ssyncset.done $0x0;
	s13 =	rddreg [dreg:$0xb]  }
.Ltmp5:
0x12d: {  	[sflag:s15] =	ssyncadd.s32 $0xFFFFF380;
	s31 =	sadd.s32 s28, s13;
	(pc) =	sbr.rel .LBB2_4-.Ltmp5, $4  }
0x12e: {  	[hbm4b:s31+s6] =	stream.linear.scatter [tilespmem:s9], [sflag:$0x2], $0xC80, $0x38;
	[tilespmem:$0x2580] =	vst v63  }
0x12f: {  	_ =	swait.ge [sflag:s21], $0xC80  }
0x130: {  	[sflag:s21] =	ssyncset.done $0x0  }
0x131: {  	[sflag:s21] =	ssyncadd.s32 $0xFFFFF380  }
.LBB2_5:
.Ltmp6:
0x132: {  	(pc) =	sbr.rel .LBB2_6-.Ltmp6, $2  }
0x133: {  	_ =	sdelay $0x2  }
0x134: {  	s24 =	simm.s32 $0x0;
	s28 =	rddreg [dreg:$0xc]  }
.LBB2_8:
0x135: {  	s24 =	sadd.s32 $0x3200, s24  }
0x136: {  	p0 =	sne.s32 s24, $0x3E800  }
.Ltmp7:
0x137: {  	_ = 	snop;
	(pc) =	sbr.rel @!p0 .LBB2_9-.Ltmp7, $2  }
0x138: {  	_ =	sdelay $0x2  }
0x139: {  	s28 =	sadd.s32 $0x20, s28  }
.LBB2_6:
0x13a: {  	p0 =	sgt.u32 s28, $0x270  }
.Ltmp8:
0x13b: {  	_ = 	snop;
	(pc) =	sbr.rel @p0 .LBB2_8-.Ltmp8, $1  }
0x13c: {  	_ =	sdelay $0x3  }
0x13d: {  	s31 =	rddreg [dreg:$0xd]  }
0x13e: {  	s31 =	sadd.s32 s24, s31  }
0x13f: {  	[tilespmem:s6], [sflag:$0x3] =	stream.linear.gather [hbm4b:s31+s6], $0xC80, $0x38;
	[tilespmem:$0x2580] =	vst v63  }
0x140: {  	_ =	swait.ge [sflag:s15], $0xC80  }
0x141: {  	[sflag:s15] =	ssyncset.done $0x0  }
0x142: {  	s7 =	simm.s32 $0xC80;
	[sflag:s15] =	ssyncadd.s32 $0xFFFFF380  }
0x143: {  	[tilespmem:s7], [sflag:$0x1] =	stream.indirect.gather [hbm4b:s3+s16], $0x1, s6, s16, $0xb8;
	[tilespmem:$0x2580] =	vst v63  }
0x144: {  	s9 =	simm.s32 $0x1900  }
0x145: {  	[tilespmem:s9], [sflag:$0x1] =	stream.indirect.gather [hbm4b:s4+s16], $0x1, s6, s16, $0xb8;
	[tilespmem:$0x2580] =	vst v63  }
0x146: {  	s13 =	simm.s32 $0xD00  }
0x147: {  	[tilespmem:s13], [sflag:$0x1] =	stream.indirect.gather [hbm4b:s3+s16], $0x1, s16, s16, $0xb8;
	[tilespmem:$0x2580] =	vst v63  }
0x148: {  	s13 =	simm.s32 $0x1980  }
0x149: {  	[tilespmem:s13], [sflag:$0x1] =	stream.indirect.gather [hbm4b:s4+s16], $0x1, s16, s16, $0xb8;
	[tilespmem:$0x2580] =	vst v63  }
0x14a: {  	s31 =	simm.s32 $0x100;
	s13 =	simm.s32 $0xD80  }
0x14b: {  	[tilespmem:s13], [sflag:$0x1] =	stream.indirect.gather [hbm4b:s3+s16], $0x1, s31, s16, $0xb8;
	[tilespmem:$0x2580] =	vst v63  }
0x14c: {  	s13 =	simm.s32 $0x1A00  }
0x14d: {  	[tilespmem:s13], [sflag:$0x1] =	stream.indirect.gather [hbm4b:s4+s16], $0x1, s31, s16, $0xb8;
	[tilespmem:$0x2580] =	vst v63  }
0x14e: {  	s13 =	simm.s32 $0x180;
	s31 =	simm.s32 $0xE00  }
0x14f: {  	[tilespmem:s31], [sflag:$0x1] =	stream.indirect.gather [hbm4b:s3+s16], $0x1, s13, s16, $0xb8;
	[tilespmem:$0x2580] =	vst v63  }
0x150: {  	s31 =	simm.s32 $0x1A80  }
0x151: {  	[tilespmem:s31], [sflag:$0x1] =	stream.indirect.gather [hbm4b:s4+s16], $0x1, s13, s16, $0xb8;
	[tilespmem:$0x2580] =	vst v63  }
0x152: {  	s13 =	simm.s32 $0x200;
	s31 =	simm.s32 $0xE80  }
0x153: {  	[tilespmem:s31], [sflag:$0x1] =	stream.indirect.gather [hbm4b:s3+s16], $0x1, s13, s16, $0xb8;
	[tilespmem:$0x2580] =	vst v63  }
0x154: {  	s31 =	simm.s32 $0x1B00  }
0x155: {  	[tilespmem:s31], [sflag:$0x1] =	stream.indirect.gather [hbm4b:s4+s16], $0x1, s13, s16, $0xb8;
	[tilespmem:$0x2580] =	vst v63  }
0x156: {  	s13 =	simm.s32 $0x280;
	s31 =	simm.s32 $0xF00  }
0x157: {  	[tilespmem:s31], [sflag:$0x1] =	stream.indirect.gather [hbm4b:s3+s16], $0x1, s13, s16, $0xb8;
	[tilespmem:$0x2580] =	vst v63  }
0x158: {  	s31 =	simm.s32 $0x1B80  }
0x159: {  	[tilespmem:s31], [sflag:$0x1] =	stream.indirect.gather [hbm4b:s4+s16], $0x1, s13, s16, $0xb8;
	[tilespmem:$0x2580] =	vst v63  }
0x15a: {  	s13 =	simm.s32 $0x300;
	s31 =	simm.s32 $0xF80  }
0x15b: {  	[tilespmem:s31], [sflag:$0x1] =	stream.indirect.gather [hbm4b:s3+s16], $0x1, s13, s16, $0xb8;
	[tilespmem:$0x2580] =	vst v63  }
0x15c: {  	s31 =	simm.s32 $0x1C00  }
0x15d: {  	[tilespmem:s31], [sflag:$0x1] =	stream.indirect.gather [hbm4b:s4+s16], $0x1, s13, s16, $0xb8;
	[tilespmem:$0x2580] =	vst v63  }
0x15e: {  	s13 =	simm.s32 $0x380;
	s31 =	simm.s32 $0x1000  }
0x15f: {  	[tilespmem:s31], [sflag:$0x1] =	stream.indirect.gather [hbm4b:s3+s16], $0x1, s13, s16, $0xb8;
	[tilespmem:$0x2580] =	vst v63  }
0x160: {  	s31 =	simm.s32 $0x1C80  }
0x161: {  	[tilespmem:s31], [sflag:$0x1] =	stream.indirect.gather [hbm4b:s4+s16], $0x1, s13, s16, $0xb8;
	[tilespmem:$0x2580] =	vst v63  }
0x162: {  	s13 =	simm.s32 $0x400;
	s31 =	simm.s32 $0x1080  }
0x163: {  	[tilespmem:s31], [sflag:$0x1] =	stream.indirect.gather [hbm4b:s3+s16], $0x1, s13, s16, $0xb8;
	[tilespmem:$0x2580] =	vst v63  }
0x164: {  	s31 =	simm.s32 $0x1D00  }
0x165: {  	[tilespmem:s31], [sflag:$0x1] =	stream.indirect.gather [hbm4b:s4+s16], $0x1, s13, s16, $0xb8;
	[tilespmem:$0x2580] =	vst v63  }
0x166: {  	s31 =	simm.s32 $0x1100  }
0x167: {  	[tilespmem:s31], [sflag:$0x1] =	stream.indirect.gather [hbm4b:s3+s16], $0x1, s20, s16, $0xb8;
	[tilespmem:$0x2580] =	vst v63  }
0x168: {  	s31 =	simm.s32 $0x1D80  }
0x169: {  	[tilespmem:s31], [sflag:$0x1] =	stream.indirect.gather [hbm4b:s4+s16], $0x1, s20, s16, $0xb8;
	[tilespmem:$0x2580] =	vst v63  }
0x16a: {  	s31 =	simm.s32 $0x1180  }
0x16b: {  	[tilespmem:s31], [sflag:$0x1] =	stream.indirect.gather [hbm4b:s3+s16], $0x1, s25, s16, $0xb8;
	[tilespmem:$0x2580] =	vst v63  }
0x16c: {  	s31 =	simm.s32 $0x1E00  }
0x16d: {  	[tilespmem:s31], [sflag:$0x1] =	stream.indirect.gather [hbm4b:s4+s16], $0x1, s25, s16, $0xb8;
	[tilespmem:$0x2580] =	vst v63  }
0x16e: {  	s31 =	simm.s32 $0x1200  }
0x16f: {  	[tilespmem:s31], [sflag:$0x1] =	stream.indirect.gather [hbm4b:s3+s16], $0x1, s30, s16, $0xb8;
	[tilespmem:$0x2580] =	vst v63  }
0x170: {  	s31 =	simm.s32 $0x1E80  }
0x171: {  	[tilespmem:s31], [sflag:$0x1] =	stream.indirect.gather [hbm4b:s4+s16], $0x1, s30, s16, $0xb8;
	[tilespmem:$0x2580] =	vst v63  }
0x172: {  	s31 =	simm.s32 $0x1280  }
0x173: {  	[tilespmem:s31], [sflag:$0x1] =	stream.indirect.gather [hbm4b:s3+s16], $0x1, s11, s16, $0xb8;
	[tilespmem:$0x2580] =	vst v63  }
0x174: {  	s31 =	simm.s32 $0x1F00  }
0x175: {  	[tilespmem:s31], [sflag:$0x1] =	stream.indirect.gather [hbm4b:s4+s16], $0x1, s11, s16, $0xb8;
	[tilespmem:$0x2580] =	vst v63  }
0x176: {  	s31 =	simm.s32 $0x1300  }
0x177: {  	[tilespmem:s31], [sflag:$0x1] =	stream.indirect.gather [hbm4b:s3+s16], $0x1, s12, s16, $0xb8;
	[tilespmem:$0x2580] =	vst v63  }
0x178: {  	s31 =	simm.s32 $0x1F80  }
0x179: {  	[tilespmem:s31], [sflag:$0x1] =	stream.indirect.gather [hbm4b:s4+s16], $0x1, s12, s16, $0xb8;
	[tilespmem:$0x2580] =	vst v63  }
0x17a: {  	s31 =	simm.s32 $0x1380  }
0x17b: {  	[tilespmem:s31], [sflag:$0x1] =	stream.indirect.gather [hbm4b:s3+s16], $0x1, s22, s16, $0xb8;
	[tilespmem:$0x2580] =	vst v63  }
0x17c: {  	s31 =	simm.s32 $0x2000  }
0x17d: {  	[tilespmem:s31], [sflag:$0x1] =	stream.indirect.gather [hbm4b:s4+s16], $0x1, s22, s16, $0xb8;
	[tilespmem:$0x2580] =	vst v63  }
0x17e: {  	s31 =	simm.s32 $0x1400  }
0x17f: {  	[tilespmem:s31], [sflag:$0x1] =	stream.indirect.gather [hbm4b:s3+s16], $0x1, s29, s16, $0xb8;
	[tilespmem:$0x2580] =	vst v63  }
0x180: {  	s31 =	simm.s32 $0x2080  }
0x181: {  	[tilespmem:s31], [sflag:$0x1] =	stream.indirect.gather [hbm4b:s4+s16], $0x1, s29, s16, $0xb8;
	[tilespmem:$0x2580] =	vst v63  }
0x182: {  	s31 =	simm.s32 $0x1480  }
0x183: {  	[tilespmem:s31], [sflag:$0x1] =	stream.indirect.gather [hbm4b:s3+s16], $0x1, s8, s16, $0xb8;
	[tilespmem:$0x2580] =	vst v63  }
0x184: {  	s31 =	simm.s32 $0x2100  }
0x185: {  	[tilespmem:s31], [sflag:$0x1] =	stream.indirect.gather [hbm4b:s4+s16], $0x1, s8, s16, $0xb8;
	[tilespmem:$0x2580] =	vst v63  }
0x186: {  	s31 =	simm.s32 $0x1500  }
0x187: {  	[tilespmem:s31], [sflag:$0x1] =	stream.indirect.gather [hbm4b:s3+s16], $0x1, s19, s16, $0xb8;
	[tilespmem:$0x2580] =	vst v63  }
0x188: {  	s31 =	simm.s32 $0x2180  }
0x189: {  	[tilespmem:s31], [sflag:$0x1] =	stream.indirect.gather [hbm4b:s4+s16], $0x1, s19, s16, $0xb8;
	[tilespmem:$0x2580] =	vst v63  }
0x18a: {  	s31 =	simm.s32 $0x1580  }
0x18b: {  	[tilespmem:s31], [sflag:$0x1] =	stream.indirect.gather [hbm4b:s3+s16], $0x1, s2, s16, $0xb8;
	[tilespmem:$0x2580] =	vst v63  }
0x18c: {  	s31 =	simm.s32 $0x2200  }
0x18d: {  	[tilespmem:s31], [sflag:$0x1] =	stream.indirect.gather [hbm4b:s4+s16], $0x1, s2, s16, $0xb8;
	[tilespmem:$0x2580] =	vst v63  }
0x18e: {  	s31 =	simm.s32 $0x1600  }
0x18f: {  	[tilespmem:s31], [sflag:$0x1] =	stream.indirect.gather [hbm4b:s3+s16], $0x1, s14, s16, $0xb8;
	[tilespmem:$0x2580] =	vst v63  }
0x190: {  	s31 =	simm.s32 $0x2280  }
0x191: {  	[tilespmem:s31], [sflag:$0x1] =	stream.indirect.gather [hbm4b:s4+s16], $0x1, s14, s16, $0xb8;
	[tilespmem:$0x2580] =	vst v63  }
0x192: {  	s31 =	simm.s32 $0x1680  }
0x193: {  	[tilespmem:s31], [sflag:$0x1] =	stream.indirect.gather [hbm4b:s3+s16], $0x1, s5, s16, $0xb8;
	[tilespmem:$0x2580] =	vst v63  }
0x194: {  	s31 =	simm.s32 $0x2300  }
0x195: {  	[tilespmem:s31], [sflag:$0x1] =	stream.indirect.gather [hbm4b:s4+s16], $0x1, s5, s16, $0xb8;
	[tilespmem:$0x2580] =	vst v63  }
0x196: {  	s31 =	simm.s32 $0x1700  }
0x197: {  	[tilespmem:s31], [sflag:$0x1] =	stream.indirect.gather [hbm4b:s3+s16], $0x1, s26, s16, $0xb8;
	[tilespmem:$0x2580] =	vst v63  }
0x198: {  	s31 =	simm.s32 $0x2380  }
0x199: {  	[tilespmem:s31], [sflag:$0x1] =	stream.indirect.gather [hbm4b:s4+s16], $0x1, s26, s16, $0xb8;
	[tilespmem:$0x2580] =	vst v63  }
0x19a: {  	s31 =	simm.s32 $0x1780  }
0x19b: {  	[tilespmem:s31], [sflag:$0x1] =	stream.indirect.gather [hbm4b:s3+s16], $0x1, s10, s16, $0xb8;
	[tilespmem:$0x2580] =	vst v63  }
0x19c: {  	s31 =	simm.s32 $0x2400  }
0x19d: {  	[tilespmem:s31], [sflag:$0x1] =	stream.indirect.gather [hbm4b:s4+s16], $0x1, s10, s16, $0xb8;
	[tilespmem:$0x2580] =	vst v63  }
0x19e: {  	s31 =	simm.s32 $0x1800  }
0x19f: {  	[tilespmem:s31], [sflag:$0x1] =	stream.indirect.gather [hbm4b:s3+s16], $0x1, s23, s16, $0xb8;
	[tilespmem:$0x2580] =	vst v63  }
0x1a0: {  	s31 =	simm.s32 $0x2480  }
0x1a1: {  	[tilespmem:s31], [sflag:$0x1] =	stream.indirect.gather [hbm4b:s4+s16], $0x1, s23, s16, $0xb8;
	[tilespmem:$0x2580] =	vst v63  }
0x1a2: {  	s31 =	simm.s32 $0x1880  }
0x1a3: {  	[tilespmem:s31], [sflag:$0x1] =	stream.indirect.gather [hbm4b:s3+s16], $0x1, s17, s16, $0xb8;
	[tilespmem:$0x2580] =	vst v63  }
0x1a4: {  	s31 =	simm.s32 $0x2500  }
0x1a5: {  	[tilespmem:s31], [sflag:$0x1] =	stream.indirect.gather [hbm4b:s4+s16], $0x1, s17, s16, $0xb8;
	[tilespmem:$0x2580] =	vst v63  }
0x1a6: {  	_ =	swait.ge [sflag:s18], $0x80  }
0x1a7: {  	[sflag:s18] =	ssyncset.done $0x0  }
0x1a8: {  	[sflag:s18] =	ssyncadd.s32 $0xFFFFFF80  }
0x1a9: {  	_ =	swait.ge [sflag:s18], $0x80  }
0x1aa: {  	[sflag:s18] =	ssyncset.done $0x0  }
0x1ab: {  	[sflag:s18] =	ssyncadd.s32 $0xFFFFFF80  }
0x1ac: {  	_ =	swait.ge [sflag:s18], $0x80  }
0x1ad: {  	[sflag:s18] =	ssyncset.done $0x0  }
0x1ae: {  	[sflag:s18] =	ssyncadd.s32 $0xFFFFFF80  }
0x1af: {  	_ =	swait.ge [sflag:s18], $0x80  }
0x1b0: {  	[sflag:s18] =	ssyncset.done $0x0  }
0x1b1: {  	[sflag:s18] =	ssyncadd.s32 $0xFFFFFF80  }
0x1b2: {  	_ =	swait.ge [sflag:s18], $0x80  }
0x1b3: {  	[sflag:s18] =	ssyncset.done $0x0  }
0x1b4: {  	[sflag:s18] =	ssyncadd.s32 $0xFFFFFF80  }
0x1b5: {  	_ =	swait.ge [sflag:s18], $0x80  }
0x1b6: {  	[sflag:s18] =	ssyncset.done $0x0  }
0x1b7: {  	[sflag:s18] =	ssyncadd.s32 $0xFFFFFF80  }
0x1b8: {  	_ =	swait.ge [sflag:s18], $0x80  }
0x1b9: {  	[sflag:s18] =	ssyncset.done $0x0  }
0x1ba: {  	[sflag:s18] =	ssyncadd.s32 $0xFFFFFF80  }
0x1bb: {  	_ =	swait.ge [sflag:s18], $0x80  }
0x1bc: {  	[sflag:s18] =	ssyncset.done $0x0  }
0x1bd: {  	[sflag:s18] =	ssyncadd.s32 $0xFFFFFF80  }
0x1be: {  	_ =	swait.ge [sflag:s18], $0x80  }
0x1bf: {  	[sflag:s18] =	ssyncset.done $0x0  }
0x1c0: {  	[sflag:s18] =	ssyncadd.s32 $0xFFFFFF80  }
0x1c1: {  	_ =	swait.ge [sflag:s18], $0x80  }
0x1c2: {  	[sflag:s18] =	ssyncset.done $0x0  }
0x1c3: {  	[sflag:s18] =	ssyncadd.s32 $0xFFFFFF80  }
0x1c4: {  	_ =	swait.ge [sflag:s18], $0x80  }
0x1c5: {  	[sflag:s18] =	ssyncset.done $0x0  }
0x1c6: {  	[sflag:s18] =	ssyncadd.s32 $0xFFFFFF80  }
0x1c7: {  	_ =	swait.ge [sflag:s18], $0x80  }
0x1c8: {  	[sflag:s18] =	ssyncset.done $0x0  }
0x1c9: {  	[sflag:s18] =	ssyncadd.s32 $0xFFFFFF80  }
0x1ca: {  	_ =	swait.ge [sflag:s18], $0x80  }
0x1cb: {  	[sflag:s18] =	ssyncset.done $0x0  }
0x1cc: {  	[sflag:s18] =	ssyncadd.s32 $0xFFFFFF80  }
0x1cd: {  	_ =	swait.ge [sflag:s18], $0x80  }
0x1ce: {  	[sflag:s18] =	ssyncset.done $0x0  }
0x1cf: {  	[sflag:s18] =	ssyncadd.s32 $0xFFFFFF80  }
0x1d0: {  	_ =	swait.ge [sflag:s18], $0x80  }
0x1d1: {  	[sflag:s18] =	ssyncset.done $0x0  }
0x1d2: {  	[sflag:s18] =	ssyncadd.s32 $0xFFFFFF80  }
0x1d3: {  	_ =	swait.ge [sflag:s18], $0x80  }
0x1d4: {  	[sflag:s18] =	ssyncset.done $0x0  }
0x1d5: {  	[sflag:s18] =	ssyncadd.s32 $0xFFFFFF80  }
0x1d6: {  	_ =	swait.ge [sflag:s18], $0x80  }
0x1d7: {  	[sflag:s18] =	ssyncset.done $0x0  }
0x1d8: {  	[sflag:s18] =	ssyncadd.s32 $0xFFFFFF80  }
0x1d9: {  	_ =	swait.ge [sflag:s18], $0x80  }
0x1da: {  	[sflag:s18] =	ssyncset.done $0x0  }
0x1db: {  	[sflag:s18] =	ssyncadd.s32 $0xFFFFFF80  }
0x1dc: {  	_ =	swait.ge [sflag:s18], $0x80  }
0x1dd: {  	[sflag:s18] =	ssyncset.done $0x0  }
0x1de: {  	[sflag:s18] =	ssyncadd.s32 $0xFFFFFF80  }
0x1df: {  	_ =	swait.ge [sflag:s18], $0x80  }
0x1e0: {  	[sflag:s18] =	ssyncset.done $0x0  }
0x1e1: {  	[sflag:s18] =	ssyncadd.s32 $0xFFFFFF80  }
0x1e2: {  	_ =	swait.ge [sflag:s18], $0x80  }
0x1e3: {  	[sflag:s18] =	ssyncset.done $0x0  }
0x1e4: {  	[sflag:s18] =	ssyncadd.s32 $0xFFFFFF80  }
0x1e5: {  	_ =	swait.ge [sflag:s18], $0x80  }
0x1e6: {  	[sflag:s18] =	ssyncset.done $0x0  }
0x1e7: {  	[sflag:s18] =	ssyncadd.s32 $0xFFFFFF80  }
0x1e8: {  	_ =	swait.ge [sflag:s18], $0x80  }
0x1e9: {  	[sflag:s18] =	ssyncset.done $0x0  }
0x1ea: {  	[sflag:s18] =	ssyncadd.s32 $0xFFFFFF80  }
0x1eb: {  	_ =	swait.ge [sflag:s18], $0x80  }
0x1ec: {  	[sflag:s18] =	ssyncset.done $0x0  }
0x1ed: {  	[sflag:s18] =	ssyncadd.s32 $0xFFFFFF80  }
0x1ee: {  	_ =	swait.ge [sflag:s18], $0x80  }
0x1ef: {  	[sflag:s18] =	ssyncset.done $0x0  }
0x1f0: {  	[sflag:s18] =	ssyncadd.s32 $0xFFFFFF80  }
0x1f1: {  	_ =	swait.ge [sflag:s18], $0x80  }
0x1f2: {  	[sflag:s18] =	ssyncset.done $0x0  }
0x1f3: {  	[sflag:s18] =	ssyncadd.s32 $0xFFFFFF80  }
0x1f4: {  	_ =	swait.ge [sflag:s18], $0x80  }
0x1f5: {  	[sflag:s18] =	ssyncset.done $0x0  }
0x1f6: {  	[sflag:s18] =	ssyncadd.s32 $0xFFFFFF80  }
0x1f7: {  	_ =	swait.ge [sflag:s18], $0x80  }
0x1f8: {  	[sflag:s18] =	ssyncset.done $0x0  }
0x1f9: {  	[sflag:s18] =	ssyncadd.s32 $0xFFFFFF80  }
0x1fa: {  	_ =	swait.ge [sflag:s18], $0x80  }
0x1fb: {  	[sflag:s18] =	ssyncset.done $0x0  }
0x1fc: {  	[sflag:s18] =	ssyncadd.s32 $0xFFFFFF80  }
0x1fd: {  	_ =	swait.ge [sflag:s18], $0x80  }
0x1fe: {  	[sflag:s18] =	ssyncset.done $0x0  }
0x1ff: {  	[sflag:s18] =	ssyncadd.s32 $0xFFFFFF80  }
0x200: {  	_ =	swait.ge [sflag:s18], $0x80  }
0x201: {  	[sflag:s18] =	ssyncset.done $0x0  }
0x202: {  	[sflag:s18] =	ssyncadd.s32 $0xFFFFFF80  }
0x203: {  	_ =	swait.ge [sflag:s18], $0x80  }
0x204: {  	[sflag:s18] =	ssyncset.done $0x0  }
0x205: {  	[sflag:s18] =	ssyncadd.s32 $0xFFFFFF80  }
0x206: {  	_ =	swait.ge [sflag:s18], $0x80  }
0x207: {  	[sflag:s18] =	ssyncset.done $0x0  }
0x208: {  	[sflag:s18] =	ssyncadd.s32 $0xFFFFFF80  }
0x209: {  	_ =	swait.ge [sflag:s18], $0x80  }
0x20a: {  	[sflag:s18] =	ssyncset.done $0x0  }
0x20b: {  	[sflag:s18] =	ssyncadd.s32 $0xFFFFFF80  }
0x20c: {  	_ =	swait.ge [sflag:s18], $0x80  }
0x20d: {  	[sflag:s18] =	ssyncset.done $0x0  }
0x20e: {  	[sflag:s18] =	ssyncadd.s32 $0xFFFFFF80  }
0x20f: {  	_ =	swait.ge [sflag:s18], $0x80  }
0x210: {  	[sflag:s18] =	ssyncset.done $0x0  }
0x211: {  	[sflag:s18] =	ssyncadd.s32 $0xFFFFFF80  }
0x212: {  	_ =	swait.ge [sflag:s18], $0x80  }
0x213: {  	[sflag:s18] =	ssyncset.done $0x0  }
0x214: {  	[sflag:s18] =	ssyncadd.s32 $0xFFFFFF80  }
0x215: {  	_ =	swait.ge [sflag:s18], $0x80  }
0x216: {  	[sflag:s18] =	ssyncset.done $0x0  }
0x217: {  	[sflag:s18] =	ssyncadd.s32 $0xFFFFFF80  }
0x218: {  	_ =	swait.ge [sflag:s18], $0x80  }
0x219: {  	[sflag:s18] =	ssyncset.done $0x0  }
0x21a: {  	[sflag:s18] =	ssyncadd.s32 $0xFFFFFF80  }
0x21b: {  	_ =	swait.ge [sflag:s18], $0x80  }
0x21c: {  	[sflag:s18] =	ssyncset.done $0x0  }
0x21d: {  	[sflag:s18] =	ssyncadd.s32 $0xFFFFFF80  }
0x21e: {  	_ =	swait.ge [sflag:s18], $0x80  }
0x21f: {  	[sflag:s18] =	ssyncset.done $0x0  }
0x220: {  	[sflag:s18] =	ssyncadd.s32 $0xFFFFFF80  }
0x221: {  	_ =	swait.ge [sflag:s18], $0x80  }
0x222: {  	[sflag:s18] =	ssyncset.done $0x0  }
0x223: {  	[sflag:s18] =	ssyncadd.s32 $0xFFFFFF80  }
0x224: {  	_ =	swait.ge [sflag:s18], $0x80  }
0x225: {  	[sflag:s18] =	ssyncset.done $0x0  }
0x226: {  	[sflag:s18] =	ssyncadd.s32 $0xFFFFFF80  }
0x227: {  	_ =	swait.ge [sflag:s18], $0x80  }
0x228: {  	[sflag:s18] =	ssyncset.done $0x0  }
0x229: {  	[sflag:s18] =	ssyncadd.s32 $0xFFFFFF80  }
0x22a: {  	_ =	swait.ge [sflag:s18], $0x80  }
0x22b: {  	[sflag:s18] =	ssyncset.done $0x0  }
0x22c: {  	[sflag:s18] =	ssyncadd.s32 $0xFFFFFF80  }
0x22d: {  	_ =	swait.ge [sflag:s18], $0x80  }
0x22e: {  	[sflag:s18] =	ssyncset.done $0x0  }
0x22f: {  	[sflag:s18] =	ssyncadd.s32 $0xFFFFFF80  }
0x230: {  	_ =	swait.ge [sflag:s18], $0x80  }
0x231: {  	[sflag:s18] =	ssyncset.done $0x0  }
0x232: {  	[sflag:s18] =	ssyncadd.s32 $0xFFFFFF80  }
0x233: {  	_ =	swait.ge [sflag:s18], $0x80  }
0x234: {  	[sflag:s18] =	ssyncset.done $0x0  }
0x235: {  	[sflag:s18] =	ssyncadd.s32 $0xFFFFFF80  }
0x236: {  	_ =	swait.ge [sflag:s18], $0x80  }
0x237: {  	[sflag:s18] =	ssyncset.done $0x0  }
0x238: {  	[sflag:s18] =	ssyncadd.s32 $0xFFFFFF80  }
0x239: {  	_ =	swait.ge [sflag:s18], $0x80  }
0x23a: {  	[sflag:s18] =	ssyncset.done $0x0;
	s13 =	rddreg [dreg:$0xe]  }
0x23b: {  	[sflag:s18] =	ssyncadd.s32 $0xFFFFFF80;
	s31 =	sadd.s32 s24, s13  }
0x23c: {  	[hbm4b:s31+s6] =	stream.linear.scatter [tilespmem:s7], [sflag:$0x3], $0xC80, $0x38;
	[tilespmem:$0x2580] =	vst v63  }
0x23d: {  	_ =	swait.ge [sflag:s15], $0xC80  }
0x23e: {  	[sflag:s15] =	ssyncset.done $0x0;
	s13 =	rddreg [dreg:$0xf]  }
.Ltmp9:
0x23f: {  	[sflag:s15] =	ssyncadd.s32 $0xFFFFF380;
	s31 =	sadd.s32 s24, s13;
	(pc) =	sbr.rel .LBB2_8-.Ltmp9, $4  }
0x240: {  	[hbm4b:s31+s6] =	stream.linear.scatter [tilespmem:s9], [sflag:$0x2], $0xC80, $0x38;
	[tilespmem:$0x2580] =	vst v63  }
0x241: {  	_ =	swait.ge [sflag:s21], $0xC80  }
0x242: {  	[sflag:s21] =	ssyncset.done $0x0  }
0x243: {  	[sflag:s21] =	ssyncadd.s32 $0xFFFFF380  }
.LBB2_10:
0x244: {  	_ =	sfence.sel $0x180000  }
0x245: {  	[bflag:$0x0] =	sbarrier.arrive $0xFFFF  }
0x246: {  	_ =	strace $0x90000047  }
0x247: {  	s0 =	stileid.u32;
	[bflag:$0x2] =	sbarrier.arrive $0xFFFF  }
0x248: {  	p0 =	sne.s32 s0, $0x0;
	s0 =	rddreg [dreg:$0x7]  }
0x249: {  	s0 =	sadd.s32 @!p0 $0x100000, s0  }
0x24a: {  	[sflag:s0] =	ssyncadd.tile.s32 @!p0 $0x1;
	_ =	shalt  }
.Lfunc_end2:
_tile_overlayer_lowered:
.L_overlay_start_2:
0x24b: {  	(tag) =	ssettag $0x2  }
0x24c: {  	s0 =	rddreg [dreg:$0x0];
	s2 =	stileid.u32  }
0x24d: {  	s1 =	rddreg [dreg:$0x1];
	p0 =	sne.s32 s2, $0x0  }
0x24e: {  	s3 =	rddreg [dreg:$0x2];
	[bflag:$0x3] =	sbarrier.arrive $0xFFFF;
	s2 =	simm.s32 @!p0 $0x1C02  }
0x24f: {  	[timem:s3], [sflag:s2] =	dma.local @!p0 [hbm:s0], s1  }
0x250: {  	s0 =	simm.s32 @!p0 $0x2  }
0x251: {  	_ =	swait.ge @!p0 [sflag:s0], s1  }
0x252: {  	s1 =	ssub.s32 @!p0 $0x0, s1;
	[sflag:s0] =	ssyncset.done @!p0 $0x0  }
0x253: {  	[sflag:s0] =	ssyncadd.s32 @!p0 s1  }
0x254: {  	[bflag:$0x3] =	sbarrier.arrive $0xFFFF  }
0x255: {  	_ =	shalt  }

</sc_bundles>
